<compile_context>
chip_gen: v7x
topology: tpu7x:2x2x1
jax: 0.10.2.dev20260603
libtpu: 0.0.44.dev20260713+nightly
codegen_flags: <defaults>
</compile_context>

<pallas_src>
import functools

import jax
import jax.numpy as jnp
from jax import lax
from jax.experimental import pallas as pl
from jax.experimental.pallas import tpu as pltpu, tpu_sc as plsc

N = 10000
E = 160000
CH = 256
HID = 512
HALF = 128
NC = 2
NS = 16
ROWS_PER_TILE = 624
TAIL_ROWS = N - NS * ROWS_PER_TILE
EDGES_PER_TILE = E // NS
KCH = 80
NCHUNK = EDGES_PER_TILE // KCH

@functools.cache
def _sc_mesh():
    return plsc.VectorSubcoreMesh(core_axis_name="c", subcore_axis_name="s")


def _copy_rows(src_ref, dst_ref, s):
    rows = pl.ds(s * ROWS_PER_TILE, ROWS_PER_TILE)
    pltpu.sync_copy(src_ref.at[rows], dst_ref.at[rows])

    @pl.when(s == 0)
    def _():
        tail = pl.ds(NS * ROWS_PER_TILE, TAIL_ROWS)
        pltpu.sync_copy(src_ref.at[tail], dst_ref.at[tail])


def _deg_body(dst_hbm, zeros_hbm, ones_hbm, deg0_hbm, deg1_hbm,
              dacc, dibuf, di, ones_v):
    c = lax.axis_index("c")
    s = lax.axis_index("s")
    _copy_rows(zeros_hbm, dacc, s)
    pltpu.sync_copy(ones_hbm, ones_v)
    pltpu.sync_copy(dst_hbm.at[pl.ds(s * EDGES_PER_TILE, EDGES_PER_TILE)],
                    dibuf)
    plsc.subcore_barrier()

    def chunk(k, _):
        for jj in range(KCH // 16):
            di[pl.ds(jj * 16, 16)] = dibuf[pl.ds(k * KCH + jj * 16, 16)]
        pltpu.sync_copy(ones_v, dacc.at[di], add=True)
        return 0

    lax.fori_loop(0, NCHUNK, chunk, 0)
    plsc.subcore_barrier()

    @pl.when(c == 0)
    def _():
        _copy_rows(dacc, deg0_hbm, s)

    @pl.when(c == 1)
    def _():
        _copy_rows(dacc, deg1_hbm, s)


@functools.cache
def _deg_kernel():
    return pl.kernel(
        _deg_body,
        out_type=(jax.ShapeDtypeStruct((N, HALF), jnp.float32),
                  jax.ShapeDtypeStruct((N, HALF), jnp.float32)),
        mesh=_sc_mesh(),
        scratch_types=[
            pltpu.VMEM_SHARED((N, HALF), jnp.float32),
            pltpu.VMEM((EDGES_PER_TILE,), jnp.int32),
            pltpu.VMEM((KCH,), jnp.int32),
            pltpu.VMEM((KCH, HALF), jnp.float32),
        ],
    )


def _agg_tile_work(xs_hbm, src_hbm, dst_hbm, out_hbm, acc,
                   sibuf, dibuf, dA, dB, rowsA, rowsB, semA, semB):
    s = lax.axis_index("s")
    _copy_rows(xs_hbm, acc, s)

    base = s * EDGES_PER_TILE
    pltpu.sync_copy(src_hbm.at[pl.ds(base, EDGES_PER_TILE)], sibuf)
    pltpu.sync_copy(dst_hbm.at[pl.ds(base, EDGES_PER_TILE)], dibuf)
    plsc.subcore_barrier()

    def gather(k, rows, sem):
        pltpu.async_copy(xs_hbm.at[sibuf.at[pl.ds(k * KCH, KCH)]], rows, sem)

    def gwait(k, rows, sem):
        pltpu.make_async_copy(xs_hbm.at[sibuf.at[pl.ds(k * KCH, KCH)]],
                              rows, sem).wait()

    def load_d(dsmall, k):
        for jj in range(KCH // 16):
            dsmall[pl.ds(jj * 16, 16)] = dibuf[pl.ds(k * KCH + jj * 16, 16)]

    gather(0, rowsA, semA)

    def step(j, _):
        k0 = 2 * j
        k1 = k0 + 1
        gather(k1, rowsB, semB)
        load_d(dA, k0)
        gwait(k0, rowsA, semA)
        pltpu.sync_copy(rowsA, acc.at[dA], add=True)
        gather(k0 + 2, rowsA, semA)
        load_d(dB, k1)
        gwait(k1, rowsB, semB)
        pltpu.sync_copy(rowsB, acc.at[dB], add=True)
        return 0

    lax.fori_loop(0, NCHUNK // 2, step, 0)
    load_d(dA, NCHUNK - 1)
    gwait(NCHUNK - 1, rowsA, semA)
    pltpu.sync_copy(rowsA, acc.at[dA], add=True)

    plsc.subcore_barrier()
    _copy_rows(acc, out_hbm, s)


def _agg_body(xs_lo_hbm, xs_hi_hbm, src_hbm, dst_hbm, out_lo_hbm, out_hi_hbm,
              acc, sibuf, dibuf, dA, dB, rowsA, rowsB, semA, semB):
    c = lax.axis_index("c")

    @pl.when(c == 0)
    def _():
        _agg_tile_work(xs_lo_hbm, src_hbm, dst_hbm, out_lo_hbm, acc,
                       sibuf, dibuf, dA, dB, rowsA, rowsB, semA, semB)

    @pl.when(c == 1)
    def _():
        _agg_tile_work(xs_hi_hbm, src_hbm, dst_hbm, out_hi_hbm, acc,
                       sibuf, dibuf, dA, dB, rowsA, rowsB, semA, semB)


@functools.cache
def _agg_kernel():
    return pl.kernel(
        _agg_body,
        out_type=(jax.ShapeDtypeStruct((N, HALF), jnp.float32),
                  jax.ShapeDtypeStruct((N, HALF), jnp.float32)),
        mesh=_sc_mesh(),
        scratch_types=[
            pltpu.VMEM_SHARED((N, HALF), jnp.float32),
            pltpu.VMEM((EDGES_PER_TILE,), jnp.int32),
            pltpu.VMEM((EDGES_PER_TILE,), jnp.int32),
            pltpu.VMEM((KCH,), jnp.int32),
            pltpu.VMEM((KCH,), jnp.int32),
            pltpu.VMEM((KCH, HALF), jnp.float32),
            pltpu.VMEM((KCH, HALF), jnp.float32),
            pltpu.SemaphoreType.DMA,
            pltpu.SemaphoreType.DMA,
        ],
    )


_RB = 1000


def _scale_body(x_ref, d0_ref, d1_ref, xs_lo_ref, xs_hi_ref, dinv_ref):
    d = lax.rsqrt(d0_ref[:, :1] + d1_ref[:, :1] + 1.0)
    x = x_ref[...]
    xs_lo_ref[...] = x[:, :HALF] * d
    xs_hi_ref[...] = x[:, HALF:] * d
    dinv_ref[...] = jnp.broadcast_to(d, (_RB, 16))


def _scale_call(x, deg0, deg1):
    return pl.pallas_call(
        _scale_body,
        grid=(N // _RB,),
        in_specs=[
            pl.BlockSpec((_RB, CH), lambda i: (i, 0)),
            pl.BlockSpec((_RB, HALF), lambda i: (i, 0)),
            pl.BlockSpec((_RB, HALF), lambda i: (i, 0)),
        ],
        out_specs=[
            pl.BlockSpec((_RB, HALF), lambda i: (i, 0)),
            pl.BlockSpec((_RB, HALF), lambda i: (i, 0)),
            pl.BlockSpec((_RB, 16), lambda i: (i, 0)),
        ],
        out_shape=[
            jax.ShapeDtypeStruct((N, HALF), jnp.float32),
            jax.ShapeDtypeStruct((N, HALF), jnp.float32),
            jax.ShapeDtypeStruct((N, 16), jnp.float32),
        ],
    )(x, deg0, deg1)


def _mlp_body(alo_ref, ahi_ref, dinv_ref, w1a_ref, w1b_ref, b1_ref, w2_ref,
              gs_lo_ref, gs_hi_ref):
    d = dinv_ref[:, :1]
    tlo = alo_ref[...] * d
    thi = ahi_ref[...] * d
    h = jnp.dot(tlo, w1a_ref[...], preferred_element_type=jnp.float32)
    h += jnp.dot(thi, w1b_ref[...], preferred_element_type=jnp.float32)
    h = jnp.maximum(h + b1_ref[...], 0.0)
    g = jnp.dot(h, w2_ref[...], preferred_element_type=jnp.float32)
    gs_lo_ref[...] = g[:, :HALF] * d
    gs_hi_ref[...] = g[:, HALF:] * d


def _mlp_call(agg_lo, agg_hi, dinv, W1, b1, W2):
    return pl.pallas_call(
        _mlp_body,
        grid=(N // _RB,),
        in_specs=[
            pl.BlockSpec((_RB, HALF), lambda i: (i, 0)),
            pl.BlockSpec((_RB, HALF), lambda i: (i, 0)),
            pl.BlockSpec((_RB, 16), lambda i: (i, 0)),
            pl.BlockSpec((HALF, HID), lambda i: (0, 0)),
            pl.BlockSpec((HALF, HID), lambda i: (0, 0)),
            pl.BlockSpec((1, HID), lambda i: (0, 0)),
            pl.BlockSpec((HID, CH), lambda i: (0, 0)),
        ],
        out_specs=[
            pl.BlockSpec((_RB, HALF), lambda i: (i, 0)),
            pl.BlockSpec((_RB, HALF), lambda i: (i, 0)),
        ],
        out_shape=[
            jax.ShapeDtypeStruct((N, HALF), jnp.float32),
            jax.ShapeDtypeStruct((N, HALF), jnp.float32),
        ],
    )(agg_lo, agg_hi, dinv, W1[:HALF], W1[HALF:], b1.reshape(1, HID), W2)


def _final_body(alo_ref, ahi_ref, dinv_ref, b2_ref, out_ref):
    d = dinv_ref[:, :1]
    out_ref[...] = (
        jnp.concatenate([alo_ref[...] * d, ahi_ref[...] * d], axis=1)
        + b2_ref[...]
    )


def _final_call(agg_lo, agg_hi, dinv, b2):
    return pl.pallas_call(
        _final_body,
        grid=(N // _RB,),
        in_specs=[
            pl.BlockSpec((_RB, HALF), lambda i: (i, 0)),
            pl.BlockSpec((_RB, HALF), lambda i: (i, 0)),
            pl.BlockSpec((_RB, 16), lambda i: (i, 0)),
            pl.BlockSpec((1, CH), lambda i: (0, 0)),
        ],
        out_specs=pl.BlockSpec((_RB, CH), lambda i: (i, 0)),
        out_shape=jax.ShapeDtypeStruct((N, CH), jnp.float32),
    )(agg_lo, agg_hi, dinv, b2.reshape(1, CH))


def kernel(x, edge_index, W1, b1, W2, b2):
    src = edge_index[0].astype(jnp.int32)
    dst = edge_index[1].astype(jnp.int32)

    zeros_init = jnp.zeros((N, HALF), jnp.float32)
    half_rows = jnp.full((KCH, HALF), 0.5, jnp.float32)
    deg0, deg1 = _deg_kernel()(dst, zeros_init, half_rows)
    xs_lo, xs_hi, dinv = _scale_call(x, deg0, deg1)
    agg1_lo, agg1_hi = _agg_kernel()(xs_lo, xs_hi, src, dst)
    gs_lo, gs_hi = _mlp_call(agg1_lo, agg1_hi, dinv, W1, b1, W2)
    agg2_lo, agg2_hi = _agg_kernel()(gs_lo, gs_hi, src, dst)
    return _final_call(agg2_lo, agg2_hi, dinv, b2)

# --- scband reference (transcript-rebuilt; emitter-appended) ---
"""Pipeline reference for scband-gcn-2688649527829 (READ-ONLY COPY).

The authoritative reference and input builder live on the scoring server;
editing this copy changes nothing except your own understanding.
"""

import jax, jax.numpy as jnp
import numpy as np

N_NODES = 10000
N_EDGES = 160000
IN_CH = 256
HID_CH = 512
OUT_CH = 256


def setup_inputs(seed: int = 0) -> dict:
    key = jax.random.key(seed)
    k1, k2, k3, k4, k5, k6 = jax.random.split(key, 6)
    x = jax.random.normal(k1, (N_NODES, IN_CH), dtype=jnp.float32)
    edge_index = jax.random.randint(k2, (2, N_EDGES), 0, N_NODES, dtype=jnp.int64)
    # Glorot-style init for GCNConv linear weights
    W1 = jax.random.normal(k3, (IN_CH, HID_CH), dtype=jnp.float32) * (1.0 / np.sqrt(IN_CH))
    b1 = jnp.zeros((HID_CH,), dtype=jnp.float32)
    W2 = jax.random.normal(k4, (HID_CH, OUT_CH), dtype=jnp.float32) * (1.0 / np.sqrt(HID_CH))
    b2 = jnp.zeros((OUT_CH,), dtype=jnp.float32)
    return {"x": x, "edge_index": edge_index, "W1": W1, "b1": b1, "W2": W2, "b2": b2}


def _gcn_conv(x, src, dst, W, b):
    N = x.shape[0]
    # symmetric normalization deg^{-1/2}[src] * deg^{-1/2}[dst]
    deg = jnp.zeros((N,), dtype=x.dtype).at[dst].add(1.0)
    dinv = jnp.where(deg > 0, deg ** -0.5, 0.0)
    norm = dinv[src] * dinv[dst]
    h = x @ W
    msg = h[src] * norm[:, None]
    out = jnp.zeros((N, h.shape[1]), dtype=x.dtype).at[dst].add(msg)
    return out + b


def reference(x, edge_index, W1, b1, W2, b2):
    N = x.shape[0]
    loop = jnp.arange(N, dtype=edge_index.dtype)
    src = jnp.concatenate([edge_index[0], loop])
    dst = jnp.concatenate([edge_index[1], loop])
    h = _gcn_conv(x, src, dst, W1, b1)
    h = jax.nn.relu(h)
    out = _gcn_conv(h, src, dst, W2, b2)
    return out

if __name__ == "__main__":
    import jax
    _d = setup_inputs()
    print(jax.jit(kernel)(*tuple(_d.values())))

</pallas_src>

<mosaic_0001>
#map = affine_map<(d0, d1) -> (0)>
#map1 = affine_map<(d0, d1) -> (0, 0)>
module attributes {stable_mosaic.version = 14 : i64} {
  func.func @_deg_body(%arg0: i32, %arg1: i32, %arg2: memref<160000xi32, #tpu.memory_space<hbm>>, %arg3: memref<10000x128xf32, #tpu.memory_space<hbm>>, %arg4: memref<80x128xf32, #tpu.memory_space<hbm>>, %arg5: memref<10000x128xf32, #tpu.memory_space<hbm>>, %arg6: memref<10000x128xf32, #tpu.memory_space<hbm>>, %arg7: memref<10000x128xf32, #tpu.memory_space<vmem_shared>>, %arg8: memref<10000xi32, #tpu.memory_space<vmem>>, %arg9: memref<80xi32, #tpu.memory_space<vmem>>, %arg10: memref<80x128xf32, #tpu.memory_space<vmem>>) attributes {dimension_semantics = [#tpu.dimension_semantics<core_parallel>, #tpu.dimension_semantics<subcore_parallel>], iteration_bounds = array<i64: 2, 16>, scalar_prefetch = 0 : i64, scratch_operands = 4 : i64, tpu.core_type = #tpu.core_type<sc_vector_subcore>, window_params = [{transform_indices = #map}, {transform_indices = #map1}, {transform_indices = #map1}, {transform_indices = #map1}, {transform_indices = #map1}]} {
    %mul3A = arith.constant 624 : i32
    %mul3A_0 = arith.muli %arg1, %mul3A : i32
    "tpu.region"() ({
      %run_scoped3A = tpu.sem_alloc : memref<!tpu.dma_semaphore, #tpu.memory_space<semaphore_mem>>
      %dma_start3A = arith.constant 0 : i32
      %dma_start3A_22 = tpu.memref_slice %arg7[%mul3A_0, %dma_start3A] : memref<10000x128xf32, #tpu.memory_space<vmem_shared>> -> memref<624x128xf32, #tpu.memory_space<vmem_shared>>
      %dma_start3A_23 = arith.constant 0 : i32
      %dma_start3A_24 = tpu.memref_slice %arg3[%mul3A_0, %dma_start3A_23] : memref<10000x128xf32, #tpu.memory_space<hbm>> -> memref<624x128xf32, #tpu.memory_space<hbm>>
      tpu.enqueue_dma source(%dma_start3A_24 : memref<624x128xf32, #tpu.memory_space<hbm>>) target(%dma_start3A_22 : memref<624x128xf32, #tpu.memory_space<vmem_shared>>) target_semaphore(%run_scoped3A : memref<!tpu.dma_semaphore, #tpu.memory_space<semaphore_mem>>)
      %dma_wait3A = arith.constant 0 : i32
      %dma_wait3A_25 = tpu.memref_slice %arg7[%mul3A_0, %dma_wait3A] : memref<10000x128xf32, #tpu.memory_space<vmem_shared>> -> memref<624x128xf32, #tpu.memory_space<vmem_shared>>
      %dma_wait3A_26 = arith.constant 0 : i32
      %dma_wait3A_27 = tpu.memref_slice %arg3[%mul3A_0, %dma_wait3A_26] : memref<10000x128xf32, #tpu.memory_space<hbm>> -> memref<624x128xf32, #tpu.memory_space<hbm>>
      tpu.wait_dma2 semaphore(%run_scoped3A : memref<!tpu.dma_semaphore, #tpu.memory_space<semaphore_mem>>) src(%dma_wait3A_27 : memref<624x128xf32, #tpu.memory_space<hbm>>) dst(%dma_wait3A_25 : memref<624x128xf32, #tpu.memory_space<vmem_shared>>)
      tpu.yield
    }) : () -> ()
    %eq3A = arith.constant 0 : i32
    %eq3A_1 = arith.cmpi eq, %arg1, %eq3A : i32
    %convert_element_type3A = arith.extui %eq3A_1 : i1 to i32
    %cond3A = arith.constant 0 : i32
    %cond3A_2 = arith.cmpi ne, %convert_element_type3A, %cond3A : i32
    scf.if %cond3A_2 {
      "tpu.region"() ({
        %run_scoped3A = tpu.sem_alloc : memref<!tpu.dma_semaphore, #tpu.memory_space<semaphore_mem>>
        %dma_start3A = arith.constant 9984 : i32
        %dma_start3A_22 = arith.constant 0 : i32
        %dma_start3A_23 = tpu.memref_slice %arg7[%dma_start3A, %dma_start3A_22] : memref<10000x128xf32, #tpu.memory_space<vmem_shared>> -> memref<16x128xf32, #tpu.memory_space<vmem_shared>>
        %dma_start3A_24 = arith.constant 9984 : i32
        %dma_start3A_25 = arith.constant 0 : i32
        %dma_start3A_26 = tpu.memref_slice %arg3[%dma_start3A_24, %dma_start3A_25] : memref<10000x128xf32, #tpu.memory_space<hbm>> -> memref<16x128xf32, #tpu.memory_space<hbm>>
        tpu.enqueue_dma source(%dma_start3A_26 : memref<16x128xf32, #tpu.memory_space<hbm>>) target(%dma_start3A_23 : memref<16x128xf32, #tpu.memory_space<vmem_shared>>) target_semaphore(%run_scoped3A : memref<!tpu.dma_semaphore, #tpu.memory_space<semaphore_mem>>)
        %dma_wait3A = arith.constant 9984 : i32
        %dma_wait3A_27 = arith.constant 0 : i32
        %dma_wait3A_28 = tpu.memref_slice %arg7[%dma_wait3A, %dma_wait3A_27] : memref<10000x128xf32, #tpu.memory_space<vmem_shared>> -> memref<16x128xf32, #tpu.memory_space<vmem_shared>>
        %dma_wait3A_29 = arith.constant 9984 : i32
        %dma_wait3A_30 = arith.constant 0 : i32
        %dma_wait3A_31 = tpu.memref_slice %arg3[%dma_wait3A_29, %dma_wait3A_30] : memref<10000x128xf32, #tpu.memory_space<hbm>> -> memref<16x128xf32, #tpu.memory_space<hbm>>
        tpu.wait_dma2 semaphore(%run_scoped3A : memref<!tpu.dma_semaphore, #tpu.memory_space<semaphore_mem>>) src(%dma_wait3A_31 : memref<16x128xf32, #tpu.memory_space<hbm>>) dst(%dma_wait3A_28 : memref<16x128xf32, #tpu.memory_space<vmem_shared>>)
        tpu.yield
      }) : () -> ()
    } else {
    }
    "tpu.region"() ({
      %run_scoped3A = tpu.sem_alloc : memref<!tpu.dma_semaphore, #tpu.memory_space<semaphore_mem>>
      tpu.enqueue_dma source(%arg4 : memref<80x128xf32, #tpu.memory_space<hbm>>) target(%arg10 : memref<80x128xf32, #tpu.memory_space<vmem>>) target_semaphore(%run_scoped3A : memref<!tpu.dma_semaphore, #tpu.memory_space<semaphore_mem>>)
      tpu.wait_dma2 semaphore(%run_scoped3A : memref<!tpu.dma_semaphore, #tpu.memory_space<semaphore_mem>>) src(%arg4 : memref<80x128xf32, #tpu.memory_space<hbm>>) dst(%arg10 : memref<80x128xf32, #tpu.memory_space<vmem>>)
      tpu.yield
    }) : () -> ()
    %mul3A_3 = arith.constant 10000 : i32
    %mul3A_4 = arith.muli %arg1, %mul3A_3 : i32
    "tpu.region"() ({
      %run_scoped3A = tpu.sem_alloc : memref<!tpu.dma_semaphore, #tpu.memory_space<semaphore_mem>>
      %dma_start3A = tpu.memref_slice %arg2[%mul3A_4] : memref<160000xi32, #tpu.memory_space<hbm>> -> memref<10000xi32, #tpu.memory_space<hbm>>
      %dma_start3A_22 = tpu.memref_slice %arg2[%mul3A_4] : memref<160000xi32, #tpu.memory_space<hbm>> -> memref<10000xi32, #tpu.memory_space<hbm>>
      tpu.enqueue_dma source(%dma_start3A_22 : memref<10000xi32, #tpu.memory_space<hbm>>) target(%arg8 : memref<10000xi32, #tpu.memory_space<vmem>>) target_semaphore(%run_scoped3A : memref<!tpu.dma_semaphore, #tpu.memory_space<semaphore_mem>>)
      %dma_wait3A = tpu.memref_slice %arg2[%mul3A_4] : memref<160000xi32, #tpu.memory_space<hbm>> -> memref<10000xi32, #tpu.memory_space<hbm>>
      %dma_wait3A_23 = tpu.memref_slice %arg2[%mul3A_4] : memref<160000xi32, #tpu.memory_space<hbm>> -> memref<10000xi32, #tpu.memory_space<hbm>>
      tpu.wait_dma2 semaphore(%run_scoped3A : memref<!tpu.dma_semaphore, #tpu.memory_space<semaphore_mem>>) src(%dma_wait3A_23 : memref<10000xi32, #tpu.memory_space<hbm>>) dst(%arg8 : memref<10000xi32, #tpu.memory_space<vmem>>)
      tpu.yield
    }) : () -> ()
    %barrier3A = arith.constant 0 : index
    tpu.barrier barrier_id(%barrier3A)
    %scan3A = arith.constant 0 : i32
    %scan3A_5 = arith.constant 0 : i32
    %scan3A_6 = arith.constant 125 : i32
    %scan3A_7 = arith.addi %scan3A_5, %scan3A_6 : i32
    %scan3A_8 = arith.constant 1 : i32
    %scan3A_9 = scf.for %scan3A_22 = %scan3A_5 to %scan3A_7 step %scan3A_8 iter_args(%scan3A_23 = %scan3A) -> (i32)  : i32 {
      %mul3A_24 = arith.constant 80 : i32
      %mul3A_25 = arith.muli %scan3A_22, %mul3A_24 : i32
      %add3A = arith.constant 0 : i32
      %add3A_26 = arith.addi %mul3A_25, %add3A : i32
      %get3A = arith.index_cast %add3A_26 : i32 to index
      %get3A_27 = tpu.vector_load %arg8[%get3A] {strides = array<i32>} : memref<10000xi32, #tpu.memory_space<vmem>>, vector<16xi32>,
      %get3A_28 = vector.shape_cast %get3A_27 : vector<16xi32> to vector<16xi32>
      %swap3A = arith.constant 0 : index
      %swap3A_29 = tpu.vector_load %arg9[%swap3A] {strides = array<i32>} : memref<80xi32, #tpu.memory_space<vmem>>, vector<16xi32>,
      %swap3A_30 = vector.shape_cast %swap3A_29 : vector<16xi32> to vector<16xi32>
      %swap3A_31 = vector.shape_cast %get3A_28 : vector<16xi32> to vector<16xi32>
      tpu.vector_store %arg9[%swap3A], %swap3A_31 {strides = array<i32>} : memref<80xi32, #tpu.memory_space<vmem>>, vector<16xi32>,
      %mul3A_32 = arith.constant 80 : i32
      %mul3A_33 = arith.muli %scan3A_22, %mul3A_32 : i32
      %add3A_34 = arith.constant 16 : i32
      %add3A_35 = arith.addi %mul3A_33, %add3A_34 : i32
      %get3A_36 = arith.index_cast %add3A_35 : i32 to index
      %get3A_37 = tpu.vector_load %arg8[%get3A_36] {strides = array<i32>} : memref<10000xi32, #tpu.memory_space<vmem>>, vector<16xi32>,
      %get3A_38 = vector.shape_cast %get3A_37 : vector<16xi32> to vector<16xi32>
      %swap3A_39 = arith.constant 16 : index
      %swap3A_40 = tpu.vector_load %arg9[%swap3A_39] {strides = array<i32>} : memref<80xi32, #tpu.memory_space<vmem>>, vector<16xi32>,
      %swap3A_41 = vector.shape_cast %swap3A_40 : vector<16xi32> to vector<16xi32>
      %swap3A_42 = vector.shape_cast %get3A_38 : vector<16xi32> to vector<16xi32>
      tpu.vector_store %arg9[%swap3A_39], %swap3A_42 {strides = array<i32>} : memref<80xi32, #tpu.memory_space<vmem>>, vector<16xi32>,
      %mul3A_43 = arith.constant 80 : i32
      %mul3A_44 = arith.muli %scan3A_22, %mul3A_43 : i32
      %add3A_45 = arith.constant 32 : i32
      %add3A_46 = arith.addi %mul3A_44, %add3A_45 : i32
      %get3A_47 = arith.index_cast %add3A_46 : i32 to index
      %get3A_48 = tpu.vector_load %arg8[%get3A_47] {strides = array<i32>} : memref<10000xi32, #tpu.memory_space<vmem>>, vector<16xi32>,
      %get3A_49 = vector.shape_cast %get3A_48 : vector<16xi32> to vector<16xi32>
      %swap3A_50 = arith.constant 32 : index
      %swap3A_51 = tpu.vector_load %arg9[%swap3A_50] {strides = array<i32>} : memref<80xi32, #tpu.memory_space<vmem>>, vector<16xi32>,
      %swap3A_52 = vector.shape_cast %swap3A_51 : vector<16xi32> to vector<16xi32>
      %swap3A_53 = vector.shape_cast %get3A_49 : vector<16xi32> to vector<16xi32>
      tpu.vector_store %arg9[%swap3A_50], %swap3A_53 {strides = array<i32>} : memref<80xi32, #tpu.memory_space<vmem>>, vector<16xi32>,
      %mul3A_54 = arith.constant 80 : i32
      %mul3A_55 = arith.muli %scan3A_22, %mul3A_54 : i32
      %add3A_56 = arith.constant 48 : i32
      %add3A_57 = arith.addi %mul3A_55, %add3A_56 : i32
      %get3A_58 = arith.index_cast %add3A_57 : i32 to index
      %get3A_59 = tpu.vector_load %arg8[%get3A_58] {strides = array<i32>} : memref<10000xi32, #tpu.memory_space<vmem>>, vector<16xi32>,
      %get3A_60 = vector.shape_cast %get3A_59 : vector<16xi32> to vector<16xi32>
      %swap3A_61 = arith.constant 48 : index
      %swap3A_62 = tpu.vector_load %arg9[%swap3A_61] {strides = array<i32>} : memref<80xi32, #tpu.memory_space<vmem>>, vector<16xi32>,
      %swap3A_63 = vector.shape_cast %swap3A_62 : vector<16xi32> to vector<16xi32>
      %swap3A_64 = vector.shape_cast %get3A_60 : vector<16xi32> to vector<16xi32>
      tpu.vector_store %arg9[%swap3A_61], %swap3A_64 {strides = array<i32>} : memref<80xi32, #tpu.memory_space<vmem>>, vector<16xi32>,
      %mul3A_65 = arith.constant 80 : i32
      %mul3A_66 = arith.muli %scan3A_22, %mul3A_65 : i32
      %add3A_67 = arith.constant 64 : i32
      %add3A_68 = arith.addi %mul3A_66, %add3A_67 : i32
      %get3A_69 = arith.index_cast %add3A_68 : i32 to index
      %get3A_70 = tpu.vector_load %arg8[%get3A_69] {strides = array<i32>} : memref<10000xi32, #tpu.memory_space<vmem>>, vector<16xi32>,
      %get3A_71 = vector.shape_cast %get3A_70 : vector<16xi32> to vector<16xi32>
      %swap3A_72 = arith.constant 64 : index
      %swap3A_73 = tpu.vector_load %arg9[%swap3A_72] {strides = array<i32>} : memref<80xi32, #tpu.memory_space<vmem>>, vector<16xi32>,
      %swap3A_74 = vector.shape_cast %swap3A_73 : vector<16xi32> to vector<16xi32>
      %swap3A_75 = vector.shape_cast %get3A_71 : vector<16xi32> to vector<16xi32>
      tpu.vector_store %arg9[%swap3A_72], %swap3A_75 {strides = array<i32>} : memref<80xi32, #tpu.memory_space<vmem>>, vector<16xi32>,
      "tpu.region"() ({
        %run_scoped3A = tpu.sem_alloc : memref<!tpu.dma_semaphore, #tpu.memory_space<semaphore_mem>>
        %dma_start3A = arith.constant 0 : i32
        %dma_start3A_77 = arith.constant 0 : i32
        %dma_start3A_78 = tpu.memref_slice %arg7[%dma_start3A, %dma_start3A_77] : memref<10000x128xf32, #tpu.memory_space<vmem_shared>> -> memref<10000x128xf32, #tpu.memory_space<vmem_shared>>
        tpu.enqueue_indirect_dma source(%arg10 : memref<80x128xf32, #tpu.memory_space<vmem>>) target(%dma_start3A_78 : memref<10000x128xf32, #tpu.memory_space<vmem_shared>>) offsets(%arg9 : memref<80xi32, #tpu.memory_space<vmem>>) semaphore(%run_scoped3A : memref<!tpu.dma_semaphore, #tpu.memory_space<semaphore_mem>>) {add = true}
        %dma_wait3A = arith.constant 0 : i32
        %dma_wait3A_79 = arith.constant 0 : i32
        %dma_wait3A_80 = tpu.memref_slice %arg7[%dma_wait3A, %dma_wait3A_79] : memref<10000x128xf32, #tpu.memory_space<vmem_shared>> -> memref<10000x128xf32, #tpu.memory_space<vmem_shared>>
        tpu.wait_indirect_dma semaphore(%run_scoped3A : memref<!tpu.dma_semaphore, #tpu.memory_space<semaphore_mem>>) src(%arg10 : memref<80x128xf32, #tpu.memory_space<vmem>>) dst(%dma_wait3A_80 : memref<10000x128xf32, #tpu.memory_space<vmem_shared>>)
        tpu.yield
      }) : () -> ()
      %scan3A_76 = arith.constant 0 : i32
      scf.yield %scan3A_76 : i32
    }
    %scan3A_10 = arith.constant 125 : i32
    %barrier3A_11 = arith.constant 0 : index
    tpu.barrier barrier_id(%barrier3A_11)
    %eq3A_12 = arith.constant 0 : i32
    %eq3A_13 = arith.cmpi eq, %arg0, %eq3A_12 : i32
    %convert_element_type3A_14 = arith.extui %eq3A_13 : i1 to i32
    %cond3A_15 = arith.constant 0 : i32
    %cond3A_16 = arith.cmpi ne, %convert_element_type3A_14, %cond3A_15 : i32
    scf.if %cond3A_16 {
      %mul3A_22 = arith.constant 624 : i32
      %mul3A_23 = arith.muli %arg1, %mul3A_22 : i32
      "tpu.region"() ({
        %run_scoped3A = tpu.sem_alloc : memref<!tpu.dma_semaphore, #tpu.memory_space<semaphore_mem>>
        %dma_start3A = arith.constant 0 : i32
        %dma_start3A_29 = tpu.memref_slice %arg5[%mul3A_23, %dma_start3A] : memref<10000x128xf32, #tpu.memory_space<hbm>> -> memref<624x128xf32, #tpu.memory_space<hbm>>
        %dma_start3A_30 = arith.constant 0 : i32
        %dma_start3A_31 = tpu.memref_slice %arg7[%mul3A_23, %dma_start3A_30] : memref<10000x128xf32, #tpu.memory_space<vmem_shared>> -> memref<624x128xf32, #tpu.memory_space<vmem_shared>>
        tpu.enqueue_dma source(%dma_start3A_31 : memref<624x128xf32, #tpu.memory_space<vmem_shared>>) target(%dma_start3A_29 : memref<624x128xf32, #tpu.memory_space<hbm>>) target_semaphore(%run_scoped3A : memref<!tpu.dma_semaphore, #tpu.memory_space<semaphore_mem>>)
        %dma_wait3A = arith.constant 0 : i32
        %dma_wait3A_32 = tpu.memref_slice %arg5[%mul3A_23, %dma_wait3A] : memref<10000x128xf32, #tpu.memory_space<hbm>> -> memref<624x128xf32, #tpu.memory_space<hbm>>
        %dma_wait3A_33 = arith.constant 0 : i32
        %dma_wait3A_34 = tpu.memref_slice %arg7[%mul3A_23, %dma_wait3A_33] : memref<10000x128xf32, #tpu.memory_space<vmem_shared>> -> memref<624x128xf32, #tpu.memory_space<vmem_shared>>
        tpu.wait_dma2 semaphore(%run_scoped3A : memref<!tpu.dma_semaphore, #tpu.memory_space<semaphore_mem>>) src(%dma_wait3A_34 : memref<624x128xf32, #tpu.memory_space<vmem_shared>>) dst(%dma_wait3A_32 : memref<624x128xf32, #tpu.memory_space<hbm>>)
        tpu.yield
      }) : () -> ()
      %eq3A_24 = arith.constant 0 : i32
      %eq3A_25 = arith.cmpi eq, %arg1, %eq3A_24 : i32
      %convert_element_type3A_26 = arith.extui %eq3A_25 : i1 to i32
      %cond3A_27 = arith.constant 0 : i32
      %cond3A_28 = arith.cmpi ne, %convert_element_type3A_26, %cond3A_27 : i32
      scf.if %cond3A_28 {
        "tpu.region"() ({
          %run_scoped3A = tpu.sem_alloc : memref<!tpu.dma_semaphore, #tpu.memory_space<semaphore_mem>>
          %dma_start3A = arith.constant 9984 : i32
          %dma_start3A_29 = arith.constant 0 : i32
          %dma_start3A_30 = tpu.memref_slice %arg5[%dma_start3A, %dma_start3A_29] : memref<10000x128xf32, #tpu.memory_space<hbm>> -> memref<16x128xf32, #tpu.memory_space<hbm>>
          %dma_start3A_31 = arith.constant 9984 : i32
          %dma_start3A_32 = arith.constant 0 : i32
          %dma_start3A_33 = tpu.memref_slice %arg7[%dma_start3A_31, %dma_start3A_32] : memref<10000x128xf32, #tpu.memory_space<vmem_shared>> -> memref<16x128xf32, #tpu.memory_space<vmem_shared>>
          tpu.enqueue_dma source(%dma_start3A_33 : memref<16x128xf32, #tpu.memory_space<vmem_shared>>) target(%dma_start3A_30 : memref<16x128xf32, #tpu.memory_space<hbm>>) target_semaphore(%run_scoped3A : memref<!tpu.dma_semaphore, #tpu.memory_space<semaphore_mem>>)
          %dma_wait3A = arith.constant 9984 : i32
          %dma_wait3A_34 = arith.constant 0 : i32
          %dma_wait3A_35 = tpu.memref_slice %arg5[%dma_wait3A, %dma_wait3A_34] : memref<10000x128xf32, #tpu.memory_space<hbm>> -> memref<16x128xf32, #tpu.memory_space<hbm>>
          %dma_wait3A_36 = arith.constant 9984 : i32
          %dma_wait3A_37 = arith.constant 0 : i32
          %dma_wait3A_38 = tpu.memref_slice %arg7[%dma_wait3A_36, %dma_wait3A_37] : memref<10000x128xf32, #tpu.memory_space<vmem_shared>> -> memref<16x128xf32, #tpu.memory_space<vmem_shared>>
          tpu.wait_dma2 semaphore(%run_scoped3A : memref<!tpu.dma_semaphore, #tpu.memory_space<semaphore_mem>>) src(%dma_wait3A_38 : memref<16x128xf32, #tpu.memory_space<vmem_shared>>) dst(%dma_wait3A_35 : memref<16x128xf32, #tpu.memory_space<hbm>>)
          tpu.yield
        }) : () -> ()
      } else {
      }
    } else {
    }
    %eq3A_17 = arith.constant 1 : i32
    %eq3A_18 = arith.cmpi eq, %arg0, %eq3A_17 : i32
    %convert_element_type3A_19 = arith.extui %eq3A_18 : i1 to i32
    %cond3A_20 = arith.constant 0 : i32
    %cond3A_21 = arith.cmpi ne, %convert_element_type3A_19, %cond3A_20 : i32
    scf.if %cond3A_21 {
      %mul3A_22 = arith.constant 624 : i32
      %mul3A_23 = arith.muli %arg1, %mul3A_22 : i32
      "tpu.region"() ({
        %run_scoped3A = tpu.sem_alloc : memref<!tpu.dma_semaphore, #tpu.memory_space<semaphore_mem>>
        %dma_start3A = arith.constant 0 : i32
        %dma_start3A_29 = tpu.memref_slice %arg6[%mul3A_23, %dma_start3A] : memref<10000x128xf32, #tpu.memory_space<hbm>> -> memref<624x128xf32, #tpu.memory_space<hbm>>
        %dma_start3A_30 = arith.constant 0 : i32
        %dma_start3A_31 = tpu.memref_slice %arg7[%mul3A_23, %dma_start3A_30] : memref<10000x128xf32, #tpu.memory_space<vmem_shared>> -> memref<624x128xf32, #tpu.memory_space<vmem_shared>>
        tpu.enqueue_dma source(%dma_start3A_31 : memref<624x128xf32, #tpu.memory_space<vmem_shared>>) target(%dma_start3A_29 : memref<624x128xf32, #tpu.memory_space<hbm>>) target_semaphore(%run_scoped3A : memref<!tpu.dma_semaphore, #tpu.memory_space<semaphore_mem>>)
        %dma_wait3A = arith.constant 0 : i32
        %dma_wait3A_32 = tpu.memref_slice %arg6[%mul3A_23, %dma_wait3A] : memref<10000x128xf32, #tpu.memory_space<hbm>> -> memref<624x128xf32, #tpu.memory_space<hbm>>
        %dma_wait3A_33 = arith.constant 0 : i32
        %dma_wait3A_34 = tpu.memref_slice %arg7[%mul3A_23, %dma_wait3A_33] : memref<10000x128xf32, #tpu.memory_space<vmem_shared>> -> memref<624x128xf32, #tpu.memory_space<vmem_shared>>
        tpu.wait_dma2 semaphore(%run_scoped3A : memref<!tpu.dma_semaphore, #tpu.memory_space<semaphore_mem>>) src(%dma_wait3A_34 : memref<624x128xf32, #tpu.memory_space<vmem_shared>>) dst(%dma_wait3A_32 : memref<624x128xf32, #tpu.memory_space<hbm>>)
        tpu.yield
      }) : () -> ()
      %eq3A_24 = arith.constant 0 : i32
      %eq3A_25 = arith.cmpi eq, %arg1, %eq3A_24 : i32
      %convert_element_type3A_26 = arith.extui %eq3A_25 : i1 to i32
      %cond3A_27 = arith.constant 0 : i32
      %cond3A_28 = arith.cmpi ne, %convert_element_type3A_26, %cond3A_27 : i32
      scf.if %cond3A_28 {
        "tpu.region"() ({
          %run_scoped3A = tpu.sem_alloc : memref<!tpu.dma_semaphore, #tpu.memory_space<semaphore_mem>>
          %dma_start3A = arith.constant 9984 : i32
          %dma_start3A_29 = arith.constant 0 : i32
          %dma_start3A_30 = tpu.memref_slice %arg6[%dma_start3A, %dma_start3A_29] : memref<10000x128xf32, #tpu.memory_space<hbm>> -> memref<16x128xf32, #tpu.memory_space<hbm>>
          %dma_start3A_31 = arith.constant 9984 : i32
          %dma_start3A_32 = arith.constant 0 : i32
          %dma_start3A_33 = tpu.memref_slice %arg7[%dma_start3A_31, %dma_start3A_32] : memref<10000x128xf32, #tpu.memory_space<vmem_shared>> -> memref<16x128xf32, #tpu.memory_space<vmem_shared>>
          tpu.enqueue_dma source(%dma_start3A_33 : memref<16x128xf32, #tpu.memory_space<vmem_shared>>) target(%dma_start3A_30 : memref<16x128xf32, #tpu.memory_space<hbm>>) target_semaphore(%run_scoped3A : memref<!tpu.dma_semaphore, #tpu.memory_space<semaphore_mem>>)
          %dma_wait3A = arith.constant 9984 : i32
          %dma_wait3A_34 = arith.constant 0 : i32
          %dma_wait3A_35 = tpu.memref_slice %arg6[%dma_wait3A, %dma_wait3A_34] : memref<10000x128xf32, #tpu.memory_space<hbm>> -> memref<16x128xf32, #tpu.memory_space<hbm>>
          %dma_wait3A_36 = arith.constant 9984 : i32
          %dma_wait3A_37 = arith.constant 0 : i32
          %dma_wait3A_38 = tpu.memref_slice %arg7[%dma_wait3A_36, %dma_wait3A_37] : memref<10000x128xf32, #tpu.memory_space<vmem_shared>> -> memref<16x128xf32, #tpu.memory_space<vmem_shared>>
          tpu.wait_dma2 semaphore(%run_scoped3A : memref<!tpu.dma_semaphore, #tpu.memory_space<semaphore_mem>>) src(%dma_wait3A_38 : memref<16x128xf32, #tpu.memory_space<vmem_shared>>) dst(%dma_wait3A_35 : memref<16x128xf32, #tpu.memory_space<hbm>>)
          tpu.yield
        }) : () -> ()
      } else {
      }
    } else {
    }
    return
  }
}

#map = affine_map<(d0, d1) -> (0, 0)>
#map1 = affine_map<(d0, d1) -> (0)>
module attributes {stable_mosaic.version = 14 : i64} {
  func.func @_agg_body(%arg0: i32, %arg1: i32, %arg2: memref<10000x128xf32, #tpu.memory_space<hbm>>, %arg3: memref<10000x128xf32, #tpu.memory_space<hbm>>, %arg4: memref<160000xi32, #tpu.memory_space<hbm>>, %arg5: memref<160000xi32, #tpu.memory_space<hbm>>, %arg6: memref<10000x128xf32, #tpu.memory_space<hbm>>, %arg7: memref<10000x128xf32, #tpu.memory_space<hbm>>, %arg8: memref<10000x128xf32, #tpu.memory_space<vmem_shared>>, %arg9: memref<10000xi32, #tpu.memory_space<vmem>>, %arg10: memref<10000xi32, #tpu.memory_space<vmem>>, %arg11: memref<80xi32, #tpu.memory_space<vmem>>, %arg12: memref<80xi32, #tpu.memory_space<vmem>>, %arg13: memref<80x128xf32, #tpu.memory_space<vmem>>, %arg14: memref<80x128xf32, #tpu.memory_space<vmem>>, %arg15: memref<!tpu.dma_semaphore, #tpu.memory_space<semaphore_mem>>, %arg16: memref<!tpu.dma_semaphore, #tpu.memory_space<semaphore_mem>>) attributes {dimension_semantics = [#tpu.dimension_semantics<core_parallel>, #tpu.dimension_semantics<subcore_parallel>], iteration_bounds = array<i64: 2, 16>, scalar_prefetch = 0 : i64, scratch_operands = 9 : i64, tpu.core_type = #tpu.core_type<sc_vector_subcore>, window_params = [{transform_indices = #map}, {transform_indices = #map}, {transform_indices = #map1}, {transform_indices = #map1}, {transform_indices = #map}, {transform_indices = #map}]} {
    %eq3A = arith.constant 0 : i32
    %eq3A_0 = arith.cmpi eq, %arg0, %eq3A : i32
    %convert_element_type3A = arith.extui %eq3A_0 : i1 to i32
    %cond3A = arith.constant 0 : i32
    %cond3A_1 = arith.cmpi ne, %convert_element_type3A, %cond3A : i32
    scf.if %cond3A_1 {
      %mul3A = arith.constant 624 : i32
      %mul3A_7 = arith.muli %arg1, %mul3A : i32
      "tpu.region"() ({
        %run_scoped3A = tpu.sem_alloc : memref<!tpu.dma_semaphore, #tpu.memory_space<semaphore_mem>>
        %dma_start3A_70 = arith.constant 0 : i32
        %dma_start3A_71 = tpu.memref_slice %arg8[%mul3A_7, %dma_start3A_70] : memref<10000x128xf32, #tpu.memory_space<vmem_shared>> -> memref<624x128xf32, #tpu.memory_space<vmem_shared>>
        %dma_start3A_72 = arith.constant 0 : i32
        %dma_start3A_73 = tpu.memref_slice %arg2[%mul3A_7, %dma_start3A_72] : memref<10000x128xf32, #tpu.memory_space<hbm>> -> memref<624x128xf32, #tpu.memory_space<hbm>>
        tpu.enqueue_dma source(%dma_start3A_73 : memref<624x128xf32, #tpu.memory_space<hbm>>) target(%dma_start3A_71 : memref<624x128xf32, #tpu.memory_space<vmem_shared>>) target_semaphore(%run_scoped3A : memref<!tpu.dma_semaphore, #tpu.memory_space<semaphore_mem>>)
        %dma_wait3A_74 = arith.constant 0 : i32
        %dma_wait3A_75 = tpu.memref_slice %arg8[%mul3A_7, %dma_wait3A_74] : memref<10000x128xf32, #tpu.memory_space<vmem_shared>> -> memref<624x128xf32, #tpu.memory_space<vmem_shared>>
        %dma_wait3A_76 = arith.constant 0 : i32
        %dma_wait3A_77 = tpu.memref_slice %arg2[%mul3A_7, %dma_wait3A_76] : memref<10000x128xf32, #tpu.memory_space<hbm>> -> memref<624x128xf32, #tpu.memory_space<hbm>>
        tpu.wait_dma2 semaphore(%run_scoped3A : memref<!tpu.dma_semaphore, #tpu.memory_space<semaphore_mem>>) src(%dma_wait3A_77 : memref<624x128xf32, #tpu.memory_space<hbm>>) dst(%dma_wait3A_75 : memref<624x128xf32, #tpu.memory_space<vmem_shared>>)
        tpu.yield
      }) : () -> ()
      %eq3A_8 = arith.constant 0 : i32
      %eq3A_9 = arith.cmpi eq, %arg1, %eq3A_8 : i32
      %convert_element_type3A_10 = arith.extui %eq3A_9 : i1 to i32
      %cond3A_11 = arith.constant 0 : i32
      %cond3A_12 = arith.cmpi ne, %convert_element_type3A_10, %cond3A_11 : i32
      scf.if %cond3A_12 {
        "tpu.region"() ({
          %run_scoped3A = tpu.sem_alloc : memref<!tpu.dma_semaphore, #tpu.memory_space<semaphore_mem>>
          %dma_start3A_70 = arith.constant 9984 : i32
          %dma_start3A_71 = arith.constant 0 : i32
          %dma_start3A_72 = tpu.memref_slice %arg8[%dma_start3A_70, %dma_start3A_71] : memref<10000x128xf32, #tpu.memory_space<vmem_shared>> -> memref<16x128xf32, #tpu.memory_space<vmem_shared>>
          %dma_start3A_73 = arith.constant 9984 : i32
          %dma_start3A_74 = arith.constant 0 : i32
          %dma_start3A_75 = tpu.memref_slice %arg2[%dma_start3A_73, %dma_start3A_74] : memref<10000x128xf32, #tpu.memory_space<hbm>> -> memref<16x128xf32, #tpu.memory_space<hbm>>
          tpu.enqueue_dma source(%dma_start3A_75 : memref<16x128xf32, #tpu.memory_space<hbm>>) target(%dma_start3A_72 : memref<16x128xf32, #tpu.memory_space<vmem_shared>>) target_semaphore(%run_scoped3A : memref<!tpu.dma_semaphore, #tpu.memory_space<semaphore_mem>>)
          %dma_wait3A_76 = arith.constant 9984 : i32
          %dma_wait3A_77 = arith.constant 0 : i32
          %dma_wait3A_78 = tpu.memref_slice %arg8[%dma_wait3A_76, %dma_wait3A_77] : memref<10000x128xf32, #tpu.memory_space<vmem_shared>> -> memref<16x128xf32, #tpu.memory_space<vmem_shared>>
          %dma_wait3A_79 = arith.constant 9984 : i32
          %dma_wait3A_80 = arith.constant 0 : i32
          %dma_wait3A_81 = tpu.memref_slice %arg2[%dma_wait3A_79, %dma_wait3A_80] : memref<10000x128xf32, #tpu.memory_space<hbm>> -> memref<16x128xf32, #tpu.memory_space<hbm>>
          tpu.wait_dma2 semaphore(%run_scoped3A : memref<!tpu.dma_semaphore, #tpu.memory_space<semaphore_mem>>) src(%dma_wait3A_81 : memref<16x128xf32, #tpu.memory_space<hbm>>) dst(%dma_wait3A_78 : memref<16x128xf32, #tpu.memory_space<vmem_shared>>)
          tpu.yield
        }) : () -> ()
      } else {
      }
      %mul3A_13 = arith.constant 10000 : i32
      %mul3A_14 = arith.muli %arg1, %mul3A_13 : i32
      "tpu.region"() ({
        %run_scoped3A = tpu.sem_alloc : memref<!tpu.dma_semaphore, #tpu.memory_space<semaphore_mem>>
        %dma_start3A_70 = tpu.memref_slice %arg4[%mul3A_14] : memref<160000xi32, #tpu.memory_space<hbm>> -> memref<10000xi32, #tpu.memory_space<hbm>>
        %dma_start3A_71 = tpu.memref_slice %arg4[%mul3A_14] : memref<160000xi32, #tpu.memory_space<hbm>> -> memref<10000xi32, #tpu.memory_space<hbm>>
        tpu.enqueue_dma source(%dma_start3A_71 : memref<10000xi32, #tpu.memory_space<hbm>>) target(%arg9 : memref<10000xi32, #tpu.memory_space<vmem>>) target_semaphore(%run_scoped3A : memref<!tpu.dma_semaphore, #tpu.memory_space<semaphore_mem>>)
        %dma_wait3A_72 = tpu.memref_slice %arg4[%mul3A_14] : memref<160000xi32, #tpu.memory_space<hbm>> -> memref<10000xi32, #tpu.memory_space<hbm>>
        %dma_wait3A_73 = tpu.memref_slice %arg4[%mul3A_14] : memref<160000xi32, #tpu.memory_space<hbm>> -> memref<10000xi32, #tpu.memory_space<hbm>>
        tpu.wait_dma2 semaphore(%run_scoped3A : memref<!tpu.dma_semaphore, #tpu.memory_space<semaphore_mem>>) src(%dma_wait3A_73 : memref<10000xi32, #tpu.memory_space<hbm>>) dst(%arg9 : memref<10000xi32, #tpu.memory_space<vmem>>)
        tpu.yield
      }) : () -> ()
      "tpu.region"() ({
        %run_scoped3A = tpu.sem_alloc : memref<!tpu.dma_semaphore, #tpu.memory_space<semaphore_mem>>
        %dma_start3A_70 = tpu.memref_slice %arg5[%mul3A_14] : memref<160000xi32, #tpu.memory_space<hbm>> -> memref<10000xi32, #tpu.memory_space<hbm>>
        %dma_start3A_71 = tpu.memref_slice %arg5[%mul3A_14] : memref<160000xi32, #tpu.memory_space<hbm>> -> memref<10000xi32, #tpu.memory_space<hbm>>
        tpu.enqueue_dma source(%dma_start3A_71 : memref<10000xi32, #tpu.memory_space<hbm>>) target(%arg10 : memref<10000xi32, #tpu.memory_space<vmem>>) target_semaphore(%run_scoped3A : memref<!tpu.dma_semaphore, #tpu.memory_space<semaphore_mem>>)
        %dma_wait3A_72 = tpu.memref_slice %arg5[%mul3A_14] : memref<160000xi32, #tpu.memory_space<hbm>> -> memref<10000xi32, #tpu.memory_space<hbm>>
        %dma_wait3A_73 = tpu.memref_slice %arg5[%mul3A_14] : memref<160000xi32, #tpu.memory_space<hbm>> -> memref<10000xi32, #tpu.memory_space<hbm>>
        tpu.wait_dma2 semaphore(%run_scoped3A : memref<!tpu.dma_semaphore, #tpu.memory_space<semaphore_mem>>) src(%dma_wait3A_73 : memref<10000xi32, #tpu.memory_space<hbm>>) dst(%arg10 : memref<10000xi32, #tpu.memory_space<vmem>>)
        tpu.yield
      }) : () -> ()
      %barrier3A = arith.constant 0 : index
      tpu.barrier barrier_id(%barrier3A)
      %dma_start3A = arith.constant 0 : i32
      %dma_start3A_15 = tpu.memref_slice %arg9[%dma_start3A] : memref<10000xi32, #tpu.memory_space<vmem>> -> memref<80xi32, #tpu.memory_space<vmem>>
      %dma_start3A_16 = arith.constant 0 : i32
      %dma_start3A_17 = arith.constant 0 : i32
      %dma_start3A_18 = tpu.memref_slice %arg2[%dma_start3A_16, %dma_start3A_17] : memref<10000x128xf32, #tpu.memory_space<hbm>> -> memref<10000x128xf32, #tpu.memory_space<hbm>>
      tpu.enqueue_indirect_dma source(%dma_start3A_18 : memref<10000x128xf32, #tpu.memory_space<hbm>>) target(%arg13 : memref<80x128xf32, #tpu.memory_space<vmem>>) offsets(%dma_start3A_15 : memref<80xi32, #tpu.memory_space<vmem>>) semaphore(%arg15 : memref<!tpu.dma_semaphore, #tpu.memory_space<semaphore_mem>>)
      %scan3A = arith.constant 0 : i32
      %scan3A_19 = arith.constant 0 : i32
      %scan3A_20 = arith.constant 62 : i32
      %scan3A_21 = arith.addi %scan3A_19, %scan3A_20 : i32
      %scan3A_22 = arith.constant 1 : i32
      %scan3A_23 = scf.for %scan3A_70 = %scan3A_19 to %scan3A_21 step %scan3A_22 iter_args(%scan3A_71 = %scan3A) -> (i32)  : i32 {
        %mul3A_72 = arith.constant 2 : i32
        %mul3A_73 = arith.muli %mul3A_72, %scan3A_70 : i32
        %add3A = arith.constant 1 : i32
        %add3A_74 = arith.addi %mul3A_73, %add3A : i32
        %mul3A_75 = arith.constant 80 : i32
        %mul3A_76 = arith.muli %add3A_74, %mul3A_75 : i32
        %dma_start3A_77 = tpu.memref_slice %arg9[%mul3A_76] : memref<10000xi32, #tpu.memory_space<vmem>> -> memref<80xi32, #tpu.memory_space<vmem>>
        %dma_start3A_78 = arith.constant 0 : i32
        %dma_start3A_79 = arith.constant 0 : i32
        %dma_start3A_80 = tpu.memref_slice %arg2[%dma_start3A_78, %dma_start3A_79] : memref<10000x128xf32, #tpu.memory_space<hbm>> -> memref<10000x128xf32, #tpu.memory_space<hbm>>
        tpu.enqueue_indirect_dma source(%dma_start3A_80 : memref<10000x128xf32, #tpu.memory_space<hbm>>) target(%arg14 : memref<80x128xf32, #tpu.memory_space<vmem>>) offsets(%dma_start3A_77 : memref<80xi32, #tpu.memory_space<vmem>>) semaphore(%arg16 : memref<!tpu.dma_semaphore, #tpu.memory_space<semaphore_mem>>)
        %mul3A_81 = arith.constant 80 : i32
        %mul3A_82 = arith.muli %mul3A_73, %mul3A_81 : i32
        %add3A_83 = arith.constant 0 : i32
        %add3A_84 = arith.addi %mul3A_82, %add3A_83 : i32
        %get3A_85 = arith.index_cast %add3A_84 : i32 to index
        %get3A_86 = tpu.vector_load %arg10[%get3A_85] {strides = array<i32>} : memref<10000xi32, #tpu.memory_space<vmem>>, vector<16xi32>,
        %get3A_87 = vector.shape_cast %get3A_86 : vector<16xi32> to vector<16xi32>
        %swap3A_88 = arith.constant 0 : index
        %swap3A_89 = tpu.vector_load %arg11[%swap3A_88] {strides = array<i32>} : memref<80xi32, #tpu.memory_space<vmem>>, vector<16xi32>,
        %swap3A_90 = vector.shape_cast %swap3A_89 : vector<16xi32> to vector<16xi32>
        %swap3A_91 = vector.shape_cast %get3A_87 : vector<16xi32> to vector<16xi32>
        tpu.vector_store %arg11[%swap3A_88], %swap3A_91 {strides = array<i32>} : memref<80xi32, #tpu.memory_space<vmem>>, vector<16xi32>,
        %mul3A_92 = arith.constant 80 : i32
        %mul3A_93 = arith.muli %mul3A_73, %mul3A_92 : i32
        %add3A_94 = arith.constant 16 : i32
        %add3A_95 = arith.addi %mul3A_93, %add3A_94 : i32
        %get3A_96 = arith.index_cast %add3A_95 : i32 to index
        %get3A_97 = tpu.vector_load %arg10[%get3A_96] {strides = array<i32>} : memref<10000xi32, #tpu.memory_space<vmem>>, vector<16xi32>,
        %get3A_98 = vector.shape_cast %get3A_97 : vector<16xi32> to vector<16xi32>
        %swap3A_99 = arith.constant 16 : index
        %swap3A_100 = tpu.vector_load %arg11[%swap3A_99] {strides = array<i32>} : memref<80xi32, #tpu.memory_space<vmem>>, vector<16xi32>,
        %swap3A_101 = vector.shape_cast %swap3A_100 : vector<16xi32> to vector<16xi32>
        %swap3A_102 = vector.shape_cast %get3A_98 : vector<16xi32> to vector<16xi32>
        tpu.vector_store %arg11[%swap3A_99], %swap3A_102 {strides = array<i32>} : memref<80xi32, #tpu.memory_space<vmem>>, vector<16xi32>,
        %mul3A_103 = arith.constant 80 : i32
        %mul3A_104 = arith.muli %mul3A_73, %mul3A_103 : i32
        %add3A_105 = arith.constant 32 : i32
        %add3A_106 = arith.addi %mul3A_104, %add3A_105 : i32
        %get3A_107 = arith.index_cast %add3A_106 : i32 to index
        %get3A_108 = tpu.vector_load %arg10[%get3A_107] {strides = array<i32>} : memref<10000xi32, #tpu.memory_space<vmem>>, vector<16xi32>,
        %get3A_109 = vector.shape_cast %get3A_108 : vector<16xi32> to vector<16xi32>
        %swap3A_110 = arith.constant 32 : index
        %swap3A_111 = tpu.vector_load %arg11[%swap3A_110] {strides = array<i32>} : memref<80xi32, #tpu.memory_space<vmem>>, vector<16xi32>,
        %swap3A_112 = vector.shape_cast %swap3A_111 : vector<16xi32> to vector<16xi32>
        %swap3A_113 = vector.shape_cast %get3A_109 : vector<16xi32> to vector<16xi32>
        tpu.vector_store %arg11[%swap3A_110], %swap3A_113 {strides = array<i32>} : memref<80xi32, #tpu.memory_space<vmem>>, vector<16xi32>,
        %mul3A_114 = arith.constant 80 : i32
        %mul3A_115 = arith.muli %mul3A_73, %mul3A_114 : i32
        %add3A_116 = arith.constant 48 : i32
        %add3A_117 = arith.addi %mul3A_115, %add3A_116 : i32
        %get3A_118 = arith.index_cast %add3A_117 : i32 to index
        %get3A_119 = tpu.vector_load %arg10[%get3A_118] {strides = array<i32>} : memref<10000xi32, #tpu.memory_space<vmem>>, vector<16xi32>,
        %get3A_120 = vector.shape_cast %get3A_119 : vector<16xi32> to vector<16xi32>
        %swap3A_121 = arith.constant 48 : index
        %swap3A_122 = tpu.vector_load %arg11[%swap3A_121] {strides = array<i32>} : memref<80xi32, #tpu.memory_space<vmem>>, vector<16xi32>,
        %swap3A_123 = vector.shape_cast %swap3A_122 : vector<16xi32> to vector<16xi32>
        %swap3A_124 = vector.shape_cast %get3A_120 : vector<16xi32> to vector<16xi32>
        tpu.vector_store %arg11[%swap3A_121], %swap3A_124 {strides = array<i32>} : memref<80xi32, #tpu.memory_space<vmem>>, vector<16xi32>,
        %mul3A_125 = arith.constant 80 : i32
        %mul3A_126 = arith.muli %mul3A_73, %mul3A_125 : i32
        %add3A_127 = arith.constant 64 : i32
        %add3A_128 = arith.addi %mul3A_126, %add3A_127 : i32
        %get3A_129 = arith.index_cast %add3A_128 : i32 to index
        %get3A_130 = tpu.vector_load %arg10[%get3A_129] {strides = array<i32>} : memref<10000xi32, #tpu.memory_space<vmem>>, vector<16xi32>,
        %get3A_131 = vector.shape_cast %get3A_130 : vector<16xi32> to vector<16xi32>
        %swap3A_132 = arith.constant 64 : index
        %swap3A_133 = tpu.vector_load %arg11[%swap3A_132] {strides = array<i32>} : memref<80xi32, #tpu.memory_space<vmem>>, vector<16xi32>,
        %swap3A_134 = vector.shape_cast %swap3A_133 : vector<16xi32> to vector<16xi32>
        %swap3A_135 = vector.shape_cast %get3A_131 : vector<16xi32> to vector<16xi32>
        tpu.vector_store %arg11[%swap3A_132], %swap3A_135 {strides = array<i32>} : memref<80xi32, #tpu.memory_space<vmem>>, vector<16xi32>,
        %mul3A_136 = arith.constant 80 : i32
        %mul3A_137 = arith.muli %mul3A_73, %mul3A_136 : i32
        %dma_wait3A_138 = tpu.memref_slice %arg9[%mul3A_137] : memref<10000xi32, #tpu.memory_space<vmem>> -> memref<80xi32, #tpu.memory_space<vmem>>
        %dma_wait3A_139 = arith.constant 0 : i32
        %dma_wait3A_140 = arith.constant 0 : i32
        %dma_wait3A_141 = tpu.memref_slice %arg2[%dma_wait3A_139, %dma_wait3A_140] : memref<10000x128xf32, #tpu.memory_space<hbm>> -> memref<10000x128xf32, #tpu.memory_space<hbm>>
        tpu.wait_indirect_dma semaphore(%arg15 : memref<!tpu.dma_semaphore, #tpu.memory_space<semaphore_mem>>) src(%dma_wait3A_141 : memref<10000x128xf32, #tpu.memory_space<hbm>>) dst(%arg13 : memref<80x128xf32, #tpu.memory_space<vmem>>)
        "tpu.region"() ({
          %run_scoped3A = tpu.sem_alloc : memref<!tpu.dma_semaphore, #tpu.memory_space<semaphore_mem>>
          %dma_start3A_212 = arith.constant 0 : i32
          %dma_start3A_213 = arith.constant 0 : i32
          %dma_start3A_214 = tpu.memref_slice %arg8[%dma_start3A_212, %dma_start3A_213] : memref<10000x128xf32, #tpu.memory_space<vmem_shared>> -> memref<10000x128xf32, #tpu.memory_space<vmem_shared>>
          tpu.enqueue_indirect_dma source(%arg13 : memref<80x128xf32, #tpu.memory_space<vmem>>) target(%dma_start3A_214 : memref<10000x128xf32, #tpu.memory_space<vmem_shared>>) offsets(%arg11 : memref<80xi32, #tpu.memory_space<vmem>>) semaphore(%run_scoped3A : memref<!tpu.dma_semaphore, #tpu.memory_space<semaphore_mem>>) {add = true}
          %dma_wait3A_215 = arith.constant 0 : i32
          %dma_wait3A_216 = arith.constant 0 : i32
          %dma_wait3A_217 = tpu.memref_slice %arg8[%dma_wait3A_215, %dma_wait3A_216] : memref<10000x128xf32, #tpu.memory_space<vmem_shared>> -> memref<10000x128xf32, #tpu.memory_space<vmem_shared>>
          tpu.wait_indirect_dma semaphore(%run_scoped3A : memref<!tpu.dma_semaphore, #tpu.memory_space<semaphore_mem>>) src(%arg13 : memref<80x128xf32, #tpu.memory_space<vmem>>) dst(%dma_wait3A_217 : memref<10000x128xf32, #tpu.memory_space<vmem_shared>>)
          tpu.yield
        }) : () -> ()
        %add3A_142 = arith.constant 2 : i32
        %add3A_143 = arith.addi %mul3A_73, %add3A_142 : i32
        %mul3A_144 = arith.constant 80 : i32
        %mul3A_145 = arith.muli %add3A_143, %mul3A_144 : i32
        %dma_start3A_146 = tpu.memref_slice %arg9[%mul3A_145] : memref<10000xi32, #tpu.memory_space<vmem>> -> memref<80xi32, #tpu.memory_space<vmem>>
        %dma_start3A_147 = arith.constant 0 : i32
        %dma_start3A_148 = arith.constant 0 : i32
        %dma_start3A_149 = tpu.memref_slice %arg2[%dma_start3A_147, %dma_start3A_148] : memref<10000x128xf32, #tpu.memory_space<hbm>> -> memref<10000x128xf32, #tpu.memory_space<hbm>>
        tpu.enqueue_indirect_dma source(%dma_start3A_149 : memref<10000x128xf32, #tpu.memory_space<hbm>>) target(%arg13 : memref<80x128xf32, #tpu.memory_space<vmem>>) offsets(%dma_start3A_146 : memref<80xi32, #tpu.memory_space<vmem>>) semaphore(%arg15 : memref<!tpu.dma_semaphore, #tpu.memory_space<semaphore_mem>>)
        %mul3A_150 = arith.constant 80 : i32
        %mul3A_151 = arith.muli %add3A_74, %mul3A_150 : i32
        %add3A_152 = arith.constant 0 : i32
        %add3A_153 = arith.addi %mul3A_151, %add3A_152 : i32
        %get3A_154 = arith.index_cast %add3A_153 : i32 to index
        %get3A_155 = tpu.vector_load %arg10[%get3A_154] {strides = array<i32>} : memref<10000xi32, #tpu.memory_space<vmem>>, vector<16xi32>,
        %get3A_156 = vector.shape_cast %get3A_155 : vector<16xi32> to vector<16xi32>
        %swap3A_157 = arith.constant 0 : index
        %swap3A_158 = tpu.vector_load %arg12[%swap3A_157] {strides = array<i32>} : memref<80xi32, #tpu.memory_space<vmem>>, vector<16xi32>,
        %swap3A_159 = vector.shape_cast %swap3A_158 : vector<16xi32> to vector<16xi32>
        %swap3A_160 = vector.shape_cast %get3A_156 : vector<16xi32> to vector<16xi32>
        tpu.vector_store %arg12[%swap3A_157], %swap3A_160 {strides = array<i32>} : memref<80xi32, #tpu.memory_space<vmem>>, vector<16xi32>,
        %mul3A_161 = arith.constant 80 : i32
        %mul3A_162 = arith.muli %add3A_74, %mul3A_161 : i32
        %add3A_163 = arith.constant 16 : i32
        %add3A_164 = arith.addi %mul3A_162, %add3A_163 : i32
        %get3A_165 = arith.index_cast %add3A_164 : i32 to index
        %get3A_166 = tpu.vector_load %arg10[%get3A_165] {strides = array<i32>} : memref<10000xi32, #tpu.memory_space<vmem>>, vector<16xi32>,
        %get3A_167 = vector.shape_cast %get3A_166 : vector<16xi32> to vector<16xi32>
        %swap3A_168 = arith.constant 16 : index
        %swap3A_169 = tpu.vector_load %arg12[%swap3A_168] {strides = array<i32>} : memref<80xi32, #tpu.memory_space<vmem>>, vector<16xi32>,
        %swap3A_170 = vector.shape_cast %swap3A_169 : vector<16xi32> to vector<16xi32>
        %swap3A_171 = vector.shape_cast %get3A_167 : vector<16xi32> to vector<16xi32>
        tpu.vector_store %arg12[%swap3A_168], %swap3A_171 {strides = array<i32>} : memref<80xi32, #tpu.memory_space<vmem>>, vector<16xi32>,
        %mul3A_172 = arith.constant 80 : i32
        %mul3A_173 = arith.muli %add3A_74, %mul3A_172 : i32
        %add3A_174 = arith.constant 32 : i32
        %add3A_175 = arith.addi %mul3A_173, %add3A_174 : i32
        %get3A_176 = arith.index_cast %add3A_175 : i32 to index
        %get3A_177 = tpu.vector_load %arg10[%get3A_176] {strides = array<i32>} : memref<10000xi32, #tpu.memory_space<vmem>>, vector<16xi32>,
        %get3A_178 = vector.shape_cast %get3A_177 : vector<16xi32> to vector<16xi32>
        %swap3A_179 = arith.constant 32 : index
        %swap3A_180 = tpu.vector_load %arg12[%swap3A_179] {strides = array<i32>} : memref<80xi32, #tpu.memory_space<vmem>>, vector<16xi32>,
        %swap3A_181 = vector.shape_cast %swap3A_180 : vector<16xi32> to vector<16xi32>
        %swap3A_182 = vector.shape_cast %get3A_178 : vector<16xi32> to vector<16xi32>
        tpu.vector_store %arg12[%swap3A_179], %swap3A_182 {strides = array<i32>} : memref<80xi32, #tpu.memory_space<vmem>>, vector<16xi32>,
        %mul3A_183 = arith.constant 80 : i32
        %mul3A_184 = arith.muli %add3A_74, %mul3A_183 : i32
        %add3A_185 = arith.constant 48 : i32
        %add3A_186 = arith.addi %mul3A_184, %add3A_185 : i32
        %get3A_187 = arith.index_cast %add3A_186 : i32 to index
        %get3A_188 = tpu.vector_load %arg10[%get3A_187] {strides = array<i32>} : memref<10000xi32, #tpu.memory_space<vmem>>, vector<16xi32>,
        %get3A_189 = vector.shape_cast %get3A_188 : vector<16xi32> to vector<16xi32>
        %swap3A_190 = arith.constant 48 : index
        %swap3A_191 = tpu.vector_load %arg12[%swap3A_190] {strides = array<i32>} : memref<80xi32, #tpu.memory_space<vmem>>, vector<16xi32>,
        %swap3A_192 = vector.shape_cast %swap3A_191 : vector<16xi32> to vector<16xi32>
        %swap3A_193 = vector.shape_cast %get3A_189 : vector<16xi32> to vector<16xi32>
        tpu.vector_store %arg12[%swap3A_190], %swap3A_193 {strides = array<i32>} : memref<80xi32, #tpu.memory_space<vmem>>, vector<16xi32>,
        %mul3A_194 = arith.constant 80 : i32
        %mul3A_195 = arith.muli %add3A_74, %mul3A_194 : i32
        %add3A_196 = arith.constant 64 : i32
        %add3A_197 = arith.addi %mul3A_195, %add3A_196 : i32
        %get3A_198 = arith.index_cast %add3A_197 : i32 to index
        %get3A_199 = tpu.vector_load %arg10[%get3A_198] {strides = array<i32>} : memref<10000xi32, #tpu.memory_space<vmem>>, vector<16xi32>,
        %get3A_200 = vector.shape_cast %get3A_199 : vector<16xi32> to vector<16xi32>
        %swap3A_201 = arith.constant 64 : index
        %swap3A_202 = tpu.vector_load %arg12[%swap3A_201] {strides = array<i32>} : memref<80xi32, #tpu.memory_space<vmem>>, vector<16xi32>,
        %swap3A_203 = vector.shape_cast %swap3A_202 : vector<16xi32> to vector<16xi32>
        %swap3A_204 = vector.shape_cast %get3A_200 : vector<16xi32> to vector<16xi32>
        tpu.vector_store %arg12[%swap3A_201], %swap3A_204 {strides = array<i32>} : memref<80xi32, #tpu.memory_space<vmem>>, vector<16xi32>,
        %mul3A_205 = arith.constant 80 : i32
        %mul3A_206 = arith.muli %add3A_74, %mul3A_205 : i32
        %dma_wait3A_207 = tpu.memref_slice %arg9[%mul3A_206] : memref<10000xi32, #tpu.memory_space<vmem>> -> memref<80xi32, #tpu.memory_space<vmem>>
        %dma_wait3A_208 = arith.constant 0 : i32
        %dma_wait3A_209 = arith.constant 0 : i32
        %dma_wait3A_210 = tpu.memref_slice %arg2[%dma_wait3A_208, %dma_wait3A_209] : memref<10000x128xf32, #tpu.memory_space<hbm>> -> memref<10000x128xf32, #tpu.memory_space<hbm>>
        tpu.wait_indirect_dma semaphore(%arg16 : memref<!tpu.dma_semaphore, #tpu.memory_space<semaphore_mem>>) src(%dma_wait3A_210 : memref<10000x128xf32, #tpu.memory_space<hbm>>) dst(%arg14 : memref<80x128xf32, #tpu.memory_space<vmem>>)
        "tpu.region"() ({
          %run_scoped3A = tpu.sem_alloc : memref<!tpu.dma_semaphore, #tpu.memory_space<semaphore_mem>>
          %dma_start3A_212 = arith.constant 0 : i32
          %dma_start3A_213 = arith.constant 0 : i32
          %dma_start3A_214 = tpu.memref_slice %arg8[%dma_start3A_212, %dma_start3A_213] : memref<10000x128xf32, #tpu.memory_space<vmem_shared>> -> memref<10000x128xf32, #tpu.memory_space<vmem_shared>>
          tpu.enqueue_indirect_dma source(%arg14 : memref<80x128xf32, #tpu.memory_space<vmem>>) target(%dma_start3A_214 : memref<10000x128xf32, #tpu.memory_space<vmem_shared>>) offsets(%arg12 : memref<80xi32, #tpu.memory_space<vmem>>) semaphore(%run_scoped3A : memref<!tpu.dma_semaphore, #tpu.memory_space<semaphore_mem>>) {add = true}
          %dma_wait3A_215 = arith.constant 0 : i32
          %dma_wait3A_216 = arith.constant 0 : i32
          %dma_wait3A_217 = tpu.memref_slice %arg8[%dma_wait3A_215, %dma_wait3A_216] : memref<10000x128xf32, #tpu.memory_space<vmem_shared>> -> memref<10000x128xf32, #tpu.memory_space<vmem_shared>>
          tpu.wait_indirect_dma semaphore(%run_scoped3A : memref<!tpu.dma_semaphore, #tpu.memory_space<semaphore_mem>>) src(%arg14 : memref<80x128xf32, #tpu.memory_space<vmem>>) dst(%dma_wait3A_217 : memref<10000x128xf32, #tpu.memory_space<vmem_shared>>)
          tpu.yield
        }) : () -> ()
        %scan3A_211 = arith.constant 0 : i32
        scf.yield %scan3A_211 : i32
      }
      %scan3A_24 = arith.constant 62 : i32
      %get3A = arith.constant 9920 : index
      %get3A_25 = tpu.vector_load %arg10[%get3A] {strides = array<i32>} : memref<10000xi32, #tpu.memory_space<vmem>>, vector<16xi32>,
      %get3A_26 = vector.shape_cast %get3A_25 : vector<16xi32> to vector<16xi32>
      %swap3A = arith.constant 0 : index
      %swap3A_27 = tpu.vector_load %arg11[%swap3A] {strides = array<i32>} : memref<80xi32, #tpu.memory_space<vmem>>, vector<16xi32>,
      %swap3A_28 = vector.shape_cast %swap3A_27 : vector<16xi32> to vector<16xi32>
      %swap3A_29 = vector.shape_cast %get3A_26 : vector<16xi32> to vector<16xi32>
      tpu.vector_store %arg11[%swap3A], %swap3A_29 {strides = array<i32>} : memref<80xi32, #tpu.memory_space<vmem>>, vector<16xi32>,
      %get3A_30 = arith.constant 9936 : index
      %get3A_31 = tpu.vector_load %arg10[%get3A_30] {strides = array<i32>} : memref<10000xi32, #tpu.memory_space<vmem>>, vector<16xi32>,
      %get3A_32 = vector.shape_cast %get3A_31 : vector<16xi32> to vector<16xi32>
      %swap3A_33 = arith.constant 16 : index
      %swap3A_34 = tpu.vector_load %arg11[%swap3A_33] {strides = array<i32>} : memref<80xi32, #tpu.memory_space<vmem>>, vector<16xi32>,
      %swap3A_35 = vector.shape_cast %swap3A_34 : vector<16xi32> to vector<16xi32>
      %swap3A_36 = vector.shape_cast %get3A_32 : vector<16xi32> to vector<16xi32>
      tpu.vector_store %arg11[%swap3A_33], %swap3A_36 {strides = array<i32>} : memref<80xi32, #tpu.memory_space<vmem>>, vector<16xi32>,
      %get3A_37 = arith.constant 9952 : index
      %get3A_38 = tpu.vector_load %arg10[%get3A_37] {strides = array<i32>} : memref<10000xi32, #tpu.memory_space<vmem>>, vector<16xi32>,
      %get3A_39 = vector.shape_cast %get3A_38 : vector<16xi32> to vector<16xi32>
      %swap3A_40 = arith.constant 32 : index
      %swap3A_41 = tpu.vector_load %arg11[%swap3A_40] {strides = array<i32>} : memref<80xi32, #tpu.memory_space<vmem>>, vector<16xi32>,
      %swap3A_42 = vector.shape_cast %swap3A_41 : vector<16xi32> to vector<16xi32>
      %swap3A_43 = vector.shape_cast %get3A_39 : vector<16xi32> to vector<16xi32>
      tpu.vector_store %arg11[%swap3A_40], %swap3A_43 {strides = array<i32>} : memref<80xi32, #tpu.memory_space<vmem>>, vector<16xi32>,
      %get3A_44 = arith.constant 9968 : index
      %get3A_45 = tpu.vector_load %arg10[%get3A_44] {strides = array<i32>} : memref<10000xi32, #tpu.memory_space<vmem>>, vector<16xi32>,
      %get3A_46 = vector.shape_cast %get3A_45 : vector<16xi32> to vector<16xi32>
      %swap3A_47 = arith.constant 48 : index
      %swap3A_48 = tpu.vector_load %arg11[%swap3A_47] {strides = array<i32>} : memref<80xi32, #tpu.memory_space<vmem>>, vector<16xi32>,
      %swap3A_49 = vector.shape_cast %swap3A_48 : vector<16xi32> to vector<16xi32>
      %swap3A_50 = vector.shape_cast %get3A_46 : vector<16xi32> to vector<16xi32>
      tpu.vector_store %arg11[%swap3A_47], %swap3A_50 {strides = array<i32>} : memref<80xi32, #tpu.memory_space<vmem>>, vector<16xi32>,
      %get3A_51 = arith.constant 9984 : index
      %get3A_52 = tpu.vector_load %arg10[%get3A_51] {strides = array<i32>} : memref<10000xi32, #tpu.memory_space<vmem>>, vector<16xi32>,
      %get3A_53 = vector.shape_cast %get3A_52 : vector<16xi32> to vector<16xi32>
      %swap3A_54 = arith.constant 64 : index
      %swap3A_55 = tpu.vector_load %arg11[%swap3A_54] {strides = array<i32>} : memref<80xi32, #tpu.memory_space<vmem>>, vector<16xi32>,
      %swap3A_56 = vector.shape_cast %swap3A_55 : vector<16xi32> to vector<16xi32>
      %swap3A_57 = vector.shape_cast %get3A_53 : vector<16xi32> to vector<16xi32>
      tpu.vector_store %arg11[%swap3A_54], %swap3A_57 {strides = array<i32>} : memref<80xi32, #tpu.memory_space<vmem>>, vector<16xi32>,
      %dma_wait3A = arith.constant 9920 : i32
      %dma_wait3A_58 = tpu.memref_slice %arg9[%dma_wait3A] : memref<10000xi32, #tpu.memory_space<vmem>> -> memref<80xi32, #tpu.memory_space<vmem>>
      %dma_wait3A_59 = arith.constant 0 : i32
      %dma_wait3A_60 = arith.constant 0 : i32
      %dma_wait3A_61 = tpu.memref_slice %arg2[%dma_wait3A_59, %dma_wait3A_60] : memref<10000x128xf32, #tpu.memory_space<hbm>> -> memref<10000x128xf32, #tpu.memory_space<hbm>>
      tpu.wait_indirect_dma semaphore(%arg15 : memref<!tpu.dma_semaphore, #tpu.memory_space<semaphore_mem>>) src(%dma_wait3A_61 : memref<10000x128xf32, #tpu.memory_space<hbm>>) dst(%arg13 : memref<80x128xf32, #tpu.memory_space<vmem>>)
      "tpu.region"() ({
        %run_scoped3A = tpu.sem_alloc : memref<!tpu.dma_semaphore, #tpu.memory_space<semaphore_mem>>
        %dma_start3A_70 = arith.constant 0 : i32
        %dma_start3A_71 = arith.constant 0 : i32
        %dma_start3A_72 = tpu.memref_slice %arg8[%dma_start3A_70, %dma_start3A_71] : memref<10000x128xf32, #tpu.memory_space<vmem_shared>> -> memref<10000x128xf32, #tpu.memory_space<vmem_shared>>
        tpu.enqueue_indirect_dma source(%arg13 : memref<80x128xf32, #tpu.memory_space<vmem>>) target(%dma_start3A_72 : memref<10000x128xf32, #tpu.memory_space<vmem_shared>>) offsets(%arg11 : memref<80xi32, #tpu.memory_space<vmem>>) semaphore(%run_scoped3A : memref<!tpu.dma_semaphore, #tpu.memory_space<semaphore_mem>>) {add = true}
        %dma_wait3A_73 = arith.constant 0 : i32
        %dma_wait3A_74 = arith.constant 0 : i32
        %dma_wait3A_75 = tpu.memref_slice %arg8[%dma_wait3A_73, %dma_wait3A_74] : memref<10000x128xf32, #tpu.memory_space<vmem_shared>> -> memref<10000x128xf32, #tpu.memory_space<vmem_shared>>
        tpu.wait_indirect_dma semaphore(%run_scoped3A : memref<!tpu.dma_semaphore, #tpu.memory_space<semaphore_mem>>) src(%arg13 : memref<80x128xf32, #tpu.memory_space<vmem>>) dst(%dma_wait3A_75 : memref<10000x128xf32, #tpu.memory_space<vmem_shared>>)
        tpu.yield
      }) : () -> ()
      %barrier3A_62 = arith.constant 0 : index
      tpu.barrier barrier_id(%barrier3A_62)
      %mul3A_63 = arith.constant 624 : i32
      %mul3A_64 = arith.muli %arg1, %mul3A_63 : i32
      "tpu.region"() ({
        %run_scoped3A = tpu.sem_alloc : memref<!tpu.dma_semaphore, #tpu.memory_space<semaphore_mem>>
        %dma_start3A_70 = arith.constant 0 : i32
        %dma_start3A_71 = tpu.memref_slice %arg6[%mul3A_64, %dma_start3A_70] : memref<10000x128xf32, #tpu.memory_space<hbm>> -> memref<624x128xf32, #tpu.memory_space<hbm>>
        %dma_start3A_72 = arith.constant 0 : i32
        %dma_start3A_73 = tpu.memref_slice %arg8[%mul3A_64, %dma_start3A_72] : memref<10000x128xf32, #tpu.memory_space<vmem_shared>> -> memref<624x128xf32, #tpu.memory_space<vmem_shared>>
        tpu.enqueue_dma source(%dma_start3A_73 : memref<624x128xf32, #tpu.memory_space<vmem_shared>>) target(%dma_start3A_71 : memref<624x128xf32, #tpu.memory_space<hbm>>) target_semaphore(%run_scoped3A : memref<!tpu.dma_semaphore, #tpu.memory_space<semaphore_mem>>)
        %dma_wait3A_74 = arith.constant 0 : i32
        %dma_wait3A_75 = tpu.memref_slice %arg6[%mul3A_64, %dma_wait3A_74] : memref<10000x128xf32, #tpu.memory_space<hbm>> -> memref<624x128xf32, #tpu.memory_space<hbm>>
        %dma_wait3A_76 = arith.constant 0 : i32
        %dma_wait3A_77 = tpu.memref_slice %arg8[%mul3A_64, %dma_wait3A_76] : memref<10000x128xf32, #tpu.memory_space<vmem_shared>> -> memref<624x128xf32, #tpu.memory_space<vmem_shared>>
        tpu.wait_dma2 semaphore(%run_scoped3A : memref<!tpu.dma_semaphore, #tpu.memory_space<semaphore_mem>>) src(%dma_wait3A_77 : memref<624x128xf32, #tpu.memory_space<vmem_shared>>) dst(%dma_wait3A_75 : memref<624x128xf32, #tpu.memory_space<hbm>>)
        tpu.yield
      }) : () -> ()
      %eq3A_65 = arith.constant 0 : i32
      %eq3A_66 = arith.cmpi eq, %arg1, %eq3A_65 : i32
      %convert_element_type3A_67 = arith.extui %eq3A_66 : i1 to i32
      %cond3A_68 = arith.constant 0 : i32
      %cond3A_69 = arith.cmpi ne, %convert_element_type3A_67, %cond3A_68 : i32
      scf.if %cond3A_69 {
        "tpu.region"() ({
          %run_scoped3A = tpu.sem_alloc : memref<!tpu.dma_semaphore, #tpu.memory_space<semaphore_mem>>
          %dma_start3A_70 = arith.constant 9984 : i32
          %dma_start3A_71 = arith.constant 0 : i32
          %dma_start3A_72 = tpu.memref_slice %arg6[%dma_start3A_70, %dma_start3A_71] : memref<10000x128xf32, #tpu.memory_space<hbm>> -> memref<16x128xf32, #tpu.memory_space<hbm>>
          %dma_start3A_73 = arith.constant 9984 : i32
          %dma_start3A_74 = arith.constant 0 : i32
          %dma_start3A_75 = tpu.memref_slice %arg8[%dma_start3A_73, %dma_start3A_74] : memref<10000x128xf32, #tpu.memory_space<vmem_shared>> -> memref<16x128xf32, #tpu.memory_space<vmem_shared>>
          tpu.enqueue_dma source(%dma_start3A_75 : memref<16x128xf32, #tpu.memory_space<vmem_shared>>) target(%dma_start3A_72 : memref<16x128xf32, #tpu.memory_space<hbm>>) target_semaphore(%run_scoped3A : memref<!tpu.dma_semaphore, #tpu.memory_space<semaphore_mem>>)
          %dma_wait3A_76 = arith.constant 9984 : i32
          %dma_wait3A_77 = arith.constant 0 : i32
          %dma_wait3A_78 = tpu.memref_slice %arg6[%dma_wait3A_76, %dma_wait3A_77] : memref<10000x128xf32, #tpu.memory_space<hbm>> -> memref<16x128xf32, #tpu.memory_space<hbm>>
          %dma_wait3A_79 = arith.constant 9984 : i32
          %dma_wait3A_80 = arith.constant 0 : i32
          %dma_wait3A_81 = tpu.memref_slice %arg8[%dma_wait3A_79, %dma_wait3A_80] : memref<10000x128xf32, #tpu.memory_space<vmem_shared>> -> memref<16x128xf32, #tpu.memory_space<vmem_shared>>
          tpu.wait_dma2 semaphore(%run_scoped3A : memref<!tpu.dma_semaphore, #tpu.memory_space<semaphore_mem>>) src(%dma_wait3A_81 : memref<16x128xf32, #tpu.memory_space<vmem_shared>>) dst(%dma_wait3A_78 : memref<16x128xf32, #tpu.memory_space<hbm>>)
          tpu.yield
        }) : () -> ()
      } else {
      }
    } else {
    }
    %eq3A_2 = arith.constant 1 : i32
    %eq3A_3 = arith.cmpi eq, %arg0, %eq3A_2 : i32
    %convert_element_type3A_4 = arith.extui %eq3A_3 : i1 to i32
    %cond3A_5 = arith.constant 0 : i32
    %cond3A_6 = arith.cmpi ne, %convert_element_type3A_4, %cond3A_5 : i32
    scf.if %cond3A_6 {
      %mul3A = arith.constant 624 : i32
      %mul3A_7 = arith.muli %arg1, %mul3A : i32
      "tpu.region"() ({
        %run_scoped3A = tpu.sem_alloc : memref<!tpu.dma_semaphore, #tpu.memory_space<semaphore_mem>>
        %dma_start3A_70 = arith.constant 0 : i32
        %dma_start3A_71 = tpu.memref_slice %arg8[%mul3A_7, %dma_start3A_70] : memref<10000x128xf32, #tpu.memory_space<vmem_shared>> -> memref<624x128xf32, #tpu.memory_space<vmem_shared>>
        %dma_start3A_72 = arith.constant 0 : i32
        %dma_start3A_73 = tpu.memref_slice %arg3[%mul3A_7, %dma_start3A_72] : memref<10000x128xf32, #tpu.memory_space<hbm>> -> memref<624x128xf32, #tpu.memory_space<hbm>>
        tpu.enqueue_dma source(%dma_start3A_73 : memref<624x128xf32, #tpu.memory_space<hbm>>) target(%dma_start3A_71 : memref<624x128xf32, #tpu.memory_space<vmem_shared>>) target_semaphore(%run_scoped3A : memref<!tpu.dma_semaphore, #tpu.memory_space<semaphore_mem>>)
        %dma_wait3A_74 = arith.constant 0 : i32
        %dma_wait3A_75 = tpu.memref_slice %arg8[%mul3A_7, %dma_wait3A_74] : memref<10000x128xf32, #tpu.memory_space<vmem_shared>> -> memref<624x128xf32, #tpu.memory_space<vmem_shared>>
        %dma_wait3A_76 = arith.constant 0 : i32
        %dma_wait3A_77 = tpu.memref_slice %arg3[%mul3A_7, %dma_wait3A_76] : memref<10000x128xf32, #tpu.memory_space<hbm>> -> memref<624x128xf32, #tpu.memory_space<hbm>>
        tpu.wait_dma2 semaphore(%run_scoped3A : memref<!tpu.dma_semaphore, #tpu.memory_space<semaphore_mem>>) src(%dma_wait3A_77 : memref<624x128xf32, #tpu.memory_space<hbm>>) dst(%dma_wait3A_75 : memref<624x128xf32, #tpu.memory_space<vmem_shared>>)
        tpu.yield
      }) : () -> ()
      %eq3A_8 = arith.constant 0 : i32
      %eq3A_9 = arith.cmpi eq, %arg1, %eq3A_8 : i32
      %convert_element_type3A_10 = arith.extui %eq3A_9 : i1 to i32
      %cond3A_11 = arith.constant 0 : i32
      %cond3A_12 = arith.cmpi ne, %convert_element_type3A_10, %cond3A_11 : i32
      scf.if %cond3A_12 {
        "tpu.region"() ({
          %run_scoped3A = tpu.sem_alloc : memref<!tpu.dma_semaphore, #tpu.memory_space<semaphore_mem>>
          %dma_start3A_70 = arith.constant 9984 : i32
          %dma_start3A_71 = arith.constant 0 : i32
          %dma_start3A_72 = tpu.memref_slice %arg8[%dma_start3A_70, %dma_start3A_71] : memref<10000x128xf32, #tpu.memory_space<vmem_shared>> -> memref<16x128xf32, #tpu.memory_space<vmem_shared>>
          %dma_start3A_73 = arith.constant 9984 : i32
          %dma_start3A_74 = arith.constant 0 : i32
          %dma_start3A_75 = tpu.memref_slice %arg3[%dma_start3A_73, %dma_start3A_74] : memref<10000x128xf32, #tpu.memory_space<hbm>> -> memref<16x128xf32, #tpu.memory_space<hbm>>
          tpu.enqueue_dma source(%dma_start3A_75 : memref<16x128xf32, #tpu.memory_space<hbm>>) target(%dma_start3A_72 : memref<16x128xf32, #tpu.memory_space<vmem_shared>>) target_semaphore(%run_scoped3A : memref<!tpu.dma_semaphore, #tpu.memory_space<semaphore_mem>>)
          %dma_wait3A_76 = arith.constant 9984 : i32
          %dma_wait3A_77 = arith.constant 0 : i32
          %dma_wait3A_78 = tpu.memref_slice %arg8[%dma_wait3A_76, %dma_wait3A_77] : memref<10000x128xf32, #tpu.memory_space<vmem_shared>> -> memref<16x128xf32, #tpu.memory_space<vmem_shared>>
          %dma_wait3A_79 = arith.constant 9984 : i32
          %dma_wait3A_80 = arith.constant 0 : i32
          %dma_wait3A_81 = tpu.memref_slice %arg3[%dma_wait3A_79, %dma_wait3A_80] : memref<10000x128xf32, #tpu.memory_space<hbm>> -> memref<16x128xf32, #tpu.memory_space<hbm>>
          tpu.wait_dma2 semaphore(%run_scoped3A : memref<!tpu.dma_semaphore, #tpu.memory_space<semaphore_mem>>) src(%dma_wait3A_81 : memref<16x128xf32, #tpu.memory_space<hbm>>) dst(%dma_wait3A_78 : memref<16x128xf32, #tpu.memory_space<vmem_shared>>)
          tpu.yield
        }) : () -> ()
      } else {
      }
      %mul3A_13 = arith.constant 10000 : i32
      %mul3A_14 = arith.muli %arg1, %mul3A_13 : i32
      "tpu.region"() ({
        %run_scoped3A = tpu.sem_alloc : memref<!tpu.dma_semaphore, #tpu.memory_space<semaphore_mem>>
        %dma_start3A_70 = tpu.memref_slice %arg4[%mul3A_14] : memref<160000xi32, #tpu.memory_space<hbm>> -> memref<10000xi32, #tpu.memory_space<hbm>>
        %dma_start3A_71 = tpu.memref_slice %arg4[%mul3A_14] : memref<160000xi32, #tpu.memory_space<hbm>> -> memref<10000xi32, #tpu.memory_space<hbm>>
        tpu.enqueue_dma source(%dma_start3A_71 : memref<10000xi32, #tpu.memory_space<hbm>>) target(%arg9 : memref<10000xi32, #tpu.memory_space<vmem>>) target_semaphore(%run_scoped3A : memref<!tpu.dma_semaphore, #tpu.memory_space<semaphore_mem>>)
        %dma_wait3A_72 = tpu.memref_slice %arg4[%mul3A_14] : memref<160000xi32, #tpu.memory_space<hbm>> -> memref<10000xi32, #tpu.memory_space<hbm>>
        %dma_wait3A_73 = tpu.memref_slice %arg4[%mul3A_14] : memref<160000xi32, #tpu.memory_space<hbm>> -> memref<10000xi32, #tpu.memory_space<hbm>>
        tpu.wait_dma2 semaphore(%run_scoped3A : memref<!tpu.dma_semaphore, #tpu.memory_space<semaphore_mem>>) src(%dma_wait3A_73 : memref<10000xi32, #tpu.memory_space<hbm>>) dst(%arg9 : memref<10000xi32, #tpu.memory_space<vmem>>)
        tpu.yield
      }) : () -> ()
      "tpu.region"() ({
        %run_scoped3A = tpu.sem_alloc : memref<!tpu.dma_semaphore, #tpu.memory_space<semaphore_mem>>
        %dma_start3A_70 = tpu.memref_slice %arg5[%mul3A_14] : memref<160000xi32, #tpu.memory_space<hbm>> -> memref<10000xi32, #tpu.memory_space<hbm>>
        %dma_start3A_71 = tpu.memref_slice %arg5[%mul3A_14] : memref<160000xi32, #tpu.memory_space<hbm>> -> memref<10000xi32, #tpu.memory_space<hbm>>
        tpu.enqueue_dma source(%dma_start3A_71 : memref<10000xi32, #tpu.memory_space<hbm>>) target(%arg10 : memref<10000xi32, #tpu.memory_space<vmem>>) target_semaphore(%run_scoped3A : memref<!tpu.dma_semaphore, #tpu.memory_space<semaphore_mem>>)
        %dma_wait3A_72 = tpu.memref_slice %arg5[%mul3A_14] : memref<160000xi32, #tpu.memory_space<hbm>> -> memref<10000xi32, #tpu.memory_space<hbm>>
        %dma_wait3A_73 = tpu.memref_slice %arg5[%mul3A_14] : memref<160000xi32, #tpu.memory_space<hbm>> -> memref<10000xi32, #tpu.memory_space<hbm>>
        tpu.wait_dma2 semaphore(%run_scoped3A : memref<!tpu.dma_semaphore, #tpu.memory_space<semaphore_mem>>) src(%dma_wait3A_73 : memref<10000xi32, #tpu.memory_space<hbm>>) dst(%arg10 : memref<10000xi32, #tpu.memory_space<vmem>>)
        tpu.yield
      }) : () -> ()
      %barrier3A = arith.constant 0 : index
      tpu.barrier barrier_id(%barrier3A)
      %dma_start3A = arith.constant 0 : i32
      %dma_start3A_15 = tpu.memref_slice %arg9[%dma_start3A] : memref<10000xi32, #tpu.memory_space<vmem>> -> memref<80xi32, #tpu.memory_space<vmem>>
      %dma_start3A_16 = arith.constant 0 : i32
      %dma_start3A_17 = arith.constant 0 : i32
      %dma_start3A_18 = tpu.memref_slice %arg3[%dma_start3A_16, %dma_start3A_17] : memref<10000x128xf32, #tpu.memory_space<hbm>> -> memref<10000x128xf32, #tpu.memory_space<hbm>>
      tpu.enqueue_indirect_dma source(%dma_start3A_18 : memref<10000x128xf32, #tpu.memory_space<hbm>>) target(%arg13 : memref<80x128xf32, #tpu.memory_space<vmem>>) offsets(%dma_start3A_15 : memref<80xi32, #tpu.memory_space<vmem>>) semaphore(%arg15 : memref<!tpu.dma_semaphore, #tpu.memory_space<semaphore_mem>>)
      %scan3A = arith.constant 0 : i32
      %scan3A_19 = arith.constant 0 : i32
      %scan3A_20 = arith.constant 62 : i32
      %scan3A_21 = arith.addi %scan3A_19, %scan3A_20 : i32
      %scan3A_22 = arith.constant 1 : i32
      %scan3A_23 = scf.for %scan3A_70 = %scan3A_19 to %scan3A_21 step %scan3A_22 iter_args(%scan3A_71 = %scan3A) -> (i32)  : i32 {
        %mul3A_72 = arith.constant 2 : i32
        %mul3A_73 = arith.muli %mul3A_72, %scan3A_70 : i32
        %add3A = arith.constant 1 : i32
        %add3A_74 = arith.addi %mul3A_73, %add3A : i32
        %mul3A_75 = arith.constant 80 : i32
        %mul3A_76 = arith.muli %add3A_74, %mul3A_75 : i32
        %dma_start3A_77 = tpu.memref_slice %arg9[%mul3A_76] : memref<10000xi32, #tpu.memory_space<vmem>> -> memref<80xi32, #tpu.memory_space<vmem>>
        %dma_start3A_78 = arith.constant 0 : i32
        %dma_start3A_79 = arith.constant 0 : i32
        %dma_start3A_80 = tpu.memref_slice %arg3[%dma_start3A_78, %dma_start3A_79] : memref<10000x128xf32, #tpu.memory_space<hbm>> -> memref<10000x128xf32, #tpu.memory_space<hbm>>
        tpu.enqueue_indirect_dma source(%dma_start3A_80 : memref<10000x128xf32, #tpu.memory_space<hbm>>) target(%arg14 : memref<80x128xf32, #tpu.memory_space<vmem>>) offsets(%dma_start3A_77 : memref<80xi32, #tpu.memory_space<vmem>>) semaphore(%arg16 : memref<!tpu.dma_semaphore, #tpu.memory_space<semaphore_mem>>)
        %mul3A_81 = arith.constant 80 : i32
        %mul3A_82 = arith.muli %mul3A_73, %mul3A_81 : i32
        %add3A_83 = arith.constant 0 : i32
        %add3A_84 = arith.addi %mul3A_82, %add3A_83 : i32
        %get3A_85 = arith.index_cast %add3A_84 : i32 to index
        %get3A_86 = tpu.vector_load %arg10[%get3A_85] {strides = array<i32>} : memref<10000xi32, #tpu.memory_space<vmem>>, vector<16xi32>,
        %get3A_87 = vector.shape_cast %get3A_86 : vector<16xi32> to vector<16xi32>
        %swap3A_88 = arith.constant 0 : index
        %swap3A_89 = tpu.vector_load %arg11[%swap3A_88] {strides = array<i32>} : memref<80xi32, #tpu.memory_space<vmem>>, vector<16xi32>,
        %swap3A_90 = vector.shape_cast %swap3A_89 : vector<16xi32> to vector<16xi32>
        %swap3A_91 = vector.shape_cast %get3A_87 : vector<16xi32> to vector<16xi32>
        tpu.vector_store %arg11[%swap3A_88], %swap3A_91 {strides = array<i32>} : memref<80xi32, #tpu.memory_space<vmem>>, vector<16xi32>,
        %mul3A_92 = arith.constant 80 : i32
        %mul3A_93 = arith.muli %mul3A_73, %mul3A_92 : i32
        %add3A_94 = arith.constant 16 : i32
        %add3A_95 = arith.addi %mul3A_93, %add3A_94 : i32
        %get3A_96 = arith.index_cast %add3A_95 : i32 to index
        %get3A_97 = tpu.vector_load %arg10[%get3A_96] {strides = array<i32>} : memref<10000xi32, #tpu.memory_space<vmem>>, vector<16xi32>,
        %get3A_98 = vector.shape_cast %get3A_97 : vector<16xi32> to vector<16xi32>
        %swap3A_99 = arith.constant 16 : index
        %swap3A_100 = tpu.vector_load %arg11[%swap3A_99] {strides = array<i32>} : memref<80xi32, #tpu.memory_space<vmem>>, vector<16xi32>,
        %swap3A_101 = vector.shape_cast %swap3A_100 : vector<16xi32> to vector<16xi32>
        %swap3A_102 = vector.shape_cast %get3A_98 : vector<16xi32> to vector<16xi32>
        tpu.vector_store %arg11[%swap3A_99], %swap3A_102 {strides = array<i32>} : memref<80xi32, #tpu.memory_space<vmem>>, vector<16xi32>,
        %mul3A_103 = arith.constant 80 : i32
        %mul3A_104 = arith.muli %mul3A_73, %mul3A_103 : i32
        %add3A_105 = arith.constant 32 : i32
        %add3A_106 = arith.addi %mul3A_104, %add3A_105 : i32
        %get3A_107 = arith.index_cast %add3A_106 : i32 to index
        %get3A_108 = tpu.vector_load %arg10[%get3A_107] {strides = array<i32>} : memref<10000xi32, #tpu.memory_space<vmem>>, vector<16xi32>,
        %get3A_109 = vector.shape_cast %get3A_108 : vector<16xi32> to vector<16xi32>
        %swap3A_110 = arith.constant 32 : index
        %swap3A_111 = tpu.vector_load %arg11[%swap3A_110] {strides = array<i32>} : memref<80xi32, #tpu.memory_space<vmem>>, vector<16xi32>,
        %swap3A_112 = vector.shape_cast %swap3A_111 : vector<16xi32> to vector<16xi32>
        %swap3A_113 = vector.shape_cast %get3A_109 : vector<16xi32> to vector<16xi32>
        tpu.vector_store %arg11[%swap3A_110], %swap3A_113 {strides = array<i32>} : memref<80xi32, #tpu.memory_space<vmem>>, vector<16xi32>,
        %mul3A_114 = arith.constant 80 : i32
        %mul3A_115 = arith.muli %mul3A_73, %mul3A_114 : i32
        %add3A_116 = arith.constant 48 : i32
        %add3A_117 = arith.addi %mul3A_115, %add3A_116 : i32
        %get3A_118 = arith.index_cast %add3A_117 : i32 to index
        %get3A_119 = tpu.vector_load %arg10[%get3A_118] {strides = array<i32>} : memref<10000xi32, #tpu.memory_space<vmem>>, vector<16xi32>,
        %get3A_120 = vector.shape_cast %get3A_119 : vector<16xi32> to vector<16xi32>
        %swap3A_121 = arith.constant 48 : index
        %swap3A_122 = tpu.vector_load %arg11[%swap3A_121] {strides = array<i32>} : memref<80xi32, #tpu.memory_space<vmem>>, vector<16xi32>,
        %swap3A_123 = vector.shape_cast %swap3A_122 : vector<16xi32> to vector<16xi32>
        %swap3A_124 = vector.shape_cast %get3A_120 : vector<16xi32> to vector<16xi32>
        tpu.vector_store %arg11[%swap3A_121], %swap3A_124 {strides = array<i32>} : memref<80xi32, #tpu.memory_space<vmem>>, vector<16xi32>,
        %mul3A_125 = arith.constant 80 : i32
        %mul3A_126 = arith.muli %mul3A_73, %mul3A_125 : i32
        %add3A_127 = arith.constant 64 : i32
        %add3A_128 = arith.addi %mul3A_126, %add3A_127 : i32
        %get3A_129 = arith.index_cast %add3A_128 : i32 to index
        %get3A_130 = tpu.vector_load %arg10[%get3A_129] {strides = array<i32>} : memref<10000xi32, #tpu.memory_space<vmem>>, vector<16xi32>,
        %get3A_131 = vector.shape_cast %get3A_130 : vector<16xi32> to vector<16xi32>
        %swap3A_132 = arith.constant 64 : index
        %swap3A_133 = tpu.vector_load %arg11[%swap3A_132] {strides = array<i32>} : memref<80xi32, #tpu.memory_space<vmem>>, vector<16xi32>,
        %swap3A_134 = vector.shape_cast %swap3A_133 : vector<16xi32> to vector<16xi32>
        %swap3A_135 = vector.shape_cast %get3A_131 : vector<16xi32> to vector<16xi32>
        tpu.vector_store %arg11[%swap3A_132], %swap3A_135 {strides = array<i32>} : memref<80xi32, #tpu.memory_space<vmem>>, vector<16xi32>,
        %mul3A_136 = arith.constant 80 : i32
        %mul3A_137 = arith.muli %mul3A_73, %mul3A_136 : i32
        %dma_wait3A_138 = tpu.memref_slice %arg9[%mul3A_137] : memref<10000xi32, #tpu.memory_space<vmem>> -> memref<80xi32, #tpu.memory_space<vmem>>
        %dma_wait3A_139 = arith.constant 0 : i32
        %dma_wait3A_140 = arith.constant 0 : i32
        %dma_wait3A_141 = tpu.memref_slice %arg3[%dma_wait3A_139, %dma_wait3A_140] : memref<10000x128xf32, #tpu.memory_space<hbm>> -> memref<10000x128xf32, #tpu.memory_space<hbm>>
        tpu.wait_indirect_dma semaphore(%arg15 : memref<!tpu.dma_semaphore, #tpu.memory_space<semaphore_mem>>) src(%dma_wait3A_141 : memref<10000x128xf32, #tpu.memory_space<hbm>>) dst(%arg13 : memref<80x128xf32, #tpu.memory_space<vmem>>)
        "tpu.region"() ({
          %run_scoped3A = tpu.sem_alloc : memref<!tpu.dma_semaphore, #tpu.memory_space<semaphore_mem>>
          %dma_start3A_212 = arith.constant 0 : i32
          %dma_start3A_213 = arith.constant 0 : i32
          %dma_start3A_214 = tpu.memref_slice %arg8[%dma_start3A_212, %dma_start3A_213] : memref<10000x128xf32, #tpu.memory_space<vmem_shared>> -> memref<10000x128xf32, #tpu.memory_space<vmem_shared>>
          tpu.enqueue_indirect_dma source(%arg13 : memref<80x128xf32, #tpu.memory_space<vmem>>) target(%dma_start3A_214 : memref<10000x128xf32, #tpu.memory_space<vmem_shared>>) offsets(%arg11 : memref<80xi32, #tpu.memory_space<vmem>>) semaphore(%run_scoped3A : memref<!tpu.dma_semaphore, #tpu.memory_space<semaphore_mem>>) {add = true}
          %dma_wait3A_215 = arith.constant 0 : i32
          %dma_wait3A_216 = arith.constant 0 : i32
          %dma_wait3A_217 = tpu.memref_slice %arg8[%dma_wait3A_215, %dma_wait3A_216] : memref<10000x128xf32, #tpu.memory_space<vmem_shared>> -> memref<10000x128xf32, #tpu.memory_space<vmem_shared>>
          tpu.wait_indirect_dma semaphore(%run_scoped3A : memref<!tpu.dma_semaphore, #tpu.memory_space<semaphore_mem>>) src(%arg13 : memref<80x128xf32, #tpu.memory_space<vmem>>) dst(%dma_wait3A_217 : memref<10000x128xf32, #tpu.memory_space<vmem_shared>>)
          tpu.yield
        }) : () -> ()
        %add3A_142 = arith.constant 2 : i32
        %add3A_143 = arith.addi %mul3A_73, %add3A_142 : i32
        %mul3A_144 = arith.constant 80 : i32
        %mul3A_145 = arith.muli %add3A_143, %mul3A_144 : i32
        %dma_start3A_146 = tpu.memref_slice %arg9[%mul3A_145] : memref<10000xi32, #tpu.memory_space<vmem>> -> memref<80xi32, #tpu.memory_space<vmem>>
        %dma_start3A_147 = arith.constant 0 : i32
        %dma_start3A_148 = arith.constant 0 : i32
        %dma_start3A_149 = tpu.memref_slice %arg3[%dma_start3A_147, %dma_start3A_148] : memref<10000x128xf32, #tpu.memory_space<hbm>> -> memref<10000x128xf32, #tpu.memory_space<hbm>>
        tpu.enqueue_indirect_dma source(%dma_start3A_149 : memref<10000x128xf32, #tpu.memory_space<hbm>>) target(%arg13 : memref<80x128xf32, #tpu.memory_space<vmem>>) offsets(%dma_start3A_146 : memref<80xi32, #tpu.memory_space<vmem>>) semaphore(%arg15 : memref<!tpu.dma_semaphore, #tpu.memory_space<semaphore_mem>>)
        %mul3A_150 = arith.constant 80 : i32
        %mul3A_151 = arith.muli %add3A_74, %mul3A_150 : i32
        %add3A_152 = arith.constant 0 : i32
        %add3A_153 = arith.addi %mul3A_151, %add3A_152 : i32
        %get3A_154 = arith.index_cast %add3A_153 : i32 to index
        %get3A_155 = tpu.vector_load %arg10[%get3A_154] {strides = array<i32>} : memref<10000xi32, #tpu.memory_space<vmem>>, vector<16xi32>,
        %get3A_156 = vector.shape_cast %get3A_155 : vector<16xi32> to vector<16xi32>
        %swap3A_157 = arith.constant 0 : index
        %swap3A_158 = tpu.vector_load %arg12[%swap3A_157] {strides = array<i32>} : memref<80xi32, #tpu.memory_space<vmem>>, vector<16xi32>,
        %swap3A_159 = vector.shape_cast %swap3A_158 : vector<16xi32> to vector<16xi32>
        %swap3A_160 = vector.shape_cast %get3A_156 : vector<16xi32> to vector<16xi32>
        tpu.vector_store %arg12[%swap3A_157], %swap3A_160 {strides = array<i32>} : memref<80xi32, #tpu.memory_space<vmem>>, vector<16xi32>,
        %mul3A_161 = arith.constant 80 : i32
        %mul3A_162 = arith.muli %add3A_74, %mul3A_161 : i32
        %add3A_163 = arith.constant 16 : i32
        %add3A_164 = arith.addi %mul3A_162, %add3A_163 : i32
        %get3A_165 = arith.index_cast %add3A_164 : i32 to index
        %get3A_166 = tpu.vector_load %arg10[%get3A_165] {strides = array<i32>} : memref<10000xi32, #tpu.memory_space<vmem>>, vector<16xi32>,
        %get3A_167 = vector.shape_cast %get3A_166 : vector<16xi32> to vector<16xi32>
        %swap3A_168 = arith.constant 16 : index
        %swap3A_169 = tpu.vector_load %arg12[%swap3A_168] {strides = array<i32>} : memref<80xi32, #tpu.memory_space<vmem>>, vector<16xi32>,
        %swap3A_170 = vector.shape_cast %swap3A_169 : vector<16xi32> to vector<16xi32>
        %swap3A_171 = vector.shape_cast %get3A_167 : vector<16xi32> to vector<16xi32>
        tpu.vector_store %arg12[%swap3A_168], %swap3A_171 {strides = array<i32>} : memref<80xi32, #tpu.memory_space<vmem>>, vector<16xi32>,
        %mul3A_172 = arith.constant 80 : i32
        %mul3A_173 = arith.muli %add3A_74, %mul3A_172 : i32
        %add3A_174 = arith.constant 32 : i32
        %add3A_175 = arith.addi %mul3A_173, %add3A_174 : i32
        %get3A_176 = arith.index_cast %add3A_175 : i32 to index
        %get3A_177 = tpu.vector_load %arg10[%get3A_176] {strides = array<i32>} : memref<10000xi32, #tpu.memory_space<vmem>>, vector<16xi32>,
        %get3A_178 = vector.shape_cast %get3A_177 : vector<16xi32> to vector<16xi32>
        %swap3A_179 = arith.constant 32 : index
        %swap3A_180 = tpu.vector_load %arg12[%swap3A_179] {strides = array<i32>} : memref<80xi32, #tpu.memory_space<vmem>>, vector<16xi32>,
        %swap3A_181 = vector.shape_cast %swap3A_180 : vector<16xi32> to vector<16xi32>
        %swap3A_182 = vector.shape_cast %get3A_178 : vector<16xi32> to vector<16xi32>
        tpu.vector_store %arg12[%swap3A_179], %swap3A_182 {strides = array<i32>} : memref<80xi32, #tpu.memory_space<vmem>>, vector<16xi32>,
        %mul3A_183 = arith.constant 80 : i32
        %mul3A_184 = arith.muli %add3A_74, %mul3A_183 : i32
        %add3A_185 = arith.constant 48 : i32
        %add3A_186 = arith.addi %mul3A_184, %add3A_185 : i32
        %get3A_187 = arith.index_cast %add3A_186 : i32 to index
        %get3A_188 = tpu.vector_load %arg10[%get3A_187] {strides = array<i32>} : memref<10000xi32, #tpu.memory_space<vmem>>, vector<16xi32>,
        %get3A_189 = vector.shape_cast %get3A_188 : vector<16xi32> to vector<16xi32>
        %swap3A_190 = arith.constant 48 : index
        %swap3A_191 = tpu.vector_load %arg12[%swap3A_190] {strides = array<i32>} : memref<80xi32, #tpu.memory_space<vmem>>, vector<16xi32>,
        %swap3A_192 = vector.shape_cast %swap3A_191 : vector<16xi32> to vector<16xi32>
        %swap3A_193 = vector.shape_cast %get3A_189 : vector<16xi32> to vector<16xi32>
        tpu.vector_store %arg12[%swap3A_190], %swap3A_193 {strides = array<i32>} : memref<80xi32, #tpu.memory_space<vmem>>, vector<16xi32>,
        %mul3A_194 = arith.constant 80 : i32
        %mul3A_195 = arith.muli %add3A_74, %mul3A_194 : i32
        %add3A_196 = arith.constant 64 : i32
        %add3A_197 = arith.addi %mul3A_195, %add3A_196 : i32
        %get3A_198 = arith.index_cast %add3A_197 : i32 to index
        %get3A_199 = tpu.vector_load %arg10[%get3A_198] {strides = array<i32>} : memref<10000xi32, #tpu.memory_space<vmem>>, vector<16xi32>,
        %get3A_200 = vector.shape_cast %get3A_199 : vector<16xi32> to vector<16xi32>
        %swap3A_201 = arith.constant 64 : index
        %swap3A_202 = tpu.vector_load %arg12[%swap3A_201] {strides = array<i32>} : memref<80xi32, #tpu.memory_space<vmem>>, vector<16xi32>,
        %swap3A_203 = vector.shape_cast %swap3A_202 : vector<16xi32> to vector<16xi32>
        %swap3A_204 = vector.shape_cast %get3A_200 : vector<16xi32> to vector<16xi32>
        tpu.vector_store %arg12[%swap3A_201], %swap3A_204 {strides = array<i32>} : memref<80xi32, #tpu.memory_space<vmem>>, vector<16xi32>,
        %mul3A_205 = arith.constant 80 : i32
        %mul3A_206 = arith.muli %add3A_74, %mul3A_205 : i32
        %dma_wait3A_207 = tpu.memref_slice %arg9[%mul3A_206] : memref<10000xi32, #tpu.memory_space<vmem>> -> memref<80xi32, #tpu.memory_space<vmem>>
        %dma_wait3A_208 = arith.constant 0 : i32
        %dma_wait3A_209 = arith.constant 0 : i32
        %dma_wait3A_210 = tpu.memref_slice %arg3[%dma_wait3A_208, %dma_wait3A_209] : memref<10000x128xf32, #tpu.memory_space<hbm>> -> memref<10000x128xf32, #tpu.memory_space<hbm>>
        tpu.wait_indirect_dma semaphore(%arg16 : memref<!tpu.dma_semaphore, #tpu.memory_space<semaphore_mem>>) src(%dma_wait3A_210 : memref<10000x128xf32, #tpu.memory_space<hbm>>) dst(%arg14 : memref<80x128xf32, #tpu.memory_space<vmem>>)
        "tpu.region"() ({
          %run_scoped3A = tpu.sem_alloc : memref<!tpu.dma_semaphore, #tpu.memory_space<semaphore_mem>>
          %dma_start3A_212 = arith.constant 0 : i32
          %dma_start3A_213 = arith.constant 0 : i32
          %dma_start3A_214 = tpu.memref_slice %arg8[%dma_start3A_212, %dma_start3A_213] : memref<10000x128xf32, #tpu.memory_space<vmem_shared>> -> memref<10000x128xf32, #tpu.memory_space<vmem_shared>>
          tpu.enqueue_indirect_dma source(%arg14 : memref<80x128xf32, #tpu.memory_space<vmem>>) target(%dma_start3A_214 : memref<10000x128xf32, #tpu.memory_space<vmem_shared>>) offsets(%arg12 : memref<80xi32, #tpu.memory_space<vmem>>) semaphore(%run_scoped3A : memref<!tpu.dma_semaphore, #tpu.memory_space<semaphore_mem>>) {add = true}
          %dma_wait3A_215 = arith.constant 0 : i32
          %dma_wait3A_216 = arith.constant 0 : i32
          %dma_wait3A_217 = tpu.memref_slice %arg8[%dma_wait3A_215, %dma_wait3A_216] : memref<10000x128xf32, #tpu.memory_space<vmem_shared>> -> memref<10000x128xf32, #tpu.memory_space<vmem_shared>>
          tpu.wait_indirect_dma semaphore(%run_scoped3A : memref<!tpu.dma_semaphore, #tpu.memory_space<semaphore_mem>>) src(%arg14 : memref<80x128xf32, #tpu.memory_space<vmem>>) dst(%dma_wait3A_217 : memref<10000x128xf32, #tpu.memory_space<vmem_shared>>)
          tpu.yield
        }) : () -> ()
        %scan3A_211 = arith.constant 0 : i32
        scf.yield %scan3A_211 : i32
      }
      %scan3A_24 = arith.constant 62 : i32
      %get3A = arith.constant 9920 : index
      %get3A_25 = tpu.vector_load %arg10[%get3A] {strides = array<i32>} : memref<10000xi32, #tpu.memory_space<vmem>>, vector<16xi32>,
      %get3A_26 = vector.shape_cast %get3A_25 : vector<16xi32> to vector<16xi32>
      %swap3A = arith.constant 0 : index
      %swap3A_27 = tpu.vector_load %arg11[%swap3A] {strides = array<i32>} : memref<80xi32, #tpu.memory_space<vmem>>, vector<16xi32>,
      %swap3A_28 = vector.shape_cast %swap3A_27 : vector<16xi32> to vector<16xi32>
      %swap3A_29 = vector.shape_cast %get3A_26 : vector<16xi32> to vector<16xi32>
      tpu.vector_store %arg11[%swap3A], %swap3A_29 {strides = array<i32>} : memref<80xi32, #tpu.memory_space<vmem>>, vector<16xi32>,
      %get3A_30 = arith.constant 9936 : index
      %get3A_31 = tpu.vector_load %arg10[%get3A_30] {strides = array<i32>} : memref<10000xi32, #tpu.memory_space<vmem>>, vector<16xi32>,
      %get3A_32 = vector.shape_cast %get3A_31 : vector<16xi32> to vector<16xi32>
      %swap3A_33 = arith.constant 16 : index
      %swap3A_34 = tpu.vector_load %arg11[%swap3A_33] {strides = array<i32>} : memref<80xi32, #tpu.memory_space<vmem>>, vector<16xi32>,
      %swap3A_35 = vector.shape_cast %swap3A_34 : vector<16xi32> to vector<16xi32>
      %swap3A_36 = vector.shape_cast %get3A_32 : vector<16xi32> to vector<16xi32>
      tpu.vector_store %arg11[%swap3A_33], %swap3A_36 {strides = array<i32>} : memref<80xi32, #tpu.memory_space<vmem>>, vector<16xi32>,
      %get3A_37 = arith.constant 9952 : index
      %get3A_38 = tpu.vector_load %arg10[%get3A_37] {strides = array<i32>} : memref<10000xi32, #tpu.memory_space<vmem>>, vector<16xi32>,
      %get3A_39 = vector.shape_cast %get3A_38 : vector<16xi32> to vector<16xi32>
      %swap3A_40 = arith.constant 32 : index
      %swap3A_41 = tpu.vector_load %arg11[%swap3A_40] {strides = array<i32>} : memref<80xi32, #tpu.memory_space<vmem>>, vector<16xi32>,
      %swap3A_42 = vector.shape_cast %swap3A_41 : vector<16xi32> to vector<16xi32>
      %swap3A_43 = vector.shape_cast %get3A_39 : vector<16xi32> to vector<16xi32>
      tpu.vector_store %arg11[%swap3A_40], %swap3A_43 {strides = array<i32>} : memref<80xi32, #tpu.memory_space<vmem>>, vector<16xi32>,
      %get3A_44 = arith.constant 9968 : index
      %get3A_45 = tpu.vector_load %arg10[%get3A_44] {strides = array<i32>} : memref<10000xi32, #tpu.memory_space<vmem>>, vector<16xi32>,
      %get3A_46 = vector.shape_cast %get3A_45 : vector<16xi32> to vector<16xi32>
      %swap3A_47 = arith.constant 48 : index
      %swap3A_48 = tpu.vector_load %arg11[%swap3A_47] {strides = array<i32>} : memref<80xi32, #tpu.memory_space<vmem>>, vector<16xi32>,
      %swap3A_49 = vector.shape_cast %swap3A_48 : vector<16xi32> to vector<16xi32>
      %swap3A_50 = vector.shape_cast %get3A_46 : vector<16xi32> to vector<16xi32>
      tpu.vector_store %arg11[%swap3A_47], %swap3A_50 {strides = array<i32>} : memref<80xi32, #tpu.memory_space<vmem>>, vector<16xi32>,
      %get3A_51 = arith.constant 9984 : index
      %get3A_52 = tpu.vector_load %arg10[%get3A_51] {strides = array<i32>} : memref<10000xi32, #tpu.memory_space<vmem>>, vector<16xi32>,
      %get3A_53 = vector.shape_cast %get3A_52 : vector<16xi32> to vector<16xi32>
      %swap3A_54 = arith.constant 64 : index
      %swap3A_55 = tpu.vector_load %arg11[%swap3A_54] {strides = array<i32>} : memref<80xi32, #tpu.memory_space<vmem>>, vector<16xi32>,
      %swap3A_56 = vector.shape_cast %swap3A_55 : vector<16xi32> to vector<16xi32>
      %swap3A_57 = vector.shape_cast %get3A_53 : vector<16xi32> to vector<16xi32>
      tpu.vector_store %arg11[%swap3A_54], %swap3A_57 {strides = array<i32>} : memref<80xi32, #tpu.memory_space<vmem>>, vector<16xi32>,
      %dma_wait3A = arith.constant 9920 : i32
      %dma_wait3A_58 = tpu.memref_slice %arg9[%dma_wait3A] : memref<10000xi32, #tpu.memory_space<vmem>> -> memref<80xi32, #tpu.memory_space<vmem>>
      %dma_wait3A_59 = arith.constant 0 : i32
      %dma_wait3A_60 = arith.constant 0 : i32
      %dma_wait3A_61 = tpu.memref_slice %arg3[%dma_wait3A_59, %dma_wait3A_60] : memref<10000x128xf32, #tpu.memory_space<hbm>> -> memref<10000x128xf32, #tpu.memory_space<hbm>>
      tpu.wait_indirect_dma semaphore(%arg15 : memref<!tpu.dma_semaphore, #tpu.memory_space<semaphore_mem>>) src(%dma_wait3A_61 : memref<10000x128xf32, #tpu.memory_space<hbm>>) dst(%arg13 : memref<80x128xf32, #tpu.memory_space<vmem>>)
      "tpu.region"() ({
        %run_scoped3A = tpu.sem_alloc : memref<!tpu.dma_semaphore, #tpu.memory_space<semaphore_mem>>
        %dma_start3A_70 = arith.constant 0 : i32
        %dma_start3A_71 = arith.constant 0 : i32
        %dma_start3A_72 = tpu.memref_slice %arg8[%dma_start3A_70, %dma_start3A_71] : memref<10000x128xf32, #tpu.memory_space<vmem_shared>> -> memref<10000x128xf32, #tpu.memory_space<vmem_shared>>
        tpu.enqueue_indirect_dma source(%arg13 : memref<80x128xf32, #tpu.memory_space<vmem>>) target(%dma_start3A_72 : memref<10000x128xf32, #tpu.memory_space<vmem_shared>>) offsets(%arg11 : memref<80xi32, #tpu.memory_space<vmem>>) semaphore(%run_scoped3A : memref<!tpu.dma_semaphore, #tpu.memory_space<semaphore_mem>>) {add = true}
        %dma_wait3A_73 = arith.constant 0 : i32
        %dma_wait3A_74 = arith.constant 0 : i32
        %dma_wait3A_75 = tpu.memref_slice %arg8[%dma_wait3A_73, %dma_wait3A_74] : memref<10000x128xf32, #tpu.memory_space<vmem_shared>> -> memref<10000x128xf32, #tpu.memory_space<vmem_shared>>
        tpu.wait_indirect_dma semaphore(%run_scoped3A : memref<!tpu.dma_semaphore, #tpu.memory_space<semaphore_mem>>) src(%arg13 : memref<80x128xf32, #tpu.memory_space<vmem>>) dst(%dma_wait3A_75 : memref<10000x128xf32, #tpu.memory_space<vmem_shared>>)
        tpu.yield
      }) : () -> ()
      %barrier3A_62 = arith.constant 0 : index
      tpu.barrier barrier_id(%barrier3A_62)
      %mul3A_63 = arith.constant 624 : i32
      %mul3A_64 = arith.muli %arg1, %mul3A_63 : i32
      "tpu.region"() ({
        %run_scoped3A = tpu.sem_alloc : memref<!tpu.dma_semaphore, #tpu.memory_space<semaphore_mem>>
        %dma_start3A_70 = arith.constant 0 : i32
        %dma_start3A_71 = tpu.memref_slice %arg7[%mul3A_64, %dma_start3A_70] : memref<10000x128xf32, #tpu.memory_space<hbm>> -> memref<624x128xf32, #tpu.memory_space<hbm>>
        %dma_start3A_72 = arith.constant 0 : i32
        %dma_start3A_73 = tpu.memref_slice %arg8[%mul3A_64, %dma_start3A_72] : memref<10000x128xf32, #tpu.memory_space<vmem_shared>> -> memref<624x128xf32, #tpu.memory_space<vmem_shared>>
        tpu.enqueue_dma source(%dma_start3A_73 : memref<624x128xf32, #tpu.memory_space<vmem_shared>>) target(%dma_start3A_71 : memref<624x128xf32, #tpu.memory_space<hbm>>) target_semaphore(%run_scoped3A : memref<!tpu.dma_semaphore, #tpu.memory_space<semaphore_mem>>)
        %dma_wait3A_74 = arith.constant 0 : i32
        %dma_wait3A_75 = tpu.memref_slice %arg7[%mul3A_64, %dma_wait3A_74] : memref<10000x128xf32, #tpu.memory_space<hbm>> -> memref<624x128xf32, #tpu.memory_space<hbm>>
        %dma_wait3A_76 = arith.constant 0 : i32
        %dma_wait3A_77 = tpu.memref_slice %arg8[%mul3A_64, %dma_wait3A_76] : memref<10000x128xf32, #tpu.memory_space<vmem_shared>> -> memref<624x128xf32, #tpu.memory_space<vmem_shared>>
        tpu.wait_dma2 semaphore(%run_scoped3A : memref<!tpu.dma_semaphore, #tpu.memory_space<semaphore_mem>>) src(%dma_wait3A_77 : memref<624x128xf32, #tpu.memory_space<vmem_shared>>) dst(%dma_wait3A_75 : memref<624x128xf32, #tpu.memory_space<hbm>>)
        tpu.yield
      }) : () -> ()
      %eq3A_65 = arith.constant 0 : i32
      %eq3A_66 = arith.cmpi eq, %arg1, %eq3A_65 : i32
      %convert_element_type3A_67 = arith.extui %eq3A_66 : i1 to i32
      %cond3A_68 = arith.constant 0 : i32
      %cond3A_69 = arith.cmpi ne, %convert_element_type3A_67, %cond3A_68 : i32
      scf.if %cond3A_69 {
        "tpu.region"() ({
          %run_scoped3A = tpu.sem_alloc : memref<!tpu.dma_semaphore, #tpu.memory_space<semaphore_mem>>
          %dma_start3A_70 = arith.constant 9984 : i32
          %dma_start3A_71 = arith.constant 0 : i32
          %dma_start3A_72 = tpu.memref_slice %arg7[%dma_start3A_70, %dma_start3A_71] : memref<10000x128xf32, #tpu.memory_space<hbm>> -> memref<16x128xf32, #tpu.memory_space<hbm>>
          %dma_start3A_73 = arith.constant 9984 : i32
          %dma_start3A_74 = arith.constant 0 : i32
          %dma_start3A_75 = tpu.memref_slice %arg8[%dma_start3A_73, %dma_start3A_74] : memref<10000x128xf32, #tpu.memory_space<vmem_shared>> -> memref<16x128xf32, #tpu.memory_space<vmem_shared>>
          tpu.enqueue_dma source(%dma_start3A_75 : memref<16x128xf32, #tpu.memory_space<vmem_shared>>) target(%dma_start3A_72 : memref<16x128xf32, #tpu.memory_space<hbm>>) target_semaphore(%run_scoped3A : memref<!tpu.dma_semaphore, #tpu.memory_space<semaphore_mem>>)
          %dma_wait3A_76 = arith.constant 9984 : i32
          %dma_wait3A_77 = arith.constant 0 : i32
          %dma_wait3A_78 = tpu.memref_slice %arg7[%dma_wait3A_76, %dma_wait3A_77] : memref<10000x128xf32, #tpu.memory_space<hbm>> -> memref<16x128xf32, #tpu.memory_space<hbm>>
          %dma_wait3A_79 = arith.constant 9984 : i32
          %dma_wait3A_80 = arith.constant 0 : i32
          %dma_wait3A_81 = tpu.memref_slice %arg8[%dma_wait3A_79, %dma_wait3A_80] : memref<10000x128xf32, #tpu.memory_space<vmem_shared>> -> memref<16x128xf32, #tpu.memory_space<vmem_shared>>
          tpu.wait_dma2 semaphore(%run_scoped3A : memref<!tpu.dma_semaphore, #tpu.memory_space<semaphore_mem>>) src(%dma_wait3A_81 : memref<16x128xf32, #tpu.memory_space<vmem_shared>>) dst(%dma_wait3A_78 : memref<16x128xf32, #tpu.memory_space<hbm>>)
          tpu.yield
        }) : () -> ()
      } else {
      }
    } else {
    }
    return
  }
}

#map = affine_map<(d0, d1) -> (0, 0)>
#map1 = affine_map<(d0, d1) -> (0)>
module attributes {stable_mosaic.version = 14 : i64} {
  func.func @_agg_body(%arg0: i32, %arg1: i32, %arg2: memref<10000x128xf32, #tpu.memory_space<hbm>>, %arg3: memref<10000x128xf32, #tpu.memory_space<hbm>>, %arg4: memref<160000xi32, #tpu.memory_space<hbm>>, %arg5: memref<160000xi32, #tpu.memory_space<hbm>>, %arg6: memref<10000x128xf32, #tpu.memory_space<hbm>>, %arg7: memref<10000x128xf32, #tpu.memory_space<hbm>>, %arg8: memref<10000x128xf32, #tpu.memory_space<vmem_shared>>, %arg9: memref<10000xi32, #tpu.memory_space<vmem>>, %arg10: memref<10000xi32, #tpu.memory_space<vmem>>, %arg11: memref<80xi32, #tpu.memory_space<vmem>>, %arg12: memref<80xi32, #tpu.memory_space<vmem>>, %arg13: memref<80x128xf32, #tpu.memory_space<vmem>>, %arg14: memref<80x128xf32, #tpu.memory_space<vmem>>, %arg15: memref<!tpu.dma_semaphore, #tpu.memory_space<semaphore_mem>>, %arg16: memref<!tpu.dma_semaphore, #tpu.memory_space<semaphore_mem>>) attributes {dimension_semantics = [#tpu.dimension_semantics<core_parallel>, #tpu.dimension_semantics<subcore_parallel>], iteration_bounds = array<i64: 2, 16>, scalar_prefetch = 0 : i64, scratch_operands = 9 : i64, tpu.core_type = #tpu.core_type<sc_vector_subcore>, window_params = [{transform_indices = #map}, {transform_indices = #map}, {transform_indices = #map1}, {transform_indices = #map1}, {transform_indices = #map}, {transform_indices = #map}]} {
    %eq3A = arith.constant 0 : i32
    %eq3A_0 = arith.cmpi eq, %arg0, %eq3A : i32
    %convert_element_type3A = arith.extui %eq3A_0 : i1 to i32
    %cond3A = arith.constant 0 : i32
    %cond3A_1 = arith.cmpi ne, %convert_element_type3A, %cond3A : i32
    scf.if %cond3A_1 {
      %mul3A = arith.constant 624 : i32
      %mul3A_7 = arith.muli %arg1, %mul3A : i32
      "tpu.region"() ({
        %run_scoped3A = tpu.sem_alloc : memref<!tpu.dma_semaphore, #tpu.memory_space<semaphore_mem>>
        %dma_start3A_70 = arith.constant 0 : i32
        %dma_start3A_71 = tpu.memref_slice %arg8[%mul3A_7, %dma_start3A_70] : memref<10000x128xf32, #tpu.memory_space<vmem_shared>> -> memref<624x128xf32, #tpu.memory_space<vmem_shared>>
        %dma_start3A_72 = arith.constant 0 : i32
        %dma_start3A_73 = tpu.memref_slice %arg2[%mul3A_7, %dma_start3A_72] : memref<10000x128xf32, #tpu.memory_space<hbm>> -> memref<624x128xf32, #tpu.memory_space<hbm>>
        tpu.enqueue_dma source(%dma_start3A_73 : memref<624x128xf32, #tpu.memory_space<hbm>>) target(%dma_start3A_71 : memref<624x128xf32, #tpu.memory_space<vmem_shared>>) target_semaphore(%run_scoped3A : memref<!tpu.dma_semaphore, #tpu.memory_space<semaphore_mem>>)
        %dma_wait3A_74 = arith.constant 0 : i32
        %dma_wait3A_75 = tpu.memref_slice %arg8[%mul3A_7, %dma_wait3A_74] : memref<10000x128xf32, #tpu.memory_space<vmem_shared>> -> memref<624x128xf32, #tpu.memory_space<vmem_shared>>
        %dma_wait3A_76 = arith.constant 0 : i32
        %dma_wait3A_77 = tpu.memref_slice %arg2[%mul3A_7, %dma_wait3A_76] : memref<10000x128xf32, #tpu.memory_space<hbm>> -> memref<624x128xf32, #tpu.memory_space<hbm>>
        tpu.wait_dma2 semaphore(%run_scoped3A : memref<!tpu.dma_semaphore, #tpu.memory_space<semaphore_mem>>) src(%dma_wait3A_77 : memref<624x128xf32, #tpu.memory_space<hbm>>) dst(%dma_wait3A_75 : memref<624x128xf32, #tpu.memory_space<vmem_shared>>)
        tpu.yield
      }) : () -> ()
      %eq3A_8 = arith.constant 0 : i32
      %eq3A_9 = arith.cmpi eq, %arg1, %eq3A_8 : i32
      %convert_element_type3A_10 = arith.extui %eq3A_9 : i1 to i32
      %cond3A_11 = arith.constant 0 : i32
      %cond3A_12 = arith.cmpi ne, %convert_element_type3A_10, %cond3A_11 : i32
      scf.if %cond3A_12 {
        "tpu.region"() ({
          %run_scoped3A = tpu.sem_alloc : memref<!tpu.dma_semaphore, #tpu.memory_space<semaphore_mem>>
          %dma_start3A_70 = arith.constant 9984 : i32
          %dma_start3A_71 = arith.constant 0 : i32
          %dma_start3A_72 = tpu.memref_slice %arg8[%dma_start3A_70, %dma_start3A_71] : memref<10000x128xf32, #tpu.memory_space<vmem_shared>> -> memref<16x128xf32, #tpu.memory_space<vmem_shared>>
          %dma_start3A_73 = arith.constant 9984 : i32
          %dma_start3A_74 = arith.constant 0 : i32
          %dma_start3A_75 = tpu.memref_slice %arg2[%dma_start3A_73, %dma_start3A_74] : memref<10000x128xf32, #tpu.memory_space<hbm>> -> memref<16x128xf32, #tpu.memory_space<hbm>>
          tpu.enqueue_dma source(%dma_start3A_75 : memref<16x128xf32, #tpu.memory_space<hbm>>) target(%dma_start3A_72 : memref<16x128xf32, #tpu.memory_space<vmem_shared>>) target_semaphore(%run_scoped3A : memref<!tpu.dma_semaphore, #tpu.memory_space<semaphore_mem>>)
          %dma_wait3A_76 = arith.constant 9984 : i32
          %dma_wait3A_77 = arith.constant 0 : i32
          %dma_wait3A_78 = tpu.memref_slice %arg8[%dma_wait3A_76, %dma_wait3A_77] : memref<10000x128xf32, #tpu.memory_space<vmem_shared>> -> memref<16x128xf32, #tpu.memory_space<vmem_shared>>
          %dma_wait3A_79 = arith.constant 9984 : i32
          %dma_wait3A_80 = arith.constant 0 : i32
          %dma_wait3A_81 = tpu.memref_slice %arg2[%dma_wait3A_79, %dma_wait3A_80] : memref<10000x128xf32, #tpu.memory_space<hbm>> -> memref<16x128xf32, #tpu.memory_space<hbm>>
          tpu.wait_dma2 semaphore(%run_scoped3A : memref<!tpu.dma_semaphore, #tpu.memory_space<semaphore_mem>>) src(%dma_wait3A_81 : memref<16x128xf32, #tpu.memory_space<hbm>>) dst(%dma_wait3A_78 : memref<16x128xf32, #tpu.memory_space<vmem_shared>>)
          tpu.yield
        }) : () -> ()
      } else {
      }
      %mul3A_13 = arith.constant 10000 : i32
      %mul3A_14 = arith.muli %arg1, %mul3A_13 : i32
      "tpu.region"() ({
        %run_scoped3A = tpu.sem_alloc : memref<!tpu.dma_semaphore, #tpu.memory_space<semaphore_mem>>
        %dma_start3A_70 = tpu.memref_slice %arg4[%mul3A_14] : memref<160000xi32, #tpu.memory_space<hbm>> -> memref<10000xi32, #tpu.memory_space<hbm>>
        %dma_start3A_71 = tpu.memref_slice %arg4[%mul3A_14] : memref<160000xi32, #tpu.memory_space<hbm>> -> memref<10000xi32, #tpu.memory_space<hbm>>
        tpu.enqueue_dma source(%dma_start3A_71 : memref<10000xi32, #tpu.memory_space<hbm>>) target(%arg9 : memref<10000xi32, #tpu.memory_space<vmem>>) target_semaphore(%run_scoped3A : memref<!tpu.dma_semaphore, #tpu.memory_space<semaphore_mem>>)
        %dma_wait3A_72 = tpu.memref_slice %arg4[%mul3A_14] : memref<160000xi32, #tpu.memory_space<hbm>> -> memref<10000xi32, #tpu.memory_space<hbm>>
        %dma_wait3A_73 = tpu.memref_slice %arg4[%mul3A_14] : memref<160000xi32, #tpu.memory_space<hbm>> -> memref<10000xi32, #tpu.memory_space<hbm>>
        tpu.wait_dma2 semaphore(%run_scoped3A : memref<!tpu.dma_semaphore, #tpu.memory_space<semaphore_mem>>) src(%dma_wait3A_73 : memref<10000xi32, #tpu.memory_space<hbm>>) dst(%arg9 : memref<10000xi32, #tpu.memory_space<vmem>>)
        tpu.yield
      }) : () -> ()
      "tpu.region"() ({
        %run_scoped3A = tpu.sem_alloc : memref<!tpu.dma_semaphore, #tpu.memory_space<semaphore_mem>>
        %dma_start3A_70 = tpu.memref_slice %arg5[%mul3A_14] : memref<160000xi32, #tpu.memory_space<hbm>> -> memref<10000xi32, #tpu.memory_space<hbm>>
        %dma_start3A_71 = tpu.memref_slice %arg5[%mul3A_14] : memref<160000xi32, #tpu.memory_space<hbm>> -> memref<10000xi32, #tpu.memory_space<hbm>>
        tpu.enqueue_dma source(%dma_start3A_71 : memref<10000xi32, #tpu.memory_space<hbm>>) target(%arg10 : memref<10000xi32, #tpu.memory_space<vmem>>) target_semaphore(%run_scoped3A : memref<!tpu.dma_semaphore, #tpu.memory_space<semaphore_mem>>)
        %dma_wait3A_72 = tpu.memref_slice %arg5[%mul3A_14] : memref<160000xi32, #tpu.memory_space<hbm>> -> memref<10000xi32, #tpu.memory_space<hbm>>
        %dma_wait3A_73 = tpu.memref_slice %arg5[%mul3A_14] : memref<160000xi32, #tpu.memory_space<hbm>> -> memref<10000xi32, #tpu.memory_space<hbm>>
        tpu.wait_dma2 semaphore(%run_scoped3A : memref<!tpu.dma_semaphore, #tpu.memory_space<semaphore_mem>>) src(%dma_wait3A_73 : memref<10000xi32, #tpu.memory_space<hbm>>) dst(%arg10 : memref<10000xi32, #tpu.memory_space<vmem>>)
        tpu.yield
      }) : () -> ()
      %barrier3A = arith.constant 0 : index
      tpu.barrier barrier_id(%barrier3A)
      %dma_start3A = arith.constant 0 : i32
      %dma_start3A_15 = tpu.memref_slice %arg9[%dma_start3A] : memref<10000xi32, #tpu.memory_space<vmem>> -> memref<80xi32, #tpu.memory_space<vmem>>
      %dma_start3A_16 = arith.constant 0 : i32
      %dma_start3A_17 = arith.constant 0 : i32
      %dma_start3A_18 = tpu.memref_slice %arg2[%dma_start3A_16, %dma_start3A_17] : memref<10000x128xf32, #tpu.memory_space<hbm>> -> memref<10000x128xf32, #tpu.memory_space<hbm>>
      tpu.enqueue_indirect_dma source(%dma_start3A_18 : memref<10000x128xf32, #tpu.memory_space<hbm>>) target(%arg13 : memref<80x128xf32, #tpu.memory_space<vmem>>) offsets(%dma_start3A_15 : memref<80xi32, #tpu.memory_space<vmem>>) semaphore(%arg15 : memref<!tpu.dma_semaphore, #tpu.memory_space<semaphore_mem>>)
      %scan3A = arith.constant 0 : i32
      %scan3A_19 = arith.constant 0 : i32
      %scan3A_20 = arith.constant 62 : i32
      %scan3A_21 = arith.addi %scan3A_19, %scan3A_20 : i32
      %scan3A_22 = arith.constant 1 : i32
      %scan3A_23 = scf.for %scan3A_70 = %scan3A_19 to %scan3A_21 step %scan3A_22 iter_args(%scan3A_71 = %scan3A) -> (i32)  : i32 {
        %mul3A_72 = arith.constant 2 : i32
        %mul3A_73 = arith.muli %mul3A_72, %scan3A_70 : i32
        %add3A = arith.constant 1 : i32
        %add3A_74 = arith.addi %mul3A_73, %add3A : i32
        %mul3A_75 = arith.constant 80 : i32
        %mul3A_76 = arith.muli %add3A_74, %mul3A_75 : i32
        %dma_start3A_77 = tpu.memref_slice %arg9[%mul3A_76] : memref<10000xi32, #tpu.memory_space<vmem>> -> memref<80xi32, #tpu.memory_space<vmem>>
        %dma_start3A_78 = arith.constant 0 : i32
        %dma_start3A_79 = arith.constant 0 : i32
        %dma_start3A_80 = tpu.memref_slice %arg2[%dma_start3A_78, %dma_start3A_79] : memref<10000x128xf32, #tpu.memory_space<hbm>> -> memref<10000x128xf32, #tpu.memory_space<hbm>>
        tpu.enqueue_indirect_dma source(%dma_start3A_80 : memref<10000x128xf32, #tpu.memory_space<hbm>>) target(%arg14 : memref<80x128xf32, #tpu.memory_space<vmem>>) offsets(%dma_start3A_77 : memref<80xi32, #tpu.memory_space<vmem>>) semaphore(%arg16 : memref<!tpu.dma_semaphore, #tpu.memory_space<semaphore_mem>>)
        %mul3A_81 = arith.constant 80 : i32
        %mul3A_82 = arith.muli %mul3A_73, %mul3A_81 : i32
        %add3A_83 = arith.constant 0 : i32
        %add3A_84 = arith.addi %mul3A_82, %add3A_83 : i32
        %get3A_85 = arith.index_cast %add3A_84 : i32 to index
        %get3A_86 = tpu.vector_load %arg10[%get3A_85] {strides = array<i32>} : memref<10000xi32, #tpu.memory_space<vmem>>, vector<16xi32>,
        %get3A_87 = vector.shape_cast %get3A_86 : vector<16xi32> to vector<16xi32>
        %swap3A_88 = arith.constant 0 : index
        %swap3A_89 = tpu.vector_load %arg11[%swap3A_88] {strides = array<i32>} : memref<80xi32, #tpu.memory_space<vmem>>, vector<16xi32>,
        %swap3A_90 = vector.shape_cast %swap3A_89 : vector<16xi32> to vector<16xi32>
        %swap3A_91 = vector.shape_cast %get3A_87 : vector<16xi32> to vector<16xi32>
        tpu.vector_store %arg11[%swap3A_88], %swap3A_91 {strides = array<i32>} : memref<80xi32, #tpu.memory_space<vmem>>, vector<16xi32>,
        %mul3A_92 = arith.constant 80 : i32
        %mul3A_93 = arith.muli %mul3A_73, %mul3A_92 : i32
        %add3A_94 = arith.constant 16 : i32
        %add3A_95 = arith.addi %mul3A_93, %add3A_94 : i32
        %get3A_96 = arith.index_cast %add3A_95 : i32 to index
        %get3A_97 = tpu.vector_load %arg10[%get3A_96] {strides = array<i32>} : memref<10000xi32, #tpu.memory_space<vmem>>, vector<16xi32>,
        %get3A_98 = vector.shape_cast %get3A_97 : vector<16xi32> to vector<16xi32>
        %swap3A_99 = arith.constant 16 : index
        %swap3A_100 = tpu.vector_load %arg11[%swap3A_99] {strides = array<i32>} : memref<80xi32, #tpu.memory_space<vmem>>, vector<16xi32>,
        %swap3A_101 = vector.shape_cast %swap3A_100 : vector<16xi32> to vector<16xi32>
        %swap3A_102 = vector.shape_cast %get3A_98 : vector<16xi32> to vector<16xi32>
        tpu.vector_store %arg11[%swap3A_99], %swap3A_102 {strides = array<i32>} : memref<80xi32, #tpu.memory_space<vmem>>, vector<16xi32>,
        %mul3A_103 = arith.constant 80 : i32
        %mul3A_104 = arith.muli %mul3A_73, %mul3A_103 : i32
        %add3A_105 = arith.constant 32 : i32
        %add3A_106 = arith.addi %mul3A_104, %add3A_105 : i32
        %get3A_107 = arith.index_cast %add3A_106 : i32 to index
        %get3A_108 = tpu.vector_load %arg10[%get3A_107] {strides = array<i32>} : memref<10000xi32, #tpu.memory_space<vmem>>, vector<16xi32>,
        %get3A_109 = vector.shape_cast %get3A_108 : vector<16xi32> to vector<16xi32>
        %swap3A_110 = arith.constant 32 : index
        %swap3A_111 = tpu.vector_load %arg11[%swap3A_110] {strides = array<i32>} : memref<80xi32, #tpu.memory_space<vmem>>, vector<16xi32>,
        %swap3A_112 = vector.shape_cast %swap3A_111 : vector<16xi32> to vector<16xi32>
        %swap3A_113 = vector.shape_cast %get3A_109 : vector<16xi32> to vector<16xi32>
        tpu.vector_store %arg11[%swap3A_110], %swap3A_113 {strides = array<i32>} : memref<80xi32, #tpu.memory_space<vmem>>, vector<16xi32>,
        %mul3A_114 = arith.constant 80 : i32
        %mul3A_115 = arith.muli %mul3A_73, %mul3A_114 : i32
        %add3A_116 = arith.constant 48 : i32
        %add3A_117 = arith.addi %mul3A_115, %add3A_116 : i32
        %get3A_118 = arith.index_cast %add3A_117 : i32 to index
        %get3A_119 = tpu.vector_load %arg10[%get3A_118] {strides = array<i32>} : memref<10000xi32, #tpu.memory_space<vmem>>, vector<16xi32>,
        %get3A_120 = vector.shape_cast %get3A_119 : vector<16xi32> to vector<16xi32>
        %swap3A_121 = arith.constant 48 : index
        %swap3A_122 = tpu.vector_load %arg11[%swap3A_121] {strides = array<i32>} : memref<80xi32, #tpu.memory_space<vmem>>, vector<16xi32>,
        %swap3A_123 = vector.shape_cast %swap3A_122 : vector<16xi32> to vector<16xi32>
        %swap3A_124 = vector.shape_cast %get3A_120 : vector<16xi32> to vector<16xi32>
        tpu.vector_store %arg11[%swap3A_121], %swap3A_124 {strides = array<i32>} : memref<80xi32, #tpu.memory_space<vmem>>, vector<16xi32>,
        %mul3A_125 = arith.constant 80 : i32
        %mul3A_126 = arith.muli %mul3A_73, %mul3A_125 : i32
        %add3A_127 = arith.constant 64 : i32
        %add3A_128 = arith.addi %mul3A_126, %add3A_127 : i32
        %get3A_129 = arith.index_cast %add3A_128 : i32 to index
        %get3A_130 = tpu.vector_load %arg10[%get3A_129] {strides = array<i32>} : memref<10000xi32, #tpu.memory_space<vmem>>, vector<16xi32>,
        %get3A_131 = vector.shape_cast %get3A_130 : vector<16xi32> to vector<16xi32>
        %swap3A_132 = arith.constant 64 : index
        %swap3A_133 = tpu.vector_load %arg11[%swap3A_132] {strides = array<i32>} : memref<80xi32, #tpu.memory_space<vmem>>, vector<16xi32>,
        %swap3A_134 = vector.shape_cast %swap3A_133 : vector<16xi32> to vector<16xi32>
        %swap3A_135 = vector.shape_cast %get3A_131 : vector<16xi32> to vector<16xi32>
        tpu.vector_store %arg11[%swap3A_132], %swap3A_135 {strides = array<i32>} : memref<80xi32, #tpu.memory_space<vmem>>, vector<16xi32>,
        %mul3A_136 = arith.constant 80 : i32
        %mul3A_137 = arith.muli %mul3A_73, %mul3A_136 : i32
        %dma_wait3A_138 = tpu.memref_slice %arg9[%mul3A_137] : memref<10000xi32, #tpu.memory_space<vmem>> -> memref<80xi32, #tpu.memory_space<vmem>>
        %dma_wait3A_139 = arith.constant 0 : i32
        %dma_wait3A_140 = arith.constant 0 : i32
        %dma_wait3A_141 = tpu.memref_slice %arg2[%dma_wait3A_139, %dma_wait3A_140] : memref<10000x128xf32, #tpu.memory_space<hbm>> -> memref<10000x128xf32, #tpu.memory_space<hbm>>
        tpu.wait_indirect_dma semaphore(%arg15 : memref<!tpu.dma_semaphore, #tpu.memory_space<semaphore_mem>>) src(%dma_wait3A_141 : memref<10000x128xf32, #tpu.memory_space<hbm>>) dst(%arg13 : memref<80x128xf32, #tpu.memory_space<vmem>>)
        "tpu.region"() ({
          %run_scoped3A = tpu.sem_alloc : memref<!tpu.dma_semaphore, #tpu.memory_space<semaphore_mem>>
          %dma_start3A_212 = arith.constant 0 : i32
          %dma_start3A_213 = arith.constant 0 : i32
          %dma_start3A_214 = tpu.memref_slice %arg8[%dma_start3A_212, %dma_start3A_213] : memref<10000x128xf32, #tpu.memory_space<vmem_shared>> -> memref<10000x128xf32, #tpu.memory_space<vmem_shared>>
          tpu.enqueue_indirect_dma source(%arg13 : memref<80x128xf32, #tpu.memory_space<vmem>>) target(%dma_start3A_214 : memref<10000x128xf32, #tpu.memory_space<vmem_shared>>) offsets(%arg11 : memref<80xi32, #tpu.memory_space<vmem>>) semaphore(%run_scoped3A : memref<!tpu.dma_semaphore, #tpu.memory_space<semaphore_mem>>) {add = true}
          %dma_wait3A_215 = arith.constant 0 : i32
          %dma_wait3A_216 = arith.constant 0 : i32
          %dma_wait3A_217 = tpu.memref_slice %arg8[%dma_wait3A_215, %dma_wait3A_216] : memref<10000x128xf32, #tpu.memory_space<vmem_shared>> -> memref<10000x128xf32, #tpu.memory_space<vmem_shared>>
          tpu.wait_indirect_dma semaphore(%run_scoped3A : memref<!tpu.dma_semaphore, #tpu.memory_space<semaphore_mem>>) src(%arg13 : memref<80x128xf32, #tpu.memory_space<vmem>>) dst(%dma_wait3A_217 : memref<10000x128xf32, #tpu.memory_space<vmem_shared>>)
          tpu.yield
        }) : () -> ()
        %add3A_142 = arith.constant 2 : i32
        %add3A_143 = arith.addi %mul3A_73, %add3A_142 : i32
        %mul3A_144 = arith.constant 80 : i32
        %mul3A_145 = arith.muli %add3A_143, %mul3A_144 : i32
        %dma_start3A_146 = tpu.memref_slice %arg9[%mul3A_145] : memref<10000xi32, #tpu.memory_space<vmem>> -> memref<80xi32, #tpu.memory_space<vmem>>
        %dma_start3A_147 = arith.constant 0 : i32
        %dma_start3A_148 = arith.constant 0 : i32
        %dma_start3A_149 = tpu.memref_slice %arg2[%dma_start3A_147, %dma_start3A_148] : memref<10000x128xf32, #tpu.memory_space<hbm>> -> memref<10000x128xf32, #tpu.memory_space<hbm>>
        tpu.enqueue_indirect_dma source(%dma_start3A_149 : memref<10000x128xf32, #tpu.memory_space<hbm>>) target(%arg13 : memref<80x128xf32, #tpu.memory_space<vmem>>) offsets(%dma_start3A_146 : memref<80xi32, #tpu.memory_space<vmem>>) semaphore(%arg15 : memref<!tpu.dma_semaphore, #tpu.memory_space<semaphore_mem>>)
        %mul3A_150 = arith.constant 80 : i32
        %mul3A_151 = arith.muli %add3A_74, %mul3A_150 : i32
        %add3A_152 = arith.constant 0 : i32
        %add3A_153 = arith.addi %mul3A_151, %add3A_152 : i32
        %get3A_154 = arith.index_cast %add3A_153 : i32 to index
        %get3A_155 = tpu.vector_load %arg10[%get3A_154] {strides = array<i32>} : memref<10000xi32, #tpu.memory_space<vmem>>, vector<16xi32>,
        %get3A_156 = vector.shape_cast %get3A_155 : vector<16xi32> to vector<16xi32>
        %swap3A_157 = arith.constant 0 : index
        %swap3A_158 = tpu.vector_load %arg12[%swap3A_157] {strides = array<i32>} : memref<80xi32, #tpu.memory_space<vmem>>, vector<16xi32>,
        %swap3A_159 = vector.shape_cast %swap3A_158 : vector<16xi32> to vector<16xi32>
        %swap3A_160 = vector.shape_cast %get3A_156 : vector<16xi32> to vector<16xi32>
        tpu.vector_store %arg12[%swap3A_157], %swap3A_160 {strides = array<i32>} : memref<80xi32, #tpu.memory_space<vmem>>, vector<16xi32>,
        %mul3A_161 = arith.constant 80 : i32
        %mul3A_162 = arith.muli %add3A_74, %mul3A_161 : i32
        %add3A_163 = arith.constant 16 : i32
        %add3A_164 = arith.addi %mul3A_162, %add3A_163 : i32
        %get3A_165 = arith.index_cast %add3A_164 : i32 to index
        %get3A_166 = tpu.vector_load %arg10[%get3A_165] {strides = array<i32>} : memref<10000xi32, #tpu.memory_space<vmem>>, vector<16xi32>,
        %get3A_167 = vector.shape_cast %get3A_166 : vector<16xi32> to vector<16xi32>
        %swap3A_168 = arith.constant 16 : index
        %swap3A_169 = tpu.vector_load %arg12[%swap3A_168] {strides = array<i32>} : memref<80xi32, #tpu.memory_space<vmem>>, vector<16xi32>,
        %swap3A_170 = vector.shape_cast %swap3A_169 : vector<16xi32> to vector<16xi32>
        %swap3A_171 = vector.shape_cast %get3A_167 : vector<16xi32> to vector<16xi32>
        tpu.vector_store %arg12[%swap3A_168], %swap3A_171 {strides = array<i32>} : memref<80xi32, #tpu.memory_space<vmem>>, vector<16xi32>,
        %mul3A_172 = arith.constant 80 : i32
        %mul3A_173 = arith.muli %add3A_74, %mul3A_172 : i32
        %add3A_174 = arith.constant 32 : i32
        %add3A_175 = arith.addi %mul3A_173, %add3A_174 : i32
        %get3A_176 = arith.index_cast %add3A_175 : i32 to index
        %get3A_177 = tpu.vector_load %arg10[%get3A_176] {strides = array<i32>} : memref<10000xi32, #tpu.memory_space<vmem>>, vector<16xi32>,
        %get3A_178 = vector.shape_cast %get3A_177 : vector<16xi32> to vector<16xi32>
        %swap3A_179 = arith.constant 32 : index
        %swap3A_180 = tpu.vector_load %arg12[%swap3A_179] {strides = array<i32>} : memref<80xi32, #tpu.memory_space<vmem>>, vector<16xi32>,
        %swap3A_181 = vector.shape_cast %swap3A_180 : vector<16xi32> to vector<16xi32>
        %swap3A_182 = vector.shape_cast %get3A_178 : vector<16xi32> to vector<16xi32>
        tpu.vector_store %arg12[%swap3A_179], %swap3A_182 {strides = array<i32>} : memref<80xi32, #tpu.memory_space<vmem>>, vector<16xi32>,
        %mul3A_183 = arith.constant 80 : i32
        %mul3A_184 = arith.muli %add3A_74, %mul3A_183 : i32
        %add3A_185 = arith.constant 48 : i32
        %add3A_186 = arith.addi %mul3A_184, %add3A_185 : i32
        %get3A_187 = arith.index_cast %add3A_186 : i32 to index
        %get3A_188 = tpu.vector_load %arg10[%get3A_187] {strides = array<i32>} : memref<10000xi32, #tpu.memory_space<vmem>>, vector<16xi32>,
        %get3A_189 = vector.shape_cast %get3A_188 : vector<16xi32> to vector<16xi32>
        %swap3A_190 = arith.constant 48 : index
        %swap3A_191 = tpu.vector_load %arg12[%swap3A_190] {strides = array<i32>} : memref<80xi32, #tpu.memory_space<vmem>>, vector<16xi32>,
        %swap3A_192 = vector.shape_cast %swap3A_191 : vector<16xi32> to vector<16xi32>
        %swap3A_193 = vector.shape_cast %get3A_189 : vector<16xi32> to vector<16xi32>
        tpu.vector_store %arg12[%swap3A_190], %swap3A_193 {strides = array<i32>} : memref<80xi32, #tpu.memory_space<vmem>>, vector<16xi32>,
        %mul3A_194 = arith.constant 80 : i32
        %mul3A_195 = arith.muli %add3A_74, %mul3A_194 : i32
        %add3A_196 = arith.constant 64 : i32
        %add3A_197 = arith.addi %mul3A_195, %add3A_196 : i32
        %get3A_198 = arith.index_cast %add3A_197 : i32 to index
        %get3A_199 = tpu.vector_load %arg10[%get3A_198] {strides = array<i32>} : memref<10000xi32, #tpu.memory_space<vmem>>, vector<16xi32>,
        %get3A_200 = vector.shape_cast %get3A_199 : vector<16xi32> to vector<16xi32>
        %swap3A_201 = arith.constant 64 : index
        %swap3A_202 = tpu.vector_load %arg12[%swap3A_201] {strides = array<i32>} : memref<80xi32, #tpu.memory_space<vmem>>, vector<16xi32>,
        %swap3A_203 = vector.shape_cast %swap3A_202 : vector<16xi32> to vector<16xi32>
        %swap3A_204 = vector.shape_cast %get3A_200 : vector<16xi32> to vector<16xi32>
        tpu.vector_store %arg12[%swap3A_201], %swap3A_204 {strides = array<i32>} : memref<80xi32, #tpu.memory_space<vmem>>, vector<16xi32>,
        %mul3A_205 = arith.constant 80 : i32
        %mul3A_206 = arith.muli %add3A_74, %mul3A_205 : i32
        %dma_wait3A_207 = tpu.memref_slice %arg9[%mul3A_206] : memref<10000xi32, #tpu.memory_space<vmem>> -> memref<80xi32, #tpu.memory_space<vmem>>
        %dma_wait3A_208 = arith.constant 0 : i32
        %dma_wait3A_209 = arith.constant 0 : i32
        %dma_wait3A_210 = tpu.memref_slice %arg2[%dma_wait3A_208, %dma_wait3A_209] : memref<10000x128xf32, #tpu.memory_space<hbm>> -> memref<10000x128xf32, #tpu.memory_space<hbm>>
        tpu.wait_indirect_dma semaphore(%arg16 : memref<!tpu.dma_semaphore, #tpu.memory_space<semaphore_mem>>) src(%dma_wait3A_210 : memref<10000x128xf32, #tpu.memory_space<hbm>>) dst(%arg14 : memref<80x128xf32, #tpu.memory_space<vmem>>)
        "tpu.region"() ({
          %run_scoped3A = tpu.sem_alloc : memref<!tpu.dma_semaphore, #tpu.memory_space<semaphore_mem>>
          %dma_start3A_212 = arith.constant 0 : i32
          %dma_start3A_213 = arith.constant 0 : i32
          %dma_start3A_214 = tpu.memref_slice %arg8[%dma_start3A_212, %dma_start3A_213] : memref<10000x128xf32, #tpu.memory_space<vmem_shared>> -> memref<10000x128xf32, #tpu.memory_space<vmem_shared>>
          tpu.enqueue_indirect_dma source(%arg14 : memref<80x128xf32, #tpu.memory_space<vmem>>) target(%dma_start3A_214 : memref<10000x128xf32, #tpu.memory_space<vmem_shared>>) offsets(%arg12 : memref<80xi32, #tpu.memory_space<vmem>>) semaphore(%run_scoped3A : memref<!tpu.dma_semaphore, #tpu.memory_space<semaphore_mem>>) {add = true}
          %dma_wait3A_215 = arith.constant 0 : i32
          %dma_wait3A_216 = arith.constant 0 : i32
          %dma_wait3A_217 = tpu.memref_slice %arg8[%dma_wait3A_215, %dma_wait3A_216] : memref<10000x128xf32, #tpu.memory_space<vmem_shared>> -> memref<10000x128xf32, #tpu.memory_space<vmem_shared>>
          tpu.wait_indirect_dma semaphore(%run_scoped3A : memref<!tpu.dma_semaphore, #tpu.memory_space<semaphore_mem>>) src(%arg14 : memref<80x128xf32, #tpu.memory_space<vmem>>) dst(%dma_wait3A_217 : memref<10000x128xf32, #tpu.memory_space<vmem_shared>>)
          tpu.yield
        }) : () -> ()
        %scan3A_211 = arith.constant 0 : i32
        scf.yield %scan3A_211 : i32
      }
      %scan3A_24 = arith.constant 62 : i32
      %get3A = arith.constant 9920 : index
      %get3A_25 = tpu.vector_load %arg10[%get3A] {strides = array<i32>} : memref<10000xi32, #tpu.memory_space<vmem>>, vector<16xi32>,
      %get3A_26 = vector.shape_cast %get3A_25 : vector<16xi32> to vector<16xi32>
      %swap3A = arith.constant 0 : index
      %swap3A_27 = tpu.vector_load %arg11[%swap3A] {strides = array<i32>} : memref<80xi32, #tpu.memory_space<vmem>>, vector<16xi32>,
      %swap3A_28 = vector.shape_cast %swap3A_27 : vector<16xi32> to vector<16xi32>
      %swap3A_29 = vector.shape_cast %get3A_26 : vector<16xi32> to vector<16xi32>
      tpu.vector_store %arg11[%swap3A], %swap3A_29 {strides = array<i32>} : memref<80xi32, #tpu.memory_space<vmem>>, vector<16xi32>,
      %get3A_30 = arith.constant 9936 : index
      %get3A_31 = tpu.vector_load %arg10[%get3A_30] {strides = array<i32>} : memref<10000xi32, #tpu.memory_space<vmem>>, vector<16xi32>,
      %get3A_32 = vector.shape_cast %get3A_31 : vector<16xi32> to vector<16xi32>
      %swap3A_33 = arith.constant 16 : index
      %swap3A_34 = tpu.vector_load %arg11[%swap3A_33] {strides = array<i32>} : memref<80xi32, #tpu.memory_space<vmem>>, vector<16xi32>,
      %swap3A_35 = vector.shape_cast %swap3A_34 : vector<16xi32> to vector<16xi32>
      %swap3A_36 = vector.shape_cast %get3A_32 : vector<16xi32> to vector<16xi32>
      tpu.vector_store %arg11[%swap3A_33], %swap3A_36 {strides = array<i32>} : memref<80xi32, #tpu.memory_space<vmem>>, vector<16xi32>,
      %get3A_37 = arith.constant 9952 : index
      %get3A_38 = tpu.vector_load %arg10[%get3A_37] {strides = array<i32>} : memref<10000xi32, #tpu.memory_space<vmem>>, vector<16xi32>,
      %get3A_39 = vector.shape_cast %get3A_38 : vector<16xi32> to vector<16xi32>
      %swap3A_40 = arith.constant 32 : index
      %swap3A_41 = tpu.vector_load %arg11[%swap3A_40] {strides = array<i32>} : memref<80xi32, #tpu.memory_space<vmem>>, vector<16xi32>,
      %swap3A_42 = vector.shape_cast %swap3A_41 : vector<16xi32> to vector<16xi32>
      %swap3A_43 = vector.shape_cast %get3A_39 : vector<16xi32> to vector<16xi32>
      tpu.vector_store %arg11[%swap3A_40], %swap3A_43 {strides = array<i32>} : memref<80xi32, #tpu.memory_space<vmem>>, vector<16xi32>,
      %get3A_44 = arith.constant 9968 : index
      %get3A_45 = tpu.vector_load %arg10[%get3A_44] {strides = array<i32>} : memref<10000xi32, #tpu.memory_space<vmem>>, vector<16xi32>,
      %get3A_46 = vector.shape_cast %get3A_45 : vector<16xi32> to vector<16xi32>
      %swap3A_47 = arith.constant 48 : index
      %swap3A_48 = tpu.vector_load %arg11[%swap3A_47] {strides = array<i32>} : memref<80xi32, #tpu.memory_space<vmem>>, vector<16xi32>,
      %swap3A_49 = vector.shape_cast %swap3A_48 : vector<16xi32> to vector<16xi32>
      %swap3A_50 = vector.shape_cast %get3A_46 : vector<16xi32> to vector<16xi32>
      tpu.vector_store %arg11[%swap3A_47], %swap3A_50 {strides = array<i32>} : memref<80xi32, #tpu.memory_space<vmem>>, vector<16xi32>,
      %get3A_51 = arith.constant 9984 : index
      %get3A_52 = tpu.vector_load %arg10[%get3A_51] {strides = array<i32>} : memref<10000xi32, #tpu.memory_space<vmem>>, vector<16xi32>,
      %get3A_53 = vector.shape_cast %get3A_52 : vector<16xi32> to vector<16xi32>
      %swap3A_54 = arith.constant 64 : index
      %swap3A_55 = tpu.vector_load %arg11[%swap3A_54] {strides = array<i32>} : memref<80xi32, #tpu.memory_space<vmem>>, vector<16xi32>,
      %swap3A_56 = vector.shape_cast %swap3A_55 : vector<16xi32> to vector<16xi32>
      %swap3A_57 = vector.shape_cast %get3A_53 : vector<16xi32> to vector<16xi32>
      tpu.vector_store %arg11[%swap3A_54], %swap3A_57 {strides = array<i32>} : memref<80xi32, #tpu.memory_space<vmem>>, vector<16xi32>,
      %dma_wait3A = arith.constant 9920 : i32
      %dma_wait3A_58 = tpu.memref_slice %arg9[%dma_wait3A] : memref<10000xi32, #tpu.memory_space<vmem>> -> memref<80xi32, #tpu.memory_space<vmem>>
      %dma_wait3A_59 = arith.constant 0 : i32
      %dma_wait3A_60 = arith.constant 0 : i32
      %dma_wait3A_61 = tpu.memref_slice %arg2[%dma_wait3A_59, %dma_wait3A_60] : memref<10000x128xf32, #tpu.memory_space<hbm>> -> memref<10000x128xf32, #tpu.memory_space<hbm>>
      tpu.wait_indirect_dma semaphore(%arg15 : memref<!tpu.dma_semaphore, #tpu.memory_space<semaphore_mem>>) src(%dma_wait3A_61 : memref<10000x128xf32, #tpu.memory_space<hbm>>) dst(%arg13 : memref<80x128xf32, #tpu.memory_space<vmem>>)
      "tpu.region"() ({
        %run_scoped3A = tpu.sem_alloc : memref<!tpu.dma_semaphore, #tpu.memory_space<semaphore_mem>>
        %dma_start3A_70 = arith.constant 0 : i32
        %dma_start3A_71 = arith.constant 0 : i32
        %dma_start3A_72 = tpu.memref_slice %arg8[%dma_start3A_70, %dma_start3A_71] : memref<10000x128xf32, #tpu.memory_space<vmem_shared>> -> memref<10000x128xf32, #tpu.memory_space<vmem_shared>>
        tpu.enqueue_indirect_dma source(%arg13 : memref<80x128xf32, #tpu.memory_space<vmem>>) target(%dma_start3A_72 : memref<10000x128xf32, #tpu.memory_space<vmem_shared>>) offsets(%arg11 : memref<80xi32, #tpu.memory_space<vmem>>) semaphore(%run_scoped3A : memref<!tpu.dma_semaphore, #tpu.memory_space<semaphore_mem>>) {add = true}
        %dma_wait3A_73 = arith.constant 0 : i32
        %dma_wait3A_74 = arith.constant 0 : i32
        %dma_wait3A_75 = tpu.memref_slice %arg8[%dma_wait3A_73, %dma_wait3A_74] : memref<10000x128xf32, #tpu.memory_space<vmem_shared>> -> memref<10000x128xf32, #tpu.memory_space<vmem_shared>>
        tpu.wait_indirect_dma semaphore(%run_scoped3A : memref<!tpu.dma_semaphore, #tpu.memory_space<semaphore_mem>>) src(%arg13 : memref<80x128xf32, #tpu.memory_space<vmem>>) dst(%dma_wait3A_75 : memref<10000x128xf32, #tpu.memory_space<vmem_shared>>)
        tpu.yield
      }) : () -> ()
      %barrier3A_62 = arith.constant 0 : index
      tpu.barrier barrier_id(%barrier3A_62)
      %mul3A_63 = arith.constant 624 : i32
      %mul3A_64 = arith.muli %arg1, %mul3A_63 : i32
      "tpu.region"() ({
        %run_scoped3A = tpu.sem_alloc : memref<!tpu.dma_semaphore, #tpu.memory_space<semaphore_mem>>
        %dma_start3A_70 = arith.constant 0 : i32
        %dma_start3A_71 = tpu.memref_slice %arg6[%mul3A_64, %dma_start3A_70] : memref<10000x128xf32, #tpu.memory_space<hbm>> -> memref<624x128xf32, #tpu.memory_space<hbm>>
        %dma_start3A_72 = arith.constant 0 : i32
        %dma_start3A_73 = tpu.memref_slice %arg8[%mul3A_64, %dma_start3A_72] : memref<10000x128xf32, #tpu.memory_space<vmem_shared>> -> memref<624x128xf32, #tpu.memory_space<vmem_shared>>
        tpu.enqueue_dma source(%dma_start3A_73 : memref<624x128xf32, #tpu.memory_space<vmem_shared>>) target(%dma_start3A_71 : memref<624x128xf32, #tpu.memory_space<hbm>>) target_semaphore(%run_scoped3A : memref<!tpu.dma_semaphore, #tpu.memory_space<semaphore_mem>>)
        %dma_wait3A_74 = arith.constant 0 : i32
        %dma_wait3A_75 = tpu.memref_slice %arg6[%mul3A_64, %dma_wait3A_74] : memref<10000x128xf32, #tpu.memory_space<hbm>> -> memref<624x128xf32, #tpu.memory_space<hbm>>
        %dma_wait3A_76 = arith.constant 0 : i32
        %dma_wait3A_77 = tpu.memref_slice %arg8[%mul3A_64, %dma_wait3A_76] : memref<10000x128xf32, #tpu.memory_space<vmem_shared>> -> memref<624x128xf32, #tpu.memory_space<vmem_shared>>
        tpu.wait_dma2 semaphore(%run_scoped3A : memref<!tpu.dma_semaphore, #tpu.memory_space<semaphore_mem>>) src(%dma_wait3A_77 : memref<624x128xf32, #tpu.memory_space<vmem_shared>>) dst(%dma_wait3A_75 : memref<624x128xf32, #tpu.memory_space<hbm>>)
        tpu.yield
      }) : () -> ()
      %eq3A_65 = arith.constant 0 : i32
      %eq3A_66 = arith.cmpi eq, %arg1, %eq3A_65 : i32
      %convert_element_type3A_67 = arith.extui %eq3A_66 : i1 to i32
      %cond3A_68 = arith.constant 0 : i32
      %cond3A_69 = arith.cmpi ne, %convert_element_type3A_67, %cond3A_68 : i32
      scf.if %cond3A_69 {
        "tpu.region"() ({
          %run_scoped3A = tpu.sem_alloc : memref<!tpu.dma_semaphore, #tpu.memory_space<semaphore_mem>>
          %dma_start3A_70 = arith.constant 9984 : i32
          %dma_start3A_71 = arith.constant 0 : i32
          %dma_start3A_72 = tpu.memref_slice %arg6[%dma_start3A_70, %dma_start3A_71] : memref<10000x128xf32, #tpu.memory_space<hbm>> -> memref<16x128xf32, #tpu.memory_space<hbm>>
          %dma_start3A_73 = arith.constant 9984 : i32
          %dma_start3A_74 = arith.constant 0 : i32
          %dma_start3A_75 = tpu.memref_slice %arg8[%dma_start3A_73, %dma_start3A_74] : memref<10000x128xf32, #tpu.memory_space<vmem_shared>> -> memref<16x128xf32, #tpu.memory_space<vmem_shared>>
          tpu.enqueue_dma source(%dma_start3A_75 : memref<16x128xf32, #tpu.memory_space<vmem_shared>>) target(%dma_start3A_72 : memref<16x128xf32, #tpu.memory_space<hbm>>) target_semaphore(%run_scoped3A : memref<!tpu.dma_semaphore, #tpu.memory_space<semaphore_mem>>)
          %dma_wait3A_76 = arith.constant 9984 : i32
          %dma_wait3A_77 = arith.constant 0 : i32
          %dma_wait3A_78 = tpu.memref_slice %arg6[%dma_wait3A_76, %dma_wait3A_77] : memref<10000x128xf32, #tpu.memory_space<hbm>> -> memref<16x128xf32, #tpu.memory_space<hbm>>
          %dma_wait3A_79 = arith.constant 9984 : i32
          %dma_wait3A_80 = arith.constant 0 : i32
          %dma_wait3A_81 = tpu.memref_slice %arg8[%dma_wait3A_79, %dma_wait3A_80] : memref<10000x128xf32, #tpu.memory_space<vmem_shared>> -> memref<16x128xf32, #tpu.memory_space<vmem_shared>>
          tpu.wait_dma2 semaphore(%run_scoped3A : memref<!tpu.dma_semaphore, #tpu.memory_space<semaphore_mem>>) src(%dma_wait3A_81 : memref<16x128xf32, #tpu.memory_space<vmem_shared>>) dst(%dma_wait3A_78 : memref<16x128xf32, #tpu.memory_space<hbm>>)
          tpu.yield
        }) : () -> ()
      } else {
      }
    } else {
    }
    %eq3A_2 = arith.constant 1 : i32
    %eq3A_3 = arith.cmpi eq, %arg0, %eq3A_2 : i32
    %convert_element_type3A_4 = arith.extui %eq3A_3 : i1 to i32
    %cond3A_5 = arith.constant 0 : i32
    %cond3A_6 = arith.cmpi ne, %convert_element_type3A_4, %cond3A_5 : i32
    scf.if %cond3A_6 {
      %mul3A = arith.constant 624 : i32
      %mul3A_7 = arith.muli %arg1, %mul3A : i32
      "tpu.region"() ({
        %run_scoped3A = tpu.sem_alloc : memref<!tpu.dma_semaphore, #tpu.memory_space<semaphore_mem>>
        %dma_start3A_70 = arith.constant 0 : i32
        %dma_start3A_71 = tpu.memref_slice %arg8[%mul3A_7, %dma_start3A_70] : memref<10000x128xf32, #tpu.memory_space<vmem_shared>> -> memref<624x128xf32, #tpu.memory_space<vmem_shared>>
        %dma_start3A_72 = arith.constant 0 : i32
        %dma_start3A_73 = tpu.memref_slice %arg3[%mul3A_7, %dma_start3A_72] : memref<10000x128xf32, #tpu.memory_space<hbm>> -> memref<624x128xf32, #tpu.memory_space<hbm>>
        tpu.enqueue_dma source(%dma_start3A_73 : memref<624x128xf32, #tpu.memory_space<hbm>>) target(%dma_start3A_71 : memref<624x128xf32, #tpu.memory_space<vmem_shared>>) target_semaphore(%run_scoped3A : memref<!tpu.dma_semaphore, #tpu.memory_space<semaphore_mem>>)
        %dma_wait3A_74 = arith.constant 0 : i32
        %dma_wait3A_75 = tpu.memref_slice %arg8[%mul3A_7, %dma_wait3A_74] : memref<10000x128xf32, #tpu.memory_space<vmem_shared>> -> memref<624x128xf32, #tpu.memory_space<vmem_shared>>
        %dma_wait3A_76 = arith.constant 0 : i32
        %dma_wait3A_77 = tpu.memref_slice %arg3[%mul3A_7, %dma_wait3A_76] : memref<10000x128xf32, #tpu.memory_space<hbm>> -> memref<624x128xf32, #tpu.memory_space<hbm>>
        tpu.wait_dma2 semaphore(%run_scoped3A : memref<!tpu.dma_semaphore, #tpu.memory_space<semaphore_mem>>) src(%dma_wait3A_77 : memref<624x128xf32, #tpu.memory_space<hbm>>) dst(%dma_wait3A_75 : memref<624x128xf32, #tpu.memory_space<vmem_shared>>)
        tpu.yield
      }) : () -> ()
      %eq3A_8 = arith.constant 0 : i32
      %eq3A_9 = arith.cmpi eq, %arg1, %eq3A_8 : i32
      %convert_element_type3A_10 = arith.extui %eq3A_9 : i1 to i32
      %cond3A_11 = arith.constant 0 : i32
      %cond3A_12 = arith.cmpi ne, %convert_element_type3A_10, %cond3A_11 : i32
      scf.if %cond3A_12 {
        "tpu.region"() ({
          %run_scoped3A = tpu.sem_alloc : memref<!tpu.dma_semaphore, #tpu.memory_space<semaphore_mem>>
          %dma_start3A_70 = arith.constant 9984 : i32
          %dma_start3A_71 = arith.constant 0 : i32
          %dma_start3A_72 = tpu.memref_slice %arg8[%dma_start3A_70, %dma_start3A_71] : memref<10000x128xf32, #tpu.memory_space<vmem_shared>> -> memref<16x128xf32, #tpu.memory_space<vmem_shared>>
          %dma_start3A_73 = arith.constant 9984 : i32
          %dma_start3A_74 = arith.constant 0 : i32
          %dma_start3A_75 = tpu.memref_slice %arg3[%dma_start3A_73, %dma_start3A_74] : memref<10000x128xf32, #tpu.memory_space<hbm>> -> memref<16x128xf32, #tpu.memory_space<hbm>>
          tpu.enqueue_dma source(%dma_start3A_75 : memref<16x128xf32, #tpu.memory_space<hbm>>) target(%dma_start3A_72 : memref<16x128xf32, #tpu.memory_space<vmem_shared>>) target_semaphore(%run_scoped3A : memref<!tpu.dma_semaphore, #tpu.memory_space<semaphore_mem>>)
          %dma_wait3A_76 = arith.constant 9984 : i32
          %dma_wait3A_77 = arith.constant 0 : i32
          %dma_wait3A_78 = tpu.memref_slice %arg8[%dma_wait3A_76, %dma_wait3A_77] : memref<10000x128xf32, #tpu.memory_space<vmem_shared>> -> memref<16x128xf32, #tpu.memory_space<vmem_shared>>
          %dma_wait3A_79 = arith.constant 9984 : i32
          %dma_wait3A_80 = arith.constant 0 : i32
          %dma_wait3A_81 = tpu.memref_slice %arg3[%dma_wait3A_79, %dma_wait3A_80] : memref<10000x128xf32, #tpu.memory_space<hbm>> -> memref<16x128xf32, #tpu.memory_space<hbm>>
          tpu.wait_dma2 semaphore(%run_scoped3A : memref<!tpu.dma_semaphore, #tpu.memory_space<semaphore_mem>>) src(%dma_wait3A_81 : memref<16x128xf32, #tpu.memory_space<hbm>>) dst(%dma_wait3A_78 : memref<16x128xf32, #tpu.memory_space<vmem_shared>>)
          tpu.yield
        }) : () -> ()
      } else {
      }
      %mul3A_13 = arith.constant 10000 : i32
      %mul3A_14 = arith.muli %arg1, %mul3A_13 : i32
      "tpu.region"() ({
        %run_scoped3A = tpu.sem_alloc : memref<!tpu.dma_semaphore, #tpu.memory_space<semaphore_mem>>
        %dma_start3A_70 = tpu.memref_slice %arg4[%mul3A_14] : memref<160000xi32, #tpu.memory_space<hbm>> -> memref<10000xi32, #tpu.memory_space<hbm>>
        %dma_start3A_71 = tpu.memref_slice %arg4[%mul3A_14] : memref<160000xi32, #tpu.memory_space<hbm>> -> memref<10000xi32, #tpu.memory_space<hbm>>
        tpu.enqueue_dma source(%dma_start3A_71 : memref<10000xi32, #tpu.memory_space<hbm>>) target(%arg9 : memref<10000xi32, #tpu.memory_space<vmem>>) target_semaphore(%run_scoped3A : memref<!tpu.dma_semaphore, #tpu.memory_space<semaphore_mem>>)
        %dma_wait3A_72 = tpu.memref_slice %arg4[%mul3A_14] : memref<160000xi32, #tpu.memory_space<hbm>> -> memref<10000xi32, #tpu.memory_space<hbm>>
        %dma_wait3A_73 = tpu.memref_slice %arg4[%mul3A_14] : memref<160000xi32, #tpu.memory_space<hbm>> -> memref<10000xi32, #tpu.memory_space<hbm>>
        tpu.wait_dma2 semaphore(%run_scoped3A : memref<!tpu.dma_semaphore, #tpu.memory_space<semaphore_mem>>) src(%dma_wait3A_73 : memref<10000xi32, #tpu.memory_space<hbm>>) dst(%arg9 : memref<10000xi32, #tpu.memory_space<vmem>>)
        tpu.yield
      }) : () -> ()
      "tpu.region"() ({
        %run_scoped3A = tpu.sem_alloc : memref<!tpu.dma_semaphore, #tpu.memory_space<semaphore_mem>>
        %dma_start3A_70 = tpu.memref_slice %arg5[%mul3A_14] : memref<160000xi32, #tpu.memory_space<hbm>> -> memref<10000xi32, #tpu.memory_space<hbm>>
        %dma_start3A_71 = tpu.memref_slice %arg5[%mul3A_14] : memref<160000xi32, #tpu.memory_space<hbm>> -> memref<10000xi32, #tpu.memory_space<hbm>>
        tpu.enqueue_dma source(%dma_start3A_71 : memref<10000xi32, #tpu.memory_space<hbm>>) target(%arg10 : memref<10000xi32, #tpu.memory_space<vmem>>) target_semaphore(%run_scoped3A : memref<!tpu.dma_semaphore, #tpu.memory_space<semaphore_mem>>)
        %dma_wait3A_72 = tpu.memref_slice %arg5[%mul3A_14] : memref<160000xi32, #tpu.memory_space<hbm>> -> memref<10000xi32, #tpu.memory_space<hbm>>
        %dma_wait3A_73 = tpu.memref_slice %arg5[%mul3A_14] : memref<160000xi32, #tpu.memory_space<hbm>> -> memref<10000xi32, #tpu.memory_space<hbm>>
        tpu.wait_dma2 semaphore(%run_scoped3A : memref<!tpu.dma_semaphore, #tpu.memory_space<semaphore_mem>>) src(%dma_wait3A_73 : memref<10000xi32, #tpu.memory_space<hbm>>) dst(%arg10 : memref<10000xi32, #tpu.memory_space<vmem>>)
        tpu.yield
      }) : () -> ()
      %barrier3A = arith.constant 0 : index
      tpu.barrier barrier_id(%barrier3A)
      %dma_start3A = arith.constant 0 : i32
      %dma_start3A_15 = tpu.memref_slice %arg9[%dma_start3A] : memref<10000xi32, #tpu.memory_space<vmem>> -> memref<80xi32, #tpu.memory_space<vmem>>
      %dma_start3A_16 = arith.constant 0 : i32
      %dma_start3A_17 = arith.constant 0 : i32
      %dma_start3A_18 = tpu.memref_slice %arg3[%dma_start3A_16, %dma_start3A_17] : memref<10000x128xf32, #tpu.memory_space<hbm>> -> memref<10000x128xf32, #tpu.memory_space<hbm>>
      tpu.enqueue_indirect_dma source(%dma_start3A_18 : memref<10000x128xf32, #tpu.memory_space<hbm>>) target(%arg13 : memref<80x128xf32, #tpu.memory_space<vmem>>) offsets(%dma_start3A_15 : memref<80xi32, #tpu.memory_space<vmem>>) semaphore(%arg15 : memref<!tpu.dma_semaphore, #tpu.memory_space<semaphore_mem>>)
      %scan3A = arith.constant 0 : i32
      %scan3A_19 = arith.constant 0 : i32
      %scan3A_20 = arith.constant 62 : i32
      %scan3A_21 = arith.addi %scan3A_19, %scan3A_20 : i32
      %scan3A_22 = arith.constant 1 : i32
      %scan3A_23 = scf.for %scan3A_70 = %scan3A_19 to %scan3A_21 step %scan3A_22 iter_args(%scan3A_71 = %scan3A) -> (i32)  : i32 {
        %mul3A_72 = arith.constant 2 : i32
        %mul3A_73 = arith.muli %mul3A_72, %scan3A_70 : i32
        %add3A = arith.constant 1 : i32
        %add3A_74 = arith.addi %mul3A_73, %add3A : i32
        %mul3A_75 = arith.constant 80 : i32
        %mul3A_76 = arith.muli %add3A_74, %mul3A_75 : i32
        %dma_start3A_77 = tpu.memref_slice %arg9[%mul3A_76] : memref<10000xi32, #tpu.memory_space<vmem>> -> memref<80xi32, #tpu.memory_space<vmem>>
        %dma_start3A_78 = arith.constant 0 : i32
        %dma_start3A_79 = arith.constant 0 : i32
        %dma_start3A_80 = tpu.memref_slice %arg3[%dma_start3A_78, %dma_start3A_79] : memref<10000x128xf32, #tpu.memory_space<hbm>> -> memref<10000x128xf32, #tpu.memory_space<hbm>>
        tpu.enqueue_indirect_dma source(%dma_start3A_80 : memref<10000x128xf32, #tpu.memory_space<hbm>>) target(%arg14 : memref<80x128xf32, #tpu.memory_space<vmem>>) offsets(%dma_start3A_77 : memref<80xi32, #tpu.memory_space<vmem>>) semaphore(%arg16 : memref<!tpu.dma_semaphore, #tpu.memory_space<semaphore_mem>>)
        %mul3A_81 = arith.constant 80 : i32
        %mul3A_82 = arith.muli %mul3A_73, %mul3A_81 : i32
        %add3A_83 = arith.constant 0 : i32
        %add3A_84 = arith.addi %mul3A_82, %add3A_83 : i32
        %get3A_85 = arith.index_cast %add3A_84 : i32 to index
        %get3A_86 = tpu.vector_load %arg10[%get3A_85] {strides = array<i32>} : memref<10000xi32, #tpu.memory_space<vmem>>, vector<16xi32>,
        %get3A_87 = vector.shape_cast %get3A_86 : vector<16xi32> to vector<16xi32>
        %swap3A_88 = arith.constant 0 : index
        %swap3A_89 = tpu.vector_load %arg11[%swap3A_88] {strides = array<i32>} : memref<80xi32, #tpu.memory_space<vmem>>, vector<16xi32>,
        %swap3A_90 = vector.shape_cast %swap3A_89 : vector<16xi32> to vector<16xi32>
        %swap3A_91 = vector.shape_cast %get3A_87 : vector<16xi32> to vector<16xi32>
        tpu.vector_store %arg11[%swap3A_88], %swap3A_91 {strides = array<i32>} : memref<80xi32, #tpu.memory_space<vmem>>, vector<16xi32>,
        %mul3A_92 = arith.constant 80 : i32
        %mul3A_93 = arith.muli %mul3A_73, %mul3A_92 : i32
        %add3A_94 = arith.constant 16 : i32
        %add3A_95 = arith.addi %mul3A_93, %add3A_94 : i32
        %get3A_96 = arith.index_cast %add3A_95 : i32 to index
        %get3A_97 = tpu.vector_load %arg10[%get3A_96] {strides = array<i32>} : memref<10000xi32, #tpu.memory_space<vmem>>, vector<16xi32>,
        %get3A_98 = vector.shape_cast %get3A_97 : vector<16xi32> to vector<16xi32>
        %swap3A_99 = arith.constant 16 : index
        %swap3A_100 = tpu.vector_load %arg11[%swap3A_99] {strides = array<i32>} : memref<80xi32, #tpu.memory_space<vmem>>, vector<16xi32>,
        %swap3A_101 = vector.shape_cast %swap3A_100 : vector<16xi32> to vector<16xi32>
        %swap3A_102 = vector.shape_cast %get3A_98 : vector<16xi32> to vector<16xi32>
        tpu.vector_store %arg11[%swap3A_99], %swap3A_102 {strides = array<i32>} : memref<80xi32, #tpu.memory_space<vmem>>, vector<16xi32>,
        %mul3A_103 = arith.constant 80 : i32
        %mul3A_104 = arith.muli %mul3A_73, %mul3A_103 : i32
        %add3A_105 = arith.constant 32 : i32
        %add3A_106 = arith.addi %mul3A_104, %add3A_105 : i32
        %get3A_107 = arith.index_cast %add3A_106 : i32 to index
        %get3A_108 = tpu.vector_load %arg10[%get3A_107] {strides = array<i32>} : memref<10000xi32, #tpu.memory_space<vmem>>, vector<16xi32>,
        %get3A_109 = vector.shape_cast %get3A_108 : vector<16xi32> to vector<16xi32>
        %swap3A_110 = arith.constant 32 : index
        %swap3A_111 = tpu.vector_load %arg11[%swap3A_110] {strides = array<i32>} : memref<80xi32, #tpu.memory_space<vmem>>, vector<16xi32>,
        %swap3A_112 = vector.shape_cast %swap3A_111 : vector<16xi32> to vector<16xi32>
        %swap3A_113 = vector.shape_cast %get3A_109 : vector<16xi32> to vector<16xi32>
        tpu.vector_store %arg11[%swap3A_110], %swap3A_113 {strides = array<i32>} : memref<80xi32, #tpu.memory_space<vmem>>, vector<16xi32>,
        %mul3A_114 = arith.constant 80 : i32
        %mul3A_115 = arith.muli %mul3A_73, %mul3A_114 : i32
        %add3A_116 = arith.constant 48 : i32
        %add3A_117 = arith.addi %mul3A_115, %add3A_116 : i32
        %get3A_118 = arith.index_cast %add3A_117 : i32 to index
        %get3A_119 = tpu.vector_load %arg10[%get3A_118] {strides = array<i32>} : memref<10000xi32, #tpu.memory_space<vmem>>, vector<16xi32>,
        %get3A_120 = vector.shape_cast %get3A_119 : vector<16xi32> to vector<16xi32>
        %swap3A_121 = arith.constant 48 : index
        %swap3A_122 = tpu.vector_load %arg11[%swap3A_121] {strides = array<i32>} : memref<80xi32, #tpu.memory_space<vmem>>, vector<16xi32>,
        %swap3A_123 = vector.shape_cast %swap3A_122 : vector<16xi32> to vector<16xi32>
        %swap3A_124 = vector.shape_cast %get3A_120 : vector<16xi32> to vector<16xi32>
        tpu.vector_store %arg11[%swap3A_121], %swap3A_124 {strides = array<i32>} : memref<80xi32, #tpu.memory_space<vmem>>, vector<16xi32>,
        %mul3A_125 = arith.constant 80 : i32
        %mul3A_126 = arith.muli %mul3A_73, %mul3A_125 : i32
        %add3A_127 = arith.constant 64 : i32
        %add3A_128 = arith.addi %mul3A_126, %add3A_127 : i32
        %get3A_129 = arith.index_cast %add3A_128 : i32 to index
        %get3A_130 = tpu.vector_load %arg10[%get3A_129] {strides = array<i32>} : memref<10000xi32, #tpu.memory_space<vmem>>, vector<16xi32>,
        %get3A_131 = vector.shape_cast %get3A_130 : vector<16xi32> to vector<16xi32>
        %swap3A_132 = arith.constant 64 : index
        %swap3A_133 = tpu.vector_load %arg11[%swap3A_132] {strides = array<i32>} : memref<80xi32, #tpu.memory_space<vmem>>, vector<16xi32>,
        %swap3A_134 = vector.shape_cast %swap3A_133 : vector<16xi32> to vector<16xi32>
        %swap3A_135 = vector.shape_cast %get3A_131 : vector<16xi32> to vector<16xi32>
        tpu.vector_store %arg11[%swap3A_132], %swap3A_135 {strides = array<i32>} : memref<80xi32, #tpu.memory_space<vmem>>, vector<16xi32>,
        %mul3A_136 = arith.constant 80 : i32
        %mul3A_137 = arith.muli %mul3A_73, %mul3A_136 : i32
        %dma_wait3A_138 = tpu.memref_slice %arg9[%mul3A_137] : memref<10000xi32, #tpu.memory_space<vmem>> -> memref<80xi32, #tpu.memory_space<vmem>>
        %dma_wait3A_139 = arith.constant 0 : i32
        %dma_wait3A_140 = arith.constant 0 : i32
        %dma_wait3A_141 = tpu.memref_slice %arg3[%dma_wait3A_139, %dma_wait3A_140] : memref<10000x128xf32, #tpu.memory_space<hbm>> -> memref<10000x128xf32, #tpu.memory_space<hbm>>
        tpu.wait_indirect_dma semaphore(%arg15 : memref<!tpu.dma_semaphore, #tpu.memory_space<semaphore_mem>>) src(%dma_wait3A_141 : memref<10000x128xf32, #tpu.memory_space<hbm>>) dst(%arg13 : memref<80x128xf32, #tpu.memory_space<vmem>>)
        "tpu.region"() ({
          %run_scoped3A = tpu.sem_alloc : memref<!tpu.dma_semaphore, #tpu.memory_space<semaphore_mem>>
          %dma_start3A_212 = arith.constant 0 : i32
          %dma_start3A_213 = arith.constant 0 : i32
          %dma_start3A_214 = tpu.memref_slice %arg8[%dma_start3A_212, %dma_start3A_213] : memref<10000x128xf32, #tpu.memory_space<vmem_shared>> -> memref<10000x128xf32, #tpu.memory_space<vmem_shared>>
          tpu.enqueue_indirect_dma source(%arg13 : memref<80x128xf32, #tpu.memory_space<vmem>>) target(%dma_start3A_214 : memref<10000x128xf32, #tpu.memory_space<vmem_shared>>) offsets(%arg11 : memref<80xi32, #tpu.memory_space<vmem>>) semaphore(%run_scoped3A : memref<!tpu.dma_semaphore, #tpu.memory_space<semaphore_mem>>) {add = true}
          %dma_wait3A_215 = arith.constant 0 : i32
          %dma_wait3A_216 = arith.constant 0 : i32
          %dma_wait3A_217 = tpu.memref_slice %arg8[%dma_wait3A_215, %dma_wait3A_216] : memref<10000x128xf32, #tpu.memory_space<vmem_shared>> -> memref<10000x128xf32, #tpu.memory_space<vmem_shared>>
          tpu.wait_indirect_dma semaphore(%run_scoped3A : memref<!tpu.dma_semaphore, #tpu.memory_space<semaphore_mem>>) src(%arg13 : memref<80x128xf32, #tpu.memory_space<vmem>>) dst(%dma_wait3A_217 : memref<10000x128xf32, #tpu.memory_space<vmem_shared>>)
          tpu.yield
        }) : () -> ()
        %add3A_142 = arith.constant 2 : i32
        %add3A_143 = arith.addi %mul3A_73, %add3A_142 : i32
        %mul3A_144 = arith.constant 80 : i32
        %mul3A_145 = arith.muli %add3A_143, %mul3A_144 : i32
        %dma_start3A_146 = tpu.memref_slice %arg9[%mul3A_145] : memref<10000xi32, #tpu.memory_space<vmem>> -> memref<80xi32, #tpu.memory_space<vmem>>
        %dma_start3A_147 = arith.constant 0 : i32
        %dma_start3A_148 = arith.constant 0 : i32
        %dma_start3A_149 = tpu.memref_slice %arg3[%dma_start3A_147, %dma_start3A_148] : memref<10000x128xf32, #tpu.memory_space<hbm>> -> memref<10000x128xf32, #tpu.memory_space<hbm>>
        tpu.enqueue_indirect_dma source(%dma_start3A_149 : memref<10000x128xf32, #tpu.memory_space<hbm>>) target(%arg13 : memref<80x128xf32, #tpu.memory_space<vmem>>) offsets(%dma_start3A_146 : memref<80xi32, #tpu.memory_space<vmem>>) semaphore(%arg15 : memref<!tpu.dma_semaphore, #tpu.memory_space<semaphore_mem>>)
        %mul3A_150 = arith.constant 80 : i32
        %mul3A_151 = arith.muli %add3A_74, %mul3A_150 : i32
        %add3A_152 = arith.constant 0 : i32
        %add3A_153 = arith.addi %mul3A_151, %add3A_152 : i32
        %get3A_154 = arith.index_cast %add3A_153 : i32 to index
        %get3A_155 = tpu.vector_load %arg10[%get3A_154] {strides = array<i32>} : memref<10000xi32, #tpu.memory_space<vmem>>, vector<16xi32>,
        %get3A_156 = vector.shape_cast %get3A_155 : vector<16xi32> to vector<16xi32>
        %swap3A_157 = arith.constant 0 : index
        %swap3A_158 = tpu.vector_load %arg12[%swap3A_157] {strides = array<i32>} : memref<80xi32, #tpu.memory_space<vmem>>, vector<16xi32>,
        %swap3A_159 = vector.shape_cast %swap3A_158 : vector<16xi32> to vector<16xi32>
        %swap3A_160 = vector.shape_cast %get3A_156 : vector<16xi32> to vector<16xi32>
        tpu.vector_store %arg12[%swap3A_157], %swap3A_160 {strides = array<i32>} : memref<80xi32, #tpu.memory_space<vmem>>, vector<16xi32>,
        %mul3A_161 = arith.constant 80 : i32
        %mul3A_162 = arith.muli %add3A_74, %mul3A_161 : i32
        %add3A_163 = arith.constant 16 : i32
        %add3A_164 = arith.addi %mul3A_162, %add3A_163 : i32
        %get3A_165 = arith.index_cast %add3A_164 : i32 to index
        %get3A_166 = tpu.vector_load %arg10[%get3A_165] {strides = array<i32>} : memref<10000xi32, #tpu.memory_space<vmem>>, vector<16xi32>,
        %get3A_167 = vector.shape_cast %get3A_166 : vector<16xi32> to vector<16xi32>
        %swap3A_168 = arith.constant 16 : index
        %swap3A_169 = tpu.vector_load %arg12[%swap3A_168] {strides = array<i32>} : memref<80xi32, #tpu.memory_space<vmem>>, vector<16xi32>,
        %swap3A_170 = vector.shape_cast %swap3A_169 : vector<16xi32> to vector<16xi32>
        %swap3A_171 = vector.shape_cast %get3A_167 : vector<16xi32> to vector<16xi32>
        tpu.vector_store %arg12[%swap3A_168], %swap3A_171 {strides = array<i32>} : memref<80xi32, #tpu.memory_space<vmem>>, vector<16xi32>,
        %mul3A_172 = arith.constant 80 : i32
        %mul3A_173 = arith.muli %add3A_74, %mul3A_172 : i32
        %add3A_174 = arith.constant 32 : i32
        %add3A_175 = arith.addi %mul3A_173, %add3A_174 : i32
        %get3A_176 = arith.index_cast %add3A_175 : i32 to index
        %get3A_177 = tpu.vector_load %arg10[%get3A_176] {strides = array<i32>} : memref<10000xi32, #tpu.memory_space<vmem>>, vector<16xi32>,
        %get3A_178 = vector.shape_cast %get3A_177 : vector<16xi32> to vector<16xi32>
        %swap3A_179 = arith.constant 32 : index
        %swap3A_180 = tpu.vector_load %arg12[%swap3A_179] {strides = array<i32>} : memref<80xi32, #tpu.memory_space<vmem>>, vector<16xi32>,
        %swap3A_181 = vector.shape_cast %swap3A_180 : vector<16xi32> to vector<16xi32>
        %swap3A_182 = vector.shape_cast %get3A_178 : vector<16xi32> to vector<16xi32>
        tpu.vector_store %arg12[%swap3A_179], %swap3A_182 {strides = array<i32>} : memref<80xi32, #tpu.memory_space<vmem>>, vector<16xi32>,
        %mul3A_183 = arith.constant 80 : i32
        %mul3A_184 = arith.muli %add3A_74, %mul3A_183 : i32
        %add3A_185 = arith.constant 48 : i32
        %add3A_186 = arith.addi %mul3A_184, %add3A_185 : i32
        %get3A_187 = arith.index_cast %add3A_186 : i32 to index
        %get3A_188 = tpu.vector_load %arg10[%get3A_187] {strides = array<i32>} : memref<10000xi32, #tpu.memory_space<vmem>>, vector<16xi32>,
        %get3A_189 = vector.shape_cast %get3A_188 : vector<16xi32> to vector<16xi32>
        %swap3A_190 = arith.constant 48 : index
        %swap3A_191 = tpu.vector_load %arg12[%swap3A_190] {strides = array<i32>} : memref<80xi32, #tpu.memory_space<vmem>>, vector<16xi32>,
        %swap3A_192 = vector.shape_cast %swap3A_191 : vector<16xi32> to vector<16xi32>
        %swap3A_193 = vector.shape_cast %get3A_189 : vector<16xi32> to vector<16xi32>
        tpu.vector_store %arg12[%swap3A_190], %swap3A_193 {strides = array<i32>} : memref<80xi32, #tpu.memory_space<vmem>>, vector<16xi32>,
        %mul3A_194 = arith.constant 80 : i32
        %mul3A_195 = arith.muli %add3A_74, %mul3A_194 : i32
        %add3A_196 = arith.constant 64 : i32
        %add3A_197 = arith.addi %mul3A_195, %add3A_196 : i32
        %get3A_198 = arith.index_cast %add3A_197 : i32 to index
        %get3A_199 = tpu.vector_load %arg10[%get3A_198] {strides = array<i32>} : memref<10000xi32, #tpu.memory_space<vmem>>, vector<16xi32>,
        %get3A_200 = vector.shape_cast %get3A_199 : vector<16xi32> to vector<16xi32>
        %swap3A_201 = arith.constant 64 : index
        %swap3A_202 = tpu.vector_load %arg12[%swap3A_201] {strides = array<i32>} : memref<80xi32, #tpu.memory_space<vmem>>, vector<16xi32>,
        %swap3A_203 = vector.shape_cast %swap3A_202 : vector<16xi32> to vector<16xi32>
        %swap3A_204 = vector.shape_cast %get3A_200 : vector<16xi32> to vector<16xi32>
        tpu.vector_store %arg12[%swap3A_201], %swap3A_204 {strides = array<i32>} : memref<80xi32, #tpu.memory_space<vmem>>, vector<16xi32>,
        %mul3A_205 = arith.constant 80 : i32
        %mul3A_206 = arith.muli %add3A_74, %mul3A_205 : i32
        %dma_wait3A_207 = tpu.memref_slice %arg9[%mul3A_206] : memref<10000xi32, #tpu.memory_space<vmem>> -> memref<80xi32, #tpu.memory_space<vmem>>
        %dma_wait3A_208 = arith.constant 0 : i32
        %dma_wait3A_209 = arith.constant 0 : i32
        %dma_wait3A_210 = tpu.memref_slice %arg3[%dma_wait3A_208, %dma_wait3A_209] : memref<10000x128xf32, #tpu.memory_space<hbm>> -> memref<10000x128xf32, #tpu.memory_space<hbm>>
        tpu.wait_indirect_dma semaphore(%arg16 : memref<!tpu.dma_semaphore, #tpu.memory_space<semaphore_mem>>) src(%dma_wait3A_210 : memref<10000x128xf32, #tpu.memory_space<hbm>>) dst(%arg14 : memref<80x128xf32, #tpu.memory_space<vmem>>)
        "tpu.region"() ({
          %run_scoped3A = tpu.sem_alloc : memref<!tpu.dma_semaphore, #tpu.memory_space<semaphore_mem>>
          %dma_start3A_212 = arith.constant 0 : i32
          %dma_start3A_213 = arith.constant 0 : i32
          %dma_start3A_214 = tpu.memref_slice %arg8[%dma_start3A_212, %dma_start3A_213] : memref<10000x128xf32, #tpu.memory_space<vmem_shared>> -> memref<10000x128xf32, #tpu.memory_space<vmem_shared>>
          tpu.enqueue_indirect_dma source(%arg14 : memref<80x128xf32, #tpu.memory_space<vmem>>) target(%dma_start3A_214 : memref<10000x128xf32, #tpu.memory_space<vmem_shared>>) offsets(%arg12 : memref<80xi32, #tpu.memory_space<vmem>>) semaphore(%run_scoped3A : memref<!tpu.dma_semaphore, #tpu.memory_space<semaphore_mem>>) {add = true}
          %dma_wait3A_215 = arith.constant 0 : i32
          %dma_wait3A_216 = arith.constant 0 : i32
          %dma_wait3A_217 = tpu.memref_slice %arg8[%dma_wait3A_215, %dma_wait3A_216] : memref<10000x128xf32, #tpu.memory_space<vmem_shared>> -> memref<10000x128xf32, #tpu.memory_space<vmem_shared>>
          tpu.wait_indirect_dma semaphore(%run_scoped3A : memref<!tpu.dma_semaphore, #tpu.memory_space<semaphore_mem>>) src(%arg14 : memref<80x128xf32, #tpu.memory_space<vmem>>) dst(%dma_wait3A_217 : memref<10000x128xf32, #tpu.memory_space<vmem_shared>>)
          tpu.yield
        }) : () -> ()
        %scan3A_211 = arith.constant 0 : i32
        scf.yield %scan3A_211 : i32
      }
      %scan3A_24 = arith.constant 62 : i32
      %get3A = arith.constant 9920 : index
      %get3A_25 = tpu.vector_load %arg10[%get3A] {strides = array<i32>} : memref<10000xi32, #tpu.memory_space<vmem>>, vector<16xi32>,
      %get3A_26 = vector.shape_cast %get3A_25 : vector<16xi32> to vector<16xi32>
      %swap3A = arith.constant 0 : index
      %swap3A_27 = tpu.vector_load %arg11[%swap3A] {strides = array<i32>} : memref<80xi32, #tpu.memory_space<vmem>>, vector<16xi32>,
      %swap3A_28 = vector.shape_cast %swap3A_27 : vector<16xi32> to vector<16xi32>
      %swap3A_29 = vector.shape_cast %get3A_26 : vector<16xi32> to vector<16xi32>
      tpu.vector_store %arg11[%swap3A], %swap3A_29 {strides = array<i32>} : memref<80xi32, #tpu.memory_space<vmem>>, vector<16xi32>,
      %get3A_30 = arith.constant 9936 : index
      %get3A_31 = tpu.vector_load %arg10[%get3A_30] {strides = array<i32>} : memref<10000xi32, #tpu.memory_space<vmem>>, vector<16xi32>,
      %get3A_32 = vector.shape_cast %get3A_31 : vector<16xi32> to vector<16xi32>
      %swap3A_33 = arith.constant 16 : index
      %swap3A_34 = tpu.vector_load %arg11[%swap3A_33] {strides = array<i32>} : memref<80xi32, #tpu.memory_space<vmem>>, vector<16xi32>,
      %swap3A_35 = vector.shape_cast %swap3A_34 : vector<16xi32> to vector<16xi32>
      %swap3A_36 = vector.shape_cast %get3A_32 : vector<16xi32> to vector<16xi32>
      tpu.vector_store %arg11[%swap3A_33], %swap3A_36 {strides = array<i32>} : memref<80xi32, #tpu.memory_space<vmem>>, vector<16xi32>,
      %get3A_37 = arith.constant 9952 : index
      %get3A_38 = tpu.vector_load %arg10[%get3A_37] {strides = array<i32>} : memref<10000xi32, #tpu.memory_space<vmem>>, vector<16xi32>,
      %get3A_39 = vector.shape_cast %get3A_38 : vector<16xi32> to vector<16xi32>
      %swap3A_40 = arith.constant 32 : index
      %swap3A_41 = tpu.vector_load %arg11[%swap3A_40] {strides = array<i32>} : memref<80xi32, #tpu.memory_space<vmem>>, vector<16xi32>,
      %swap3A_42 = vector.shape_cast %swap3A_41 : vector<16xi32> to vector<16xi32>
      %swap3A_43 = vector.shape_cast %get3A_39 : vector<16xi32> to vector<16xi32>
      tpu.vector_store %arg11[%swap3A_40], %swap3A_43 {strides = array<i32>} : memref<80xi32, #tpu.memory_space<vmem>>, vector<16xi32>,
      %get3A_44 = arith.constant 9968 : index
      %get3A_45 = tpu.vector_load %arg10[%get3A_44] {strides = array<i32>} : memref<10000xi32, #tpu.memory_space<vmem>>, vector<16xi32>,
      %get3A_46 = vector.shape_cast %get3A_45 : vector<16xi32> to vector<16xi32>
      %swap3A_47 = arith.constant 48 : index
      %swap3A_48 = tpu.vector_load %arg11[%swap3A_47] {strides = array<i32>} : memref<80xi32, #tpu.memory_space<vmem>>, vector<16xi32>,
      %swap3A_49 = vector.shape_cast %swap3A_48 : vector<16xi32> to vector<16xi32>
      %swap3A_50 = vector.shape_cast %get3A_46 : vector<16xi32> to vector<16xi32>
      tpu.vector_store %arg11[%swap3A_47], %swap3A_50 {strides = array<i32>} : memref<80xi32, #tpu.memory_space<vmem>>, vector<16xi32>,
      %get3A_51 = arith.constant 9984 : index
      %get3A_52 = tpu.vector_load %arg10[%get3A_51] {strides = array<i32>} : memref<10000xi32, #tpu.memory_space<vmem>>, vector<16xi32>,
      %get3A_53 = vector.shape_cast %get3A_52 : vector<16xi32> to vector<16xi32>
      %swap3A_54 = arith.constant 64 : index
      %swap3A_55 = tpu.vector_load %arg11[%swap3A_54] {strides = array<i32>} : memref<80xi32, #tpu.memory_space<vmem>>, vector<16xi32>,
      %swap3A_56 = vector.shape_cast %swap3A_55 : vector<16xi32> to vector<16xi32>
      %swap3A_57 = vector.shape_cast %get3A_53 : vector<16xi32> to vector<16xi32>
      tpu.vector_store %arg11[%swap3A_54], %swap3A_57 {strides = array<i32>} : memref<80xi32, #tpu.memory_space<vmem>>, vector<16xi32>,
      %dma_wait3A = arith.constant 9920 : i32
      %dma_wait3A_58 = tpu.memref_slice %arg9[%dma_wait3A] : memref<10000xi32, #tpu.memory_space<vmem>> -> memref<80xi32, #tpu.memory_space<vmem>>
      %dma_wait3A_59 = arith.constant 0 : i32
      %dma_wait3A_60 = arith.constant 0 : i32
      %dma_wait3A_61 = tpu.memref_slice %arg3[%dma_wait3A_59, %dma_wait3A_60] : memref<10000x128xf32, #tpu.memory_space<hbm>> -> memref<10000x128xf32, #tpu.memory_space<hbm>>
      tpu.wait_indirect_dma semaphore(%arg15 : memref<!tpu.dma_semaphore, #tpu.memory_space<semaphore_mem>>) src(%dma_wait3A_61 : memref<10000x128xf32, #tpu.memory_space<hbm>>) dst(%arg13 : memref<80x128xf32, #tpu.memory_space<vmem>>)
      "tpu.region"() ({
        %run_scoped3A = tpu.sem_alloc : memref<!tpu.dma_semaphore, #tpu.memory_space<semaphore_mem>>
        %dma_start3A_70 = arith.constant 0 : i32
        %dma_start3A_71 = arith.constant 0 : i32
        %dma_start3A_72 = tpu.memref_slice %arg8[%dma_start3A_70, %dma_start3A_71] : memref<10000x128xf32, #tpu.memory_space<vmem_shared>> -> memref<10000x128xf32, #tpu.memory_space<vmem_shared>>
        tpu.enqueue_indirect_dma source(%arg13 : memref<80x128xf32, #tpu.memory_space<vmem>>) target(%dma_start3A_72 : memref<10000x128xf32, #tpu.memory_space<vmem_shared>>) offsets(%arg11 : memref<80xi32, #tpu.memory_space<vmem>>) semaphore(%run_scoped3A : memref<!tpu.dma_semaphore, #tpu.memory_space<semaphore_mem>>) {add = true}
        %dma_wait3A_73 = arith.constant 0 : i32
        %dma_wait3A_74 = arith.constant 0 : i32
        %dma_wait3A_75 = tpu.memref_slice %arg8[%dma_wait3A_73, %dma_wait3A_74] : memref<10000x128xf32, #tpu.memory_space<vmem_shared>> -> memref<10000x128xf32, #tpu.memory_space<vmem_shared>>
        tpu.wait_indirect_dma semaphore(%run_scoped3A : memref<!tpu.dma_semaphore, #tpu.memory_space<semaphore_mem>>) src(%arg13 : memref<80x128xf32, #tpu.memory_space<vmem>>) dst(%dma_wait3A_75 : memref<10000x128xf32, #tpu.memory_space<vmem_shared>>)
        tpu.yield
      }) : () -> ()
      %barrier3A_62 = arith.constant 0 : index
      tpu.barrier barrier_id(%barrier3A_62)
      %mul3A_63 = arith.constant 624 : i32
      %mul3A_64 = arith.muli %arg1, %mul3A_63 : i32
      "tpu.region"() ({
        %run_scoped3A = tpu.sem_alloc : memref<!tpu.dma_semaphore, #tpu.memory_space<semaphore_mem>>
        %dma_start3A_70 = arith.constant 0 : i32
        %dma_start3A_71 = tpu.memref_slice %arg7[%mul3A_64, %dma_start3A_70] : memref<10000x128xf32, #tpu.memory_space<hbm>> -> memref<624x128xf32, #tpu.memory_space<hbm>>
        %dma_start3A_72 = arith.constant 0 : i32
        %dma_start3A_73 = tpu.memref_slice %arg8[%mul3A_64, %dma_start3A_72] : memref<10000x128xf32, #tpu.memory_space<vmem_shared>> -> memref<624x128xf32, #tpu.memory_space<vmem_shared>>
        tpu.enqueue_dma source(%dma_start3A_73 : memref<624x128xf32, #tpu.memory_space<vmem_shared>>) target(%dma_start3A_71 : memref<624x128xf32, #tpu.memory_space<hbm>>) target_semaphore(%run_scoped3A : memref<!tpu.dma_semaphore, #tpu.memory_space<semaphore_mem>>)
        %dma_wait3A_74 = arith.constant 0 : i32
        %dma_wait3A_75 = tpu.memref_slice %arg7[%mul3A_64, %dma_wait3A_74] : memref<10000x128xf32, #tpu.memory_space<hbm>> -> memref<624x128xf32, #tpu.memory_space<hbm>>
        %dma_wait3A_76 = arith.constant 0 : i32
        %dma_wait3A_77 = tpu.memref_slice %arg8[%mul3A_64, %dma_wait3A_76] : memref<10000x128xf32, #tpu.memory_space<vmem_shared>> -> memref<624x128xf32, #tpu.memory_space<vmem_shared>>
        tpu.wait_dma2 semaphore(%run_scoped3A : memref<!tpu.dma_semaphore, #tpu.memory_space<semaphore_mem>>) src(%dma_wait3A_77 : memref<624x128xf32, #tpu.memory_space<vmem_shared>>) dst(%dma_wait3A_75 : memref<624x128xf32, #tpu.memory_space<hbm>>)
        tpu.yield
      }) : () -> ()
      %eq3A_65 = arith.constant 0 : i32
      %eq3A_66 = arith.cmpi eq, %arg1, %eq3A_65 : i32
      %convert_element_type3A_67 = arith.extui %eq3A_66 : i1 to i32
      %cond3A_68 = arith.constant 0 : i32
      %cond3A_69 = arith.cmpi ne, %convert_element_type3A_67, %cond3A_68 : i32
      scf.if %cond3A_69 {
        "tpu.region"() ({
          %run_scoped3A = tpu.sem_alloc : memref<!tpu.dma_semaphore, #tpu.memory_space<semaphore_mem>>
          %dma_start3A_70 = arith.constant 9984 : i32
          %dma_start3A_71 = arith.constant 0 : i32
          %dma_start3A_72 = tpu.memref_slice %arg7[%dma_start3A_70, %dma_start3A_71] : memref<10000x128xf32, #tpu.memory_space<hbm>> -> memref<16x128xf32, #tpu.memory_space<hbm>>
          %dma_start3A_73 = arith.constant 9984 : i32
          %dma_start3A_74 = arith.constant 0 : i32
          %dma_start3A_75 = tpu.memref_slice %arg8[%dma_start3A_73, %dma_start3A_74] : memref<10000x128xf32, #tpu.memory_space<vmem_shared>> -> memref<16x128xf32, #tpu.memory_space<vmem_shared>>
          tpu.enqueue_dma source(%dma_start3A_75 : memref<16x128xf32, #tpu.memory_space<vmem_shared>>) target(%dma_start3A_72 : memref<16x128xf32, #tpu.memory_space<hbm>>) target_semaphore(%run_scoped3A : memref<!tpu.dma_semaphore, #tpu.memory_space<semaphore_mem>>)
          %dma_wait3A_76 = arith.constant 9984 : i32
          %dma_wait3A_77 = arith.constant 0 : i32
          %dma_wait3A_78 = tpu.memref_slice %arg7[%dma_wait3A_76, %dma_wait3A_77] : memref<10000x128xf32, #tpu.memory_space<hbm>> -> memref<16x128xf32, #tpu.memory_space<hbm>>
          %dma_wait3A_79 = arith.constant 9984 : i32
          %dma_wait3A_80 = arith.constant 0 : i32
          %dma_wait3A_81 = tpu.memref_slice %arg8[%dma_wait3A_79, %dma_wait3A_80] : memref<10000x128xf32, #tpu.memory_space<vmem_shared>> -> memref<16x128xf32, #tpu.memory_space<vmem_shared>>
          tpu.wait_dma2 semaphore(%run_scoped3A : memref<!tpu.dma_semaphore, #tpu.memory_space<semaphore_mem>>) src(%dma_wait3A_81 : memref<16x128xf32, #tpu.memory_space<vmem_shared>>) dst(%dma_wait3A_78 : memref<16x128xf32, #tpu.memory_space<hbm>>)
          tpu.yield
        }) : () -> ()
      } else {
      }
    } else {
    }
    return
  }
}

module attributes {stable_mosaic.version = 14 : i64} {
  func.func @_scale_body(%arg0: i32, %arg1: memref<1000x256xf32, #tpu.memory_space<vmem>>, %arg2: memref<1000x128xf32, #tpu.memory_space<vmem>>, %arg3: memref<1000x128xf32, #tpu.memory_space<vmem>>, %arg4: memref<1000x128xf32, #tpu.memory_space<vmem>>, %arg5: memref<1000x128xf32, #tpu.memory_space<vmem>>, %arg6: memref<1000x16xf32, #tpu.memory_space<vmem>>) attributes {dimension_semantics = [#tpu.dimension_semantics<arbitrary>], iteration_bounds = array<i64: 10>, scalar_prefetch = 0 : i64, scratch_operands = 0 : i64, tpu.core_type = #tpu.core_type<tc>, window_params = [{transform_indices = @transform_0, window_bounds = array<i64: 1000, 256>}, {transform_indices = @transform_1, window_bounds = array<i64: 1000, 128>}, {transform_indices = @transform_2, window_bounds = array<i64: 1000, 128>}, {transform_indices = @transform_3, window_bounds = array<i64: 1000, 128>}, {transform_indices = @transform_4, window_bounds = array<i64: 1000, 128>}, {transform_indices = @transform_5, window_bounds = array<i64: 1000, 16>}]} {
    %get3A = arith.constant 0 : index
    %get3A_0 = arith.constant 0 : index
    %get3A_1 = vector.load %arg2[%get3A, %get3A_0] : memref<1000x128xf32, #tpu.memory_space<vmem>>, vector<1000x1xf32>
    %get3A_2 = arith.constant 0 : index
    %get3A_3 = arith.constant 0 : index
    %get3A_4 = vector.load %arg3[%get3A_2, %get3A_3] : memref<1000x128xf32, #tpu.memory_space<vmem>>, vector<1000x1xf32>
    %add3A = arith.addf %get3A_1, %get3A_4 : vector<1000x1xf32>
    %add3A_5 = arith.constant 1.000000e+00 : f32
    %add3A_6 = vector.broadcast %add3A_5 : f32 to vector<1000x1xf32>
    %add3A_7 = arith.addf %add3A, %add3A_6 : vector<1000x1xf32>
    %rsqrt3A = math.rsqrt %add3A_7 : vector<1000x1xf32>
    %get3A_8 = arith.constant 0 : index
    %get3A_9 = arith.constant 0 : index
    %get3A_10 = vector.load %arg1[%get3A_8, %get3A_9] : memref<1000x256xf32, #tpu.memory_space<vmem>>, vector<1000x256xf32>
    %slice3A = vector.extract_strided_slice %get3A_10 {offsets = [0, 0], sizes = [1000, 128], strides = [1, 1]} : vector<1000x256xf32> to vector<1000x128xf32>
    %mul3A = vector.broadcast %rsqrt3A : vector<1000x1xf32> to vector<1000x128xf32>
    %mul3A_11 = arith.mulf %slice3A, %mul3A : vector<1000x128xf32>
    %swap3A = arith.constant 0 : index
    %swap3A_12 = arith.constant 0 : index
    %swap3A_13 = vector.load %arg4[%swap3A, %swap3A_12] : memref<1000x128xf32, #tpu.memory_space<vmem>>, vector<1000x128xf32>
    tpu.vector_store %arg4[%swap3A, %swap3A_12], %mul3A_11 {strides = array<i32>} : memref<1000x128xf32, #tpu.memory_space<vmem>>, vector<1000x128xf32>,
    %slice3A_14 = vector.extract_strided_slice %get3A_10 {offsets = [0, 128], sizes = [1000, 128], strides = [1, 1]} : vector<1000x256xf32> to vector<1000x128xf32>
    %mul3A_15 = vector.broadcast %rsqrt3A : vector<1000x1xf32> to vector<1000x128xf32>
    %mul3A_16 = arith.mulf %slice3A_14, %mul3A_15 : vector<1000x128xf32>
    %swap3A_17 = arith.constant 0 : index
    %swap3A_18 = arith.constant 0 : index
    %swap3A_19 = vector.load %arg5[%swap3A_17, %swap3A_18] : memref<1000x128xf32, #tpu.memory_space<vmem>>, vector<1000x128xf32>
    tpu.vector_store %arg5[%swap3A_17, %swap3A_18], %mul3A_16 {strides = array<i32>} : memref<1000x128xf32, #tpu.memory_space<vmem>>, vector<1000x128xf32>,
    %broadcast_in_dim3A = vector.shape_cast %rsqrt3A : vector<1000x1xf32> to vector<1000x1xf32>
    %broadcast_in_dim3A_20 = vector.broadcast %broadcast_in_dim3A : vector<1000x1xf32> to vector<1000x16xf32>
    %swap3A_21 = arith.constant 0 : index
    %swap3A_22 = arith.constant 0 : index
    %swap3A_23 = vector.load %arg6[%swap3A_21, %swap3A_22] : memref<1000x16xf32, #tpu.memory_space<vmem>>, vector<1000x16xf32>
    tpu.vector_store %arg6[%swap3A_21, %swap3A_22], %broadcast_in_dim3A_20 {strides = array<i32>} : memref<1000x16xf32, #tpu.memory_space<vmem>>, vector<1000x16xf32>,
    return
  }
  func.func @transform_0(%arg0: i32) -> (i32, i32) {
    %c0_i32 = arith.constant 0 : i32
    %c0_i32_0 = arith.constant 0 : i32
    return %arg0, %c0_i32 : i32, i32
  }
  func.func @transform_1(%arg0: i32) -> (i32, i32) {
    %c0_i32 = arith.constant 0 : i32
    %c0_i32_0 = arith.constant 0 : i32
    return %arg0, %c0_i32 : i32, i32
  }
  func.func @transform_2(%arg0: i32) -> (i32, i32) {
    %c0_i32 = arith.constant 0 : i32
    %c0_i32_0 = arith.constant 0 : i32
    return %arg0, %c0_i32 : i32, i32
  }
  func.func @transform_3(%arg0: i32) -> (i32, i32) {
    %c0_i32 = arith.constant 0 : i32
    %c0_i32_0 = arith.constant 0 : i32
    return %arg0, %c0_i32 : i32, i32
  }
  func.func @transform_4(%arg0: i32) -> (i32, i32) {
    %c0_i32 = arith.constant 0 : i32
    %c0_i32_0 = arith.constant 0 : i32
    return %arg0, %c0_i32 : i32, i32
  }
  func.func @transform_5(%arg0: i32) -> (i32, i32) {
    %c0_i32 = arith.constant 0 : i32
    %c0_i32_0 = arith.constant 0 : i32
    return %arg0, %c0_i32 : i32, i32
  }
}

module attributes {stable_mosaic.version = 14 : i64} {
  func.func @_mlp_body(%arg0: i32, %arg1: memref<1000x128xf32, #tpu.memory_space<vmem>>, %arg2: memref<1000x128xf32, #tpu.memory_space<vmem>>, %arg3: memref<1000x16xf32, #tpu.memory_space<vmem>>, %arg4: memref<128x512xf32, #tpu.memory_space<vmem>>, %arg5: memref<128x512xf32, #tpu.memory_space<vmem>>, %arg6: memref<1x512xf32, #tpu.memory_space<vmem>>, %arg7: memref<512x256xf32, #tpu.memory_space<vmem>>, %arg8: memref<1000x128xf32, #tpu.memory_space<vmem>>, %arg9: memref<1000x128xf32, #tpu.memory_space<vmem>>) attributes {dimension_semantics = [#tpu.dimension_semantics<arbitrary>], iteration_bounds = array<i64: 10>, scalar_prefetch = 0 : i64, scratch_operands = 0 : i64, tpu.core_type = #tpu.core_type<tc>, window_params = [{transform_indices = @transform_0, window_bounds = array<i64: 1000, 128>}, {transform_indices = @transform_1, window_bounds = array<i64: 1000, 128>}, {transform_indices = @transform_2, window_bounds = array<i64: 1000, 16>}, {pipeline_mode = #tpu.pipeline_mode<synchronous>, transform_indices = @transform_3, window_bounds = array<i64: 128, 512>}, {pipeline_mode = #tpu.pipeline_mode<synchronous>, transform_indices = @transform_4, window_bounds = array<i64: 128, 512>}, {pipeline_mode = #tpu.pipeline_mode<synchronous>, transform_indices = @transform_5, window_bounds = array<i64: 1, 512>}, {pipeline_mode = #tpu.pipeline_mode<synchronous>, transform_indices = @transform_6, window_bounds = array<i64: 512, 256>}, {transform_indices = @transform_7, window_bounds = array<i64: 1000, 128>}, {transform_indices = @transform_8, window_bounds = array<i64: 1000, 128>}]} {
    %get3A = arith.constant 0 : index
    %get3A_0 = arith.constant 0 : index
    %get3A_1 = vector.load %arg3[%get3A, %get3A_0] : memref<1000x16xf32, #tpu.memory_space<vmem>>, vector<1000x1xf32>
    %get3A_2 = arith.constant 0 : index
    %get3A_3 = arith.constant 0 : index
    %get3A_4 = vector.load %arg1[%get3A_2, %get3A_3] : memref<1000x128xf32, #tpu.memory_space<vmem>>, vector<1000x128xf32>
    %mul3A = vector.broadcast %get3A_1 : vector<1000x1xf32> to vector<1000x128xf32>
    %mul3A_5 = arith.mulf %get3A_4, %mul3A : vector<1000x128xf32>
    %get3A_6 = arith.constant 0 : index
    %get3A_7 = arith.constant 0 : index
    %get3A_8 = vector.load %arg2[%get3A_6, %get3A_7] : memref<1000x128xf32, #tpu.memory_space<vmem>>, vector<1000x128xf32>
    %mul3A_9 = vector.broadcast %get3A_1 : vector<1000x1xf32> to vector<1000x128xf32>
    %mul3A_10 = arith.mulf %get3A_8, %mul3A_9 : vector<1000x128xf32>
    %get3A_11 = arith.constant 0 : index
    %get3A_12 = arith.constant 0 : index
    %get3A_13 = vector.load %arg4[%get3A_11, %get3A_12] : memref<128x512xf32, #tpu.memory_space<vmem>>, vector<128x512xf32>
    %dot_general3A = arith.constant dense<0.000000e+00> : vector<1000x512xf32>
    %dot_general3A_14 = tpu.matmul %mul3A_5, %get3A_13, %dot_general3A {dimension_numbers = #tpu.dot_dimension_numbers<[1], [0], [0], [1], [0, 0, 1, 1], [], []>, transpose_lhs_hint = false} : vector<1000x128xf32>, vector<128x512xf32>, vector<1000x512xf32> -> vector<1000x512xf32>
    %get3A_15 = arith.constant 0 : index
    %get3A_16 = arith.constant 0 : index
    %get3A_17 = vector.load %arg5[%get3A_15, %get3A_16] : memref<128x512xf32, #tpu.memory_space<vmem>>, vector<128x512xf32>
    %dot_general3A_18 = arith.constant dense<0.000000e+00> : vector<1000x512xf32>
    %dot_general3A_19 = tpu.matmul %mul3A_10, %get3A_17, %dot_general3A_18 {dimension_numbers = #tpu.dot_dimension_numbers<[1], [0], [0], [1], [0, 0, 1, 1], [], []>, transpose_lhs_hint = false} : vector<1000x128xf32>, vector<128x512xf32>, vector<1000x512xf32> -> vector<1000x512xf32>
    %add3A = arith.addf %dot_general3A_14, %dot_general3A_19 : vector<1000x512xf32>
    %get3A_20 = arith.constant 0 : index
    %get3A_21 = arith.constant 0 : index
    %get3A_22 = vector.load %arg6[%get3A_20, %get3A_21] : memref<1x512xf32, #tpu.memory_space<vmem>>, vector<1x512xf32>
    %add3A_23 = vector.broadcast %get3A_22 : vector<1x512xf32> to vector<1000x512xf32>
    %add3A_24 = arith.addf %add3A, %add3A_23 : vector<1000x512xf32>
    %max3A = arith.constant 0.000000e+00 : f32
    %max3A_25 = vector.broadcast %max3A : f32 to vector<1000x512xf32>
    %max3A_26 = arith.maximumf %add3A_24, %max3A_25 : vector<1000x512xf32>
    %get3A_27 = arith.constant 0 : index
    %get3A_28 = arith.constant 0 : index
    %get3A_29 = vector.load %arg7[%get3A_27, %get3A_28] : memref<512x256xf32, #tpu.memory_space<vmem>>, vector<512x256xf32>
    %dot_general3A_30 = arith.constant dense<0.000000e+00> : vector<1000x256xf32>
    %dot_general3A_31 = tpu.matmul %max3A_26, %get3A_29, %dot_general3A_30 {dimension_numbers = #tpu.dot_dimension_numbers<[1], [0], [0], [1], [0, 0, 1, 1], [], []>, transpose_lhs_hint = false} : vector<1000x512xf32>, vector<512x256xf32>, vector<1000x256xf32> -> vector<1000x256xf32>
    %slice3A = vector.extract_strided_slice %dot_general3A_31 {offsets = [0, 0], sizes = [1000, 128], strides = [1, 1]} : vector<1000x256xf32> to vector<1000x128xf32>
    %mul3A_32 = vector.broadcast %get3A_1 : vector<1000x1xf32> to vector<1000x128xf32>
    %mul3A_33 = arith.mulf %slice3A, %mul3A_32 : vector<1000x128xf32>
    %swap3A = arith.constant 0 : index
    %swap3A_34 = arith.constant 0 : index
    %swap3A_35 = vector.load %arg8[%swap3A, %swap3A_34] : memref<1000x128xf32, #tpu.memory_space<vmem>>, vector<1000x128xf32>
    tpu.vector_store %arg8[%swap3A, %swap3A_34], %mul3A_33 {strides = array<i32>} : memref<1000x128xf32, #tpu.memory_space<vmem>>, vector<1000x128xf32>,
    %slice3A_36 = vector.extract_strided_slice %dot_general3A_31 {offsets = [0, 128], sizes = [1000, 128], strides = [1, 1]} : vector<1000x256xf32> to vector<1000x128xf32>
    %mul3A_37 = vector.broadcast %get3A_1 : vector<1000x1xf32> to vector<1000x128xf32>
    %mul3A_38 = arith.mulf %slice3A_36, %mul3A_37 : vector<1000x128xf32>
    %swap3A_39 = arith.constant 0 : index
    %swap3A_40 = arith.constant 0 : index
    %swap3A_41 = vector.load %arg9[%swap3A_39, %swap3A_40] : memref<1000x128xf32, #tpu.memory_space<vmem>>, vector<1000x128xf32>
    tpu.vector_store %arg9[%swap3A_39, %swap3A_40], %mul3A_38 {strides = array<i32>} : memref<1000x128xf32, #tpu.memory_space<vmem>>, vector<1000x128xf32>,
    return
  }
  func.func @transform_0(%arg0: i32) -> (i32, i32) {
    %c0_i32 = arith.constant 0 : i32
    %c0_i32_0 = arith.constant 0 : i32
    return %arg0, %c0_i32 : i32, i32
  }
  func.func @transform_1(%arg0: i32) -> (i32, i32) {
    %c0_i32 = arith.constant 0 : i32
    %c0_i32_0 = arith.constant 0 : i32
    return %arg0, %c0_i32 : i32, i32
  }
  func.func @transform_2(%arg0: i32) -> (i32, i32) {
    %c0_i32 = arith.constant 0 : i32
    %c0_i32_0 = arith.constant 0 : i32
    return %arg0, %c0_i32 : i32, i32
  }
  func.func @transform_3(%arg0: i32) -> (i32, i32) {
    %c0_i32 = arith.constant 0 : i32
    %c0_i32_0 = arith.constant 0 : i32
    %c0_i32_1 = arith.constant 0 : i32
    return %c0_i32, %c0_i32_0 : i32, i32
  }
  func.func @transform_4(%arg0: i32) -> (i32, i32) {
    %c0_i32 = arith.constant 0 : i32
    %c0_i32_0 = arith.constant 0 : i32
    %c0_i32_1 = arith.constant 0 : i32
    return %c0_i32, %c0_i32_0 : i32, i32
  }
  func.func @transform_5(%arg0: i32) -> (i32, i32) {
    %c0_i32 = arith.constant 0 : i32
    %c0_i32_0 = arith.constant 0 : i32
    %c0_i32_1 = arith.constant 0 : i32
    return %c0_i32, %c0_i32_0 : i32, i32
  }
  func.func @transform_6(%arg0: i32) -> (i32, i32) {
    %c0_i32 = arith.constant 0 : i32
    %c0_i32_0 = arith.constant 0 : i32
    %c0_i32_1 = arith.constant 0 : i32
    return %c0_i32, %c0_i32_0 : i32, i32
  }
  func.func @transform_7(%arg0: i32) -> (i32, i32) {
    %c0_i32 = arith.constant 0 : i32
    %c0_i32_0 = arith.constant 0 : i32
    return %arg0, %c0_i32 : i32, i32
  }
  func.func @transform_8(%arg0: i32) -> (i32, i32) {
    %c0_i32 = arith.constant 0 : i32
    %c0_i32_0 = arith.constant 0 : i32
    return %arg0, %c0_i32 : i32, i32
  }
}

module attributes {stable_mosaic.version = 14 : i64} {
  func.func @_final_body(%arg0: i32, %arg1: memref<1000x128xf32, #tpu.memory_space<vmem>>, %arg2: memref<1000x128xf32, #tpu.memory_space<vmem>>, %arg3: memref<1000x16xf32, #tpu.memory_space<vmem>>, %arg4: memref<1x256xf32, #tpu.memory_space<vmem>>, %arg5: memref<1000x256xf32, #tpu.memory_space<vmem>>) attributes {dimension_semantics = [#tpu.dimension_semantics<arbitrary>], iteration_bounds = array<i64: 10>, scalar_prefetch = 0 : i64, scratch_operands = 0 : i64, tpu.core_type = #tpu.core_type<tc>, window_params = [{transform_indices = @transform_0, window_bounds = array<i64: 1000, 128>}, {transform_indices = @transform_1, window_bounds = array<i64: 1000, 128>}, {transform_indices = @transform_2, window_bounds = array<i64: 1000, 16>}, {pipeline_mode = #tpu.pipeline_mode<synchronous>, transform_indices = @transform_3, window_bounds = array<i64: 1, 256>}, {transform_indices = @transform_4, window_bounds = array<i64: 1000, 256>}]} {
    %get3A = arith.constant 0 : index
    %get3A_0 = arith.constant 0 : index
    %get3A_1 = vector.load %arg3[%get3A, %get3A_0] : memref<1000x16xf32, #tpu.memory_space<vmem>>, vector<1000x1xf32>
    %get3A_2 = arith.constant 0 : index
    %get3A_3 = arith.constant 0 : index
    %get3A_4 = vector.load %arg1[%get3A_2, %get3A_3] : memref<1000x128xf32, #tpu.memory_space<vmem>>, vector<1000x128xf32>
    %mul3A = vector.broadcast %get3A_1 : vector<1000x1xf32> to vector<1000x128xf32>
    %mul3A_5 = arith.mulf %get3A_4, %mul3A : vector<1000x128xf32>
    %get3A_6 = arith.constant 0 : index
    %get3A_7 = arith.constant 0 : index
    %get3A_8 = vector.load %arg2[%get3A_6, %get3A_7] : memref<1000x128xf32, #tpu.memory_space<vmem>>, vector<1000x128xf32>
    %mul3A_9 = vector.broadcast %get3A_1 : vector<1000x1xf32> to vector<1000x128xf32>
    %mul3A_10 = arith.mulf %get3A_8, %mul3A_9 : vector<1000x128xf32>
    %concatenate3A = tpu.concatenate %mul3A_5, %mul3A_10 in 1 : vector<1000x128xf32>, vector<1000x128xf32> -> vector<1000x256xf32>
    %get3A_11 = arith.constant 0 : index
    %get3A_12 = arith.constant 0 : index
    %get3A_13 = vector.load %arg4[%get3A_11, %get3A_12] : memref<1x256xf32, #tpu.memory_space<vmem>>, vector<1x256xf32>
    %add3A = vector.broadcast %get3A_13 : vector<1x256xf32> to vector<1000x256xf32>
    %add3A_14 = arith.addf %concatenate3A, %add3A : vector<1000x256xf32>
    %swap3A = arith.constant 0 : index
    %swap3A_15 = arith.constant 0 : index
    %swap3A_16 = vector.load %arg5[%swap3A, %swap3A_15] : memref<1000x256xf32, #tpu.memory_space<vmem>>, vector<1000x256xf32>
    tpu.vector_store %arg5[%swap3A, %swap3A_15], %add3A_14 {strides = array<i32>} : memref<1000x256xf32, #tpu.memory_space<vmem>>, vector<1000x256xf32>,
    return
  }
  func.func @transform_0(%arg0: i32) -> (i32, i32) {
    %c0_i32 = arith.constant 0 : i32
    %c0_i32_0 = arith.constant 0 : i32
    return %arg0, %c0_i32 : i32, i32
  }
  func.func @transform_1(%arg0: i32) -> (i32, i32) {
    %c0_i32 = arith.constant 0 : i32
    %c0_i32_0 = arith.constant 0 : i32
    return %arg0, %c0_i32 : i32, i32
  }
  func.func @transform_2(%arg0: i32) -> (i32, i32) {
    %c0_i32 = arith.constant 0 : i32
    %c0_i32_0 = arith.constant 0 : i32
    return %arg0, %c0_i32 : i32, i32
  }
  func.func @transform_3(%arg0: i32) -> (i32, i32) {
    %c0_i32 = arith.constant 0 : i32
    %c0_i32_0 = arith.constant 0 : i32
    %c0_i32_1 = arith.constant 0 : i32
    return %c0_i32, %c0_i32_0 : i32, i32
  }
  func.func @transform_4(%arg0: i32) -> (i32, i32) {
    %c0_i32 = arith.constant 0 : i32
    %c0_i32_0 = arith.constant 0 : i32
    return %arg0, %c0_i32 : i32, i32
  }
}

</mosaic_0001>

<sc_bundles>
// kernel: kernel.11.cloned.1.call-start
scs
__scs_entry_jumppad:
0x0: {  	(pc) =	sbr.rel $0x88, $3  }
0x1: {  	(tag) =	ssettag $0x0;
	lr =	simm.s32 $0x1  }
0x2: {  	[smem:$0x3F9B] =	sst lr;
	_ =	strace $0xD0000000  }
0x3: {  	_ = 	snop  }
0x4: {  	_ = 	snop  }
0x5: {  	_ = 	snop  }
0x6: {  	_ = 	snop  }
0x7: {  	_ = 	snop  }
__scs_overlays_trampoline_lowered:
0x8: {  	[smem:$0x3FAA] =	sst s0  }
0x9: {  	[smem:$0x3FAB] =	sst s1  }
0xa: {  	[smem:$0x3FAC] =	sst s2  }
0xb: {  	[smem:$0x3FAD] =	sst s3  }
0xc: {  	[smem:$0x3FAE] =	sst s4  }
0xd: {  	[smem:$0x3FAF] =	sst s5  }
0xe: {  	[smem:$0x3FB0] =	sst s6  }
0xf: {  	[smem:$0x3FB1] =	sst s7  }
0x10: {  	[smem:$0x3FB2] =	sst s8  }
0x11: {  	[smem:$0x3FB3] =	sst s9;
	s0 =	simm.s32 @!p0 $0x0  }
0x12: {  	s1 =	sld [smem:$0x3F99];
	s0 =	simm.s32 @p0 $0x1  }
0x13: {  	[smem:$0x3FB4] =	sst s0;
	s0 =	simm.s32 @!p1 $0x0  }
0x14: {  	s2 =	sld [smem:$0x3F98];
	s0 =	simm.s32 @p1 $0x1  }
0x15: {  	[smem:$0x3FB5] =	sst s0;
	s0 =	simm.s32 @!p2 $0x0  }
0x16: {  	s3 =	sld [smem:$0x3FDB];
	s0 =	simm.s32 @p2 $0x1  }
0x17: {  	s4 =	simm.s32 $0x1BF5;
	[smem:$0x3FB7] =	sst s0  }
0x18: {  	s0 =	sld [smem:$0x3F9A];
	_ =	swait.ge [sflag:s4], $0x0  }
0x19: {  	s7 =	sld [smem:$0x3F9B]  }
0x1a: {  	s8 =	sadd.s32 $0xFFFFE003, lr  }
0x1b: {  	s9 =	sadd.s32 $0xFFFFFEF7, lr;
	s5 =	simm.s32 $0xFFFFFFFF;
	p2 =	slt.u32 s8, $0xFFFFF086  }
0x1c: {  	p1 =	slt.u32 s9, $0xF7A;
	s5 =	simm.s32 @!p2 $0x0  }
0x1d: {  	s5 =	simm.s32 @p1 $0x1;
	p0 =	seq.s32 s7, s2  }
0x1e: {  	s7 =	smul.u32 @!p0 $0xF7A, s2;
	p2 =	seq.s32 @!p0 s5, $0x0  }
0x1f: {  	s9 =	smul.u32 $0xF7A, s1;
	s8 =	simm.s32 @!p0 $0x1BF5;
	p2 =	por !p2, p0  }
0x20: {  	[sflag:s8] =	ssyncset.s32 @!p0 $0xFFFFF086;
	s6 =	sadd.s32 @!p0 s3, s7;
	s7 =	simm.s32 @!p0 $0x108  }
0x21: {  	s3 =	sadd.s32 s3, s9;
	s6 =	sadd.s32 @!p0 $0x88, s6;
	s7 =	simm.s32 @p2 $0x1082  }
0x22: {  	[simem:s7], [sflag:s8] =	dma.local @!p0 [hbm:s6], $0xF7A  }
0x23: {  	s9 =	sor.u32 $0xD0000000, s2;
	s6 =	simm.s32 $0x108;
	_ =	swait.ge @!p0 [sflag:s8], $0x0  }
0x24: {  	s3 =	sadd.s32 $0x88, s3;
	s6 =	simm.s32 @!p1 $0x1082;
	[sflag:s4] =	ssyncset.s32 $0xFFFFF086  }
0x25: {  	[simem:s6], [sflag:s4] =	dma.local [hbm:s3], $0xF7A  }
0x26: {  	[smem:$0x3F9B] =	sst s1;
	(tag) =	ssettag s2;
	_ =	strace s9  }
0x27: {  	s1 =	sld [smem:$0x3FAB]  }
0x28: {  	s2 =	sld [smem:$0x3FAC]  }
0x29: {  	s4 =	sld [smem:$0x3FAE]  }
0x2a: {  	p0 =	seq.s32 s5, $0x0;
	s5 =	sld [smem:$0x3FAF]  }
0x2b: {  	s6 =	sld [smem:$0x3FB0]  }
0x2c: {  	s7 =	sld [smem:$0x3FB1]  }
0x2d: {  	s3 =	simm.s32 $0x108;
	s8 =	sld [smem:$0x3FB2]  }
0x2e: {  	s3 =	simm.s32 @!p0 $0x1082;
	s9 =	sld [smem:$0x3FB3]  }
0x2f: {  	lr =	sadd.s32 s0, s3;
	s0 =	sld [smem:$0x3FAA]  }
0x30: {  	s3 =	sld [smem:$0x3FAD]  }
0x31: {  	[smem:$0x3FB6] =	sst s10  }
0x32: {  	s10 =	sld [smem:$0x3FB4];
	_ =	sdelay $0x3  }
0x33: {  	p0 =	seq.s32 s10, $0x1;
	s10 =	sld [smem:$0x3FB6];
	_ =	sdelay $0x3  }
0x34: {  	[smem:$0x3FB6] =	sst s10  }
0x35: {  	s10 =	sld [smem:$0x3FB5];
	_ =	sdelay $0x3  }
0x36: {  	p1 =	seq.s32 s10, $0x1;
	s10 =	sld [smem:$0x3FB6];
	_ =	sdelay $0x3  }
0x37: {  	[smem:$0x3FB6] =	sst s10  }
0x38: {  	s10 =	sld [smem:$0x3FB7]  }
0x39: {  	_ = 	snop;
	(pc) =	sbr.ind lr, $3  }
0x3a: {  	_ = 	snop  }
0x3b: {  	_ = 	snop  }
0x3c: {  	p2 =	seq.s32 s10, $0x1;
	s10 =	sld [smem:$0x3FB6]  }
0x3d: {  	_ =	shalt  }
0x3e: {  	_ =	shalt  }
0x3f: {  	_ =	shalt  }
0x40: {  	_ =	shalt  }
0x41: {  	_ =	shalt  }
0x42: {  	_ =	shalt  }
0x43: {  	_ =	shalt  }
0x44: {  	_ =	shalt  }
0x45: {  	_ =	shalt  }
0x46: {  	_ =	shalt  }
0x47: {  	_ =	shalt  }
0x48: {  	_ =	shalt  }
0x49: {  	_ =	shalt  }
0x4a: {  	_ =	shalt  }
0x4b: {  	_ =	shalt  }
0x4c: {  	_ =	shalt  }
0x4d: {  	_ =	shalt  }
0x4e: {  	_ =	shalt  }
0x4f: {  	_ =	shalt  }
0x50: {  	_ =	shalt  }
0x51: {  	_ =	shalt  }
0x52: {  	_ =	shalt  }
0x53: {  	_ =	shalt  }
0x54: {  	_ =	shalt  }
0x55: {  	_ =	shalt  }
0x56: {  	_ =	shalt  }
0x57: {  	_ =	shalt  }
0x58: {  	_ =	shalt  }
0x59: {  	_ =	shalt  }
0x5a: {  	_ =	shalt  }
0x5b: {  	_ =	shalt  }
0x5c: {  	_ =	shalt  }
0x5d: {  	_ =	shalt  }
0x5e: {  	_ =	shalt  }
0x5f: {  	_ =	shalt  }
0x60: {  	_ =	shalt  }
0x61: {  	_ =	shalt  }
0x62: {  	_ =	shalt  }
0x63: {  	_ =	shalt  }
0x64: {  	_ =	shalt  }
0x65: {  	_ =	shalt  }
0x66: {  	_ =	shalt  }
0x67: {  	_ =	shalt  }
0x68: {  	_ =	shalt  }
0x69: {  	_ =	shalt  }
0x6a: {  	_ =	shalt  }
0x6b: {  	_ =	shalt  }
0x6c: {  	_ =	shalt  }
0x6d: {  	_ =	shalt  }
0x6e: {  	_ =	shalt  }
0x6f: {  	_ =	shalt  }
0x70: {  	_ =	shalt  }
0x71: {  	_ =	shalt  }
0x72: {  	_ =	shalt  }
0x73: {  	_ =	shalt  }
0x74: {  	_ =	shalt  }
0x75: {  	_ =	shalt  }
0x76: {  	_ =	shalt  }
0x77: {  	_ =	shalt  }
0x78: {  	_ =	shalt  }
0x79: {  	_ =	shalt  }
0x7a: {  	_ =	shalt  }
0x7b: {  	_ =	shalt  }
0x7c: {  	_ =	shalt  }
0x7d: {  	_ =	shalt  }
0x7e: {  	_ =	shalt  }
0x7f: {  	_ =	shalt  }
0x80: {  	_ =	shalt  }
0x81: {  	_ =	shalt  }
0x82: {  	_ =	shalt  }
0x83: {  	_ =	shalt  }
0x84: {  	_ =	shalt  }
0x85: {  	_ =	shalt  }
0x86: {  	_ =	shalt  }
0x87: {  	_ =	shalt  }
.Lfunc_end0:
.L_simem_size_0:
called_computation.1_lowered:
.L_overlay_start_0:
0x88: {  	s2 =	sld [smem:$0x3FD9]  }
0x89: {  	s3 =	sld [smem:$0x3FFE];
	_ =	sdelay $0x1  }
0x8a: {  	s1 =	srdreg.scid  }
0x8b: {  	s0 =	sand.u32 $0x1, s1  }
0x8c: {  	s17 =	sshll.u32 s0, $0xA;
	s2 =	sadd.s32 s3, s2  }
0x8d: {  	s2 =	sadd.s32 s2, s17  }
0x8e: {  	[smem:$0x3FC2] =	sst s2  }
0x8f: {  	_ = 	snop  }
0x90: {  	s2 =	sld [smem:$0x3FD0];
	(tm) =	ssettm $0x1  }
0x91: {  	s18 =	sld [smem:$0x3FFB];
	_ =	sdelay $0x3  }
0x92: {  	_ =	strace s18  }
0x93: {  	s3 =	sld [smem:$0x3FFC];
	_ =	sdelay $0x3  }
0x94: {  	_ =	strace s3  }
0x95: {  	s3 =	sld [smem:$0x3FFD];
	_ =	sdelay $0x3  }
0x96: {  	_ =	strace s3  }
0x97: {  	_ =	strace $0x8FFFFFFF  }
0x98: {  	s19 =	sld [smem:$0x3FDB];
	_ =	sdelay $0x1  }
0x99: {  	s4 =	simm.s32 $_scs_section_size  }
0x9a: {  	s5 =	simm.s32 $_size__tile_overlayer_lowered;
	s6 =	simm.s32 $_tile_overlayer_lowered  }
0x9b: {  	s22 =	simm.s32 $0x1BFF;
	s21 =	sshll.u32 s6, $0x1;
	s3 =	sadd.s32 s4, s19  }
0x9c: {  	s7 =	simm.s32 $0x0;
	s20 =	sshll.u32 s5, $0x1;
	s5 =	sadd.s32 s21, s3  }
0x9d: {  	[timem:s7], [sflag:s22] =	dma.local [hbm:s5], s20  }
0x9e: {  	_ =	swait.ge [sflag:s22], s20  }
0x9f: {  	s4 =	ssub.s32 $0x0, s20;
	[sflag:s22] =	ssyncset.done $0x0  }
0xa0: {  	[sflag:s22] =	ssyncadd.s32 s4;
	_ =	sdelay $0x1  }
0xa1: {  	s23 =	simm.s32 $0x1B8B  }
0xa2: {  	_ =	swait.ge [sflag:s23], $0x1  }
0xa3: {  	[sflag:s23] =	ssyncset.done $0x0  }
0xa4: {  	s25 =	simm.s32 $0x1B8E;
	s24 =	sld [smem:$0x3FFE];
	[sflag:s23] =	ssyncadd.s32 $0xFFFFFFFF  }
0xa5: {  	s26 =	simm.s32 $execute0_lowered;
	[smem:$0x3FD2] =	sst s25  }
0xa6: {  	s5 =	sshll.u32 s26, $0x1;
	_ =	strace $0x80000049;
	[dreg:$0x1] =	wrdreg $0xFFFFFFFF  }
0xa7: {  	s28 =	simm.s32 $_size_execute0_lowered;
	s3 =	sadd.s32 s3, s5;
	[dreg:$0x0] =	wrdreg $0x0  }
0xa8: {  	s5 =	sshll.u32 s28, $0x1;
	[dreg:$0x2] =	wrdreg s3  }
0xa9: {  	[dreg:$0x3] =	wrdreg s5  }
0xaa: {  	[dreg:$0x4] =	wrdreg $0xC0  }
0xab: {  	_ =	task [dreg:s7], $0x5FFFF  }
0xac: {  	[dreg:$0x1] =	wrdreg $0xFFFFFFFF  }
0xad: {  	[dreg:$0x0] =	wrdreg $0x60  }
0xae: {  	[dreg:$0x2] =	wrdreg s2  }
0xaf: {  	[dreg:$0x3] =	wrdreg s24  }
0xb0: {  	[dreg:$0x4] =	wrdreg $0x0  }
0xb1: {  	[dreg:$0x5] =	wrdreg $0x9  }
0xb2: {  	_ =	task.clear_ibuf [dreg:s7], $0x6FFFF;
	_ =	strace $0x90000049  }
0xb3: {  	s29 =	simm.s32 $0x9;
	_ =	strace $0x8000004B  }
0xb4: {  	_ =	swait.ge [sflag:s29], $0x1  }
0xb5: {  	[sflag:s29] =	ssyncadd.s32 $0xFFFFFFFF  }
0xb6: {  	_ =	strace $0x9000004B  }
0xb7: {  	_ =	sfence  }
0xb8: {  	s30 =	sld [smem:$0x0];
	_ =	sdelay $0x2  }
0xb9: {  	s31 =	sshll.u32 s1, $0xD;
	s1 =	sshrl.u32 s1, $0x2  }
0xba: {  	s3 =	sand.u32 $0x4000, s31;
	s1 =	sadd.s32 s1, s30  }
0xbb: {  	s0 =	sor.u32 s3, s0;
	s1 =	sshll.u32 s1, $0x11  }
0xbc: {  	s0 =	sor.u32 s1, s0  }
0xbd: {  	s0 =	sadd.s32 $0x8F2B, s0  }
0xbe: {  	[sflag:s0] =	ssyncadd.remote.s32 $0x1  }
0xbf: {  	_ =	sfence.sel $0xFFFF  }
0xc0: {  	[dreg:$0x0] =	wrdreg $0xFFFFFFFF;
	(pc) =	sbr.abs _section_cstart, $3  }
0xc1: {  	[dreg:$0x1] =	wrdreg $0xFFFFFFFF  }
0xc2: {  	_ =	task.clear_ibuf [dreg:s7], $0x2FFFF;
	_ =	strace $0x9FFFFFFF  }
0xc3: {  	(tm) =	ssettm $0x7FFFFFFF  }
tec
execute0_lowered:
.L_overlay_start_1:
0x0: {  	(tag) =	ssettag $0x1  }
0x1: {  	s1 =	rddreg [dreg:$0x0]  }
0x2: {  	s0 =	rddreg [dreg:$0x1]  }
0x3: {  	s2 =	rddreg [dreg:$0x2]  }
0x4: {  	s3 =	simm.s32 $0x0;
	s7 =	stileid.u32;
	s6 =	srdreg.scid  }
0x5: {  	s20 =	simm.s32 $0x3;
	s28 =	simm.s32 $0x1;
	s29 =	simm.s32 $0x18780  }
0x6: {  	s30 =	simm.s32 $0x2;
	s31 =	simm.s32 $0x18800;
	s5 =	smul.u32 $0x4E2, s7  }
0x7: {  	[smem:$0x7FF] =	sst s3;
	s4 =	sadd.s32 $0xDA00, s0;
	s11 =	smul.u32 $0x4E000, s7  }
0x8: {  	s9 =	sand.u32 $0x1, s6;
	s6 =	sadd.s32 $0x83000, s0;
	s15 =	smul.u32 $0x2700, s7  }
0x9: {  	s13 =	sadd.s32 $0x138000, s2;
	s24 =	sadd.s32 $0x27000, s1;
	s14 =	sadd.s32 $0x34A00, s0  }
0xa: {  	s17 =	sshll.u32 s7, $0x6;
	p1 =	sne.s32 s7, $0x0;
	p2 =	seq.s32 s7, $0x0  }
0xb: {  	_ =	strace $0x8000004A;
	s10 =	ssub.s32 $0x2, s9;
	[dreg:$0x6] =	wrdreg s24  }
0xc: {  	p0 =	seq.s32 s9, $0x1;
	[dreg:$0x5] =	wrdreg s13;
	s21 =	sshrl.u32 @!p1 s13, $0x3  }
0xd: {  	s24 =	simm.s32 $0x50;
	s8 =	sadd.s32 s5, s0;
	s5 =	sadd.s32 $0x5BE00, s0  }
0xe: {  	s12 =	sshrl.u32 s10, $0x1;
	s22 =	sshrl.u32 s11, $0x2;
	s23 =	sadd.s32 s1, s15  }
0xf: {  	s26 =	sadd.s32 s4, s15;
	s0 =	sor.u32 $0x1C03, s17;
	s12 =	ssub.s32 s10, s12  }
.Ltmp0:
0x10: {  	s9 =	sadd.s32 s22, s2;
	[dreg:$0x4] =	wrdreg s23;
	(pc) =	sbr.rel .LBB2_1-.Ltmp0, $4  }
0x11: {  	s10 =	sadd.s32 $0x3A00, s8;
	s11 =	sadd.s32 $0x8A00, s8;
	s25 =	sadd.s32 s5, s15  }
0x12: {  	[dreg:$0x8] =	wrdreg s26;
	s15 =	sadd.s32 s6, s15;
	s22 =	simm.s32 $0x13880  }
0x13: {  	s23 =	simm.s32 $0x16000;
	s26 =	simm.s32 $0x1B080;
	[dreg:$0x7] =	wrdreg s25  }
0x14: {  	s16 =	smax.u32 s12, $0x1;
	s19 =	sshrl.u32 s9, $0x3;
	s25 =	simm.s32 $0x18880  }
.LBB2_8:
0x15: {  	s8 =	rddreg [dreg:$0x5]  }
0x16: {  	s7 =	sadd.s32 $0x27000, s7;
	s8 =	sshrl.u32 s8, $0x3  }
0x17: {  	[hbm:s7], [sflag:s18] =	dma.local [spmem:s8], $0x100  }
0x18: {  	_ =	swait.ge [sflag:s20], $0x100  }
0x19: {  	[sflag:s20] =	ssyncset.done $0x0  }
0x1a: {  	[sflag:s20] =	ssyncadd.s32 $0xFFFFFF00  }
.LBB2_9:
0x1b: {  	s3 =	sadd.s32 $0x1, s3  }
0x1c: {  	p3 =	sne.s32 s3, s16  }
.Ltmp1:
0x1d: {  	_ = 	snop;
	(pc) =	sbr.rel @!p3 .LBB2_10-.Ltmp1, $1  }
0x1e: {  	_ =	sdelay $0x3  }
.LBB2_1:
.Ltmp2:
0x1f: {  	(pc) =	sbr.rel @!p0 .LBB2_2-.Ltmp2, $1  }
0x20: {  	_ =	sdelay $0x3  }
0x21: {  	s7 =	rddreg [dreg:$0x8]  }
0x22: {  	[spmem:s19], [sflag:s0] =	dma.local [hbm:s7], $0x2700  }
0x23: {  	_ =	swait.ge [sflag:s20], $0x2700  }
0x24: {  	[sflag:s20] =	ssyncset.done $0x0  }
0x25: {  	s7 =	simm.s32 @!p1 $0x3;
	[sflag:s20] =	ssyncadd.s32 $0xFFFFD900  }
0x26: {  	[spmem:s21], [sflag:s0] =	dma.local @!p1 [hbm:s14], $0x100  }
0x27: {  	_ =	swait.ge @!p1 [sflag:s7], $0x100  }
0x28: {  	[sflag:s7] =	ssyncset.done @!p1 $0x0  }
0x29: {  	s13 =	simm.s32 $0x0;
	[sflag:s7] =	ssyncadd.s32 @!p1 $0xFFFFFF00  }
0x2a: {  	[tilespmem:s22], [sflag:$0x3] =	stream.linear.gather [hbm4b:s10+s13], $0x2710, $0x38;
	[tilespmem:$0x1D880] =	vst v63  }
0x2b: {  	_ =	swait.ge [sflag:s20], $0x2710  }
0x2c: {  	[sflag:s20] =	ssyncset.done $0x0  }
0x2d: {  	[sflag:s20] =	ssyncadd.s32 $0xFFFFD8F0  }
0x2e: {  	[tilespmem:s23], [sflag:$0x3] =	stream.linear.gather [hbm4b:s11+s13], $0x2710, $0x38;
	[tilespmem:$0x1D880] =	vst v63  }
0x2f: {  	_ =	swait.ge [sflag:s20], $0x2710  }
0x30: {  	[sflag:s20] =	ssyncset.done $0x0  }
0x31: {  	[sflag:s20] =	ssyncadd.s32 $0xFFFFD8F0  }
0x32: {  	[bflag:$0x0] =	sbarrier.arrive $0xFFFF  }
0x33: {  	[tilespmem:s25], [sflag:$0x1] =	stream.indirect.gather [hbm4b:s4+s24], $0x80, s22, s24, $0xb8;
	[tilespmem:$0x1D880] =	vst v63  }
0x34: {  	s8 =	simm.s32 $0x16050;
	s9 =	simm.s32 $0x138D0  }
0x35: {  	[tilespmem:s26], [sflag:$0x2] =	stream.indirect.gather [hbm4b:s4+s24], $0x80, s9, s24, $0xb8;
	[tilespmem:$0x1D880] =	vst v63  }
0x36: {  	v0 =	vld [tilespmem:s8+$0xFFFFFFB0];
	_ =	sdelay $0x4  }
0x37: {  	[tilespmem:$0x18780] =	vst v0  }
0x38: {  	v0 =	vld [tilespmem:s8+$0xFFFFFFC0];
	_ =	sdelay $0x4  }
0x39: {  	[tilespmem:$0x18790] =	vst v0  }
0x3a: {  	v0 =	vld [tilespmem:s8+$0xFFFFFFD0];
	_ =	sdelay $0x4  }
0x3b: {  	[tilespmem:$0x187A0] =	vst v0  }
0x3c: {  	v0 =	vld [tilespmem:s8+$0xFFFFFFE0];
	_ =	sdelay $0x4  }
0x3d: {  	[tilespmem:$0x187B0] =	vst v0  }
0x3e: {  	v0 =	vld [tilespmem:s8+$0xFFFFFFF0];
	_ =	sdelay $0x4  }
0x3f: {  	[tilespmem:$0x187C0] =	vst v0  }
0x40: {  	_ =	swait.ge [sflag:s28], $0x2800  }
0x41: {  	[sflag:s28] =	ssyncset.done $0x0  }
0x42: {  	[sflag:s28] =	ssyncadd.s32 $0xFFFFD800  }
0x43: {  	[spmem:s2] =	stream.indirect.scatter.add.f32 [tilespmem:s25], [sflag:$0x3], $0x80, s29, s24, $0xb8;
	[tilespmem:$0x1D880] =	vst v63  }
0x44: {  	_ =	swait.ge [sflag:s20], $0x2800  }
0x45: {  	[sflag:s20] =	ssyncset.done $0x0  }
0x46: {  	s18 =	simm.s32 $0x13920;
	[sflag:s20] =	ssyncadd.s32 $0xFFFFD800  }
0x47: {  	[tilespmem:s25], [sflag:$0x1] =	stream.indirect.gather [hbm4b:s4+s24], $0x80, s18, s24, $0xb8;
	[tilespmem:$0x1D880] =	vst v63  }
0x48: {  	v63 =	vld [tilespmem:s8+$0x0];
	_ =	sdelay $0x4  }
0x49: {  	[tilespmem:$0x18800] =	vst v63  }
0x4a: {  	v0 =	vld [tilespmem:s8+$0x10];
	_ =	sdelay $0x4  }
0x4b: {  	[tilespmem:$0x18810] =	vst v0  }
0x4c: {  	v0 =	vld [tilespmem:s8+$0x20];
	_ =	sdelay $0x4  }
0x4d: {  	s7 =	sand.u32 $0x3FE0, s13;
	[tilespmem:$0x18820] =	vst v0  }
0x4e: {  	v0 =	vld [tilespmem:s7+$0x16080];
	_ =	sdelay $0x4  }
0x4f: {  	[tilespmem:$0x18830] =	vst v0  }
0x50: {  	v0 =	vld [tilespmem:s8+$0x40];
	_ =	sdelay $0x4  }
0x51: {  	[tilespmem:$0x18840] =	vst v0  }
0x52: {  	_ =	swait.ge [sflag:s30], $0x2800  }
0x53: {  	[sflag:s30] =	ssyncset.done $0x0  }
0x54: {  	[sflag:s30] =	ssyncadd.s32 $0xFFFFD800  }
0x55: {  	[spmem:s2] =	stream.indirect.scatter.add.f32 [tilespmem:s26], [sflag:$0x3], $0x80, s31, s24, $0xb8;
	[tilespmem:$0x1D880] =	vst v63  }
0x56: {  	s9 =	simm.s32 $0x140;
	_ =	swait.ge [sflag:s20], $0x2800  }
0x57: {  	s18 =	simm.s32 $0x139C0;
	s7 =	simm.s32 $0xA0;
	[sflag:s20] =	ssyncset.done $0x0  }
.LBB2_6:
0x58: {  	s12 =	sadd.s32 $0xFFFFFFB0, s18;
	[sflag:s20] =	ssyncadd.s32 $0xFFFFD800;
	s8 =	sadd.s32 $0xA0, s8  }
0x59: {  	[tilespmem:s26], [sflag:$0x2] =	stream.indirect.gather [hbm4b:s4+s24], $0x80, s12, s24, $0xb8;
	[tilespmem:$0x1D880] =	vst v63  }
0x5a: {  	p3 =	sne.s32 s9, $0x2620;
	s12 =	smov.u32 s9;
	s9 =	sadd.s32 $0xA0, s9;
	v0 =	vld [tilespmem:s8+$0xFFFFFFB0]  }
0x5b: {  	_ =	sdelay $0x3  }
0x5c: {  	[tilespmem:$0x18780] =	vst v0  }
0x5d: {  	v0 =	vld [tilespmem:s8+$0xFFFFFFC0];
	_ =	sdelay $0x4  }
0x5e: {  	[tilespmem:$0x18790] =	vst v0  }
0x5f: {  	v0 =	vld [tilespmem:s8+$0xFFFFFFD0];
	_ =	sdelay $0x4  }
0x60: {  	[tilespmem:$0x187A0] =	vst v0  }
0x61: {  	v0 =	vld [tilespmem:s8+$0xFFFFFFE0];
	_ =	sdelay $0x4  }
0x62: {  	[tilespmem:$0x187B0] =	vst v0  }
0x63: {  	v0 =	vld [tilespmem:s8+$0xFFFFFFF0];
	_ =	sdelay $0x4  }
0x64: {  	[tilespmem:$0x187C0] =	vst v0  }
0x65: {  	_ =	swait.ge [sflag:s28], $0x2800  }
0x66: {  	[sflag:s28] =	ssyncset.done $0x0  }
0x67: {  	[sflag:s28] =	ssyncadd.s32 $0xFFFFD800  }
0x68: {  	[spmem:s2] =	stream.indirect.scatter.add.f32 [tilespmem:s25], [sflag:$0x3], $0x80, s29, s24, $0xb8;
	[tilespmem:$0x1D880] =	vst v63  }
0x69: {  	_ =	swait.ge [sflag:s20], $0x2800  }
0x6a: {  	[sflag:s20] =	ssyncset.done $0x0  }
0x6b: {  	[sflag:s20] =	ssyncadd.s32 $0xFFFFD800  }
0x6c: {  	[tilespmem:s25], [sflag:$0x1] =	stream.indirect.gather [hbm4b:s4+s24], $0x80, s18, s24, $0xb8;
	[tilespmem:$0x1D880] =	vst v63  }
0x6d: {  	v0 =	vld [tilespmem:s8+$0x0];
	_ =	sdelay $0x4  }
0x6e: {  	[tilespmem:$0x18800] =	vst v0  }
0x6f: {  	v0 =	vld [tilespmem:s8+$0x10];
	_ =	sdelay $0x4  }
0x70: {  	[tilespmem:$0x18810] =	vst v0  }
0x71: {  	v0 =	vld [tilespmem:s8+$0x20];
	_ =	sdelay $0x4  }
0x72: {  	s13 =	sand.u32 $0x3FE0, s7;
	s7 =	smov.u32 s12;
	[tilespmem:$0x18820] =	vst v0  }
0x73: {  	v0 =	vld [tilespmem:s13+$0x16080];
	_ =	sdelay $0x4  }
0x74: {  	[tilespmem:$0x18830] =	vst v0  }
0x75: {  	v0 =	vld [tilespmem:s8+$0x40];
	_ =	sdelay $0x4  }
0x76: {  	[tilespmem:$0x18840] =	vst v0  }
0x77: {  	_ =	swait.ge [sflag:s30], $0x2800  }
.Ltmp3:
0x78: {  	[sflag:s30] =	ssyncset.done $0x0;
	(pc) =	sbr.rel @p3 .LBB2_6-.Ltmp3, $4  }
0x79: {  	[sflag:s30] =	ssyncadd.s32 $0xFFFFD800  }
0x7a: {  	[spmem:s2] =	stream.indirect.scatter.add.f32 [tilespmem:s26], [sflag:$0x3], $0x80, s31, s24, $0xb8;
	[tilespmem:$0x1D880] =	vst v63  }
0x7b: {  	_ =	swait.ge [sflag:s20], $0x2800  }
0x7c: {  	s18 =	sadd.s32 $0xA0, s18;
	[sflag:s20] =	ssyncset.done $0x0  }
0x7d: {  	s9 =	sadd.s32 $0xFFFFFFB0, s18;
	[sflag:s20] =	ssyncadd.s32 $0xFFFFD800;
	s8 =	sadd.s32 $0xA0, s8  }
0x7e: {  	[tilespmem:s26], [sflag:$0x2] =	stream.indirect.gather [hbm4b:s4+s24], $0x80, s9, s24, $0xb8;
	[tilespmem:$0x1D880] =	vst v63  }
0x7f: {  	v0 =	vld [tilespmem:s8+$0xFFFFFFB0];
	_ =	sdelay $0x4  }
0x80: {  	[tilespmem:$0x18780] =	vst v0  }
0x81: {  	v0 =	vld [tilespmem:s8+$0xFFFFFFC0];
	_ =	sdelay $0x4  }
0x82: {  	[tilespmem:$0x18790] =	vst v0  }
0x83: {  	v0 =	vld [tilespmem:s8+$0xFFFFFFD0];
	_ =	sdelay $0x4  }
0x84: {  	[tilespmem:$0x187A0] =	vst v0  }
0x85: {  	v0 =	vld [tilespmem:s8+$0xFFFFFFE0];
	_ =	sdelay $0x4  }
0x86: {  	[tilespmem:$0x187B0] =	vst v0  }
0x87: {  	v0 =	vld [tilespmem:s8+$0xFFFFFFF0];
	_ =	sdelay $0x4  }
0x88: {  	[tilespmem:$0x187C0] =	vst v0  }
0x89: {  	_ =	swait.ge [sflag:s28], $0x2800  }
0x8a: {  	[sflag:s28] =	ssyncset.done $0x0  }
0x8b: {  	[sflag:s28] =	ssyncadd.s32 $0xFFFFD800  }
0x8c: {  	[spmem:s2] =	stream.indirect.scatter.add.f32 [tilespmem:s25], [sflag:$0x3], $0x80, s29, s24, $0xb8;
	[tilespmem:$0x1D880] =	vst v63  }
0x8d: {  	_ =	swait.ge [sflag:s20], $0x2800  }
0x8e: {  	[sflag:s20] =	ssyncset.done $0x0  }
0x8f: {  	[sflag:s20] =	ssyncadd.s32 $0xFFFFD800  }
0x90: {  	[tilespmem:s25], [sflag:$0x1] =	stream.indirect.gather [hbm4b:s4+s24], $0x80, s18, s24, $0xb8;
	[tilespmem:$0x1D880] =	vst v63  }
0x91: {  	v62 =	vld [tilespmem:s8+$0x0];
	_ =	sdelay $0x4  }
0x92: {  	[tilespmem:$0x18800] =	vst v62  }
0x93: {  	v0 =	vld [tilespmem:s8+$0x10];
	_ =	sdelay $0x4  }
0x94: {  	[tilespmem:$0x18810] =	vst v0  }
0x95: {  	v0 =	vld [tilespmem:s8+$0x20];
	_ =	sdelay $0x4  }
0x96: {  	s7 =	sand.u32 $0x3FE0, s7;
	[tilespmem:$0x18820] =	vst v0  }
0x97: {  	v0 =	vld [tilespmem:s7+$0x16080];
	_ =	sdelay $0x4  }
0x98: {  	[tilespmem:$0x18830] =	vst v0  }
0x99: {  	v0 =	vld [tilespmem:s8+$0x40];
	_ =	sdelay $0x4  }
0x9a: {  	[tilespmem:$0x18840] =	vst v0  }
0x9b: {  	_ =	swait.ge [sflag:s30], $0x2800  }
0x9c: {  	[sflag:s30] =	ssyncset.done $0x0  }
0x9d: {  	[sflag:s30] =	ssyncadd.s32 $0xFFFFD800  }
0x9e: {  	[spmem:s2] =	stream.indirect.scatter.add.f32 [tilespmem:s26], [sflag:$0x3], $0x80, s31, s24, $0xb8;
	[tilespmem:$0x1D880] =	vst v63  }
0x9f: {  	_ =	swait.ge [sflag:s20], $0x2800  }
0xa0: {  	[sflag:s20] =	ssyncset.done $0x0  }
0xa1: {  	[sflag:s20] =	ssyncadd.s32 $0xFFFFD800  }
0xa2: {  	v63 =	vld [tilespmem:$0x186C0]  }
0xa3: {  	v1 =	vld [tilespmem:$0x186D0]  }
0xa4: {  	v2 =	vld [tilespmem:$0x186E0]  }
0xa5: {  	v3 =	vld [tilespmem:$0x186F0]  }
0xa6: {  	v4 =	vld [tilespmem:$0x18700]  }
0xa7: {  	[tilespmem:$0x18780] =	vst v63  }
0xa8: {  	[tilespmem:$0x18790] =	vst v1  }
0xa9: {  	[tilespmem:$0x187A0] =	vst v2  }
0xaa: {  	[tilespmem:$0x187B0] =	vst v3  }
0xab: {  	[tilespmem:$0x187C0] =	vst v4  }
0xac: {  	_ =	swait.ge [sflag:s28], $0x2800  }
0xad: {  	[sflag:s28] =	ssyncset.done $0x0  }
0xae: {  	[sflag:s28] =	ssyncadd.s32 $0xFFFFD800  }
0xaf: {  	[spmem:s2] =	stream.indirect.scatter.add.f32 [tilespmem:s25], [sflag:$0x3], $0x80, s29, s24, $0xb8;
	[tilespmem:$0x1D880] =	vst v63  }
0xb0: {  	_ =	swait.ge [sflag:s20], $0x2800  }
0xb1: {  	[sflag:s20] =	ssyncset.done $0x0  }
0xb2: {  	[sflag:s20] =	ssyncadd.s32 $0xFFFFD800  }
0xb3: {  	[bflag:$0x0] =	sbarrier.arrive $0xFFFF  }
0xb4: {  	[hbm:s15], [sflag:s0] =	dma.local [spmem:s19], $0x2700  }
.Ltmp4:
0xb5: {  	_ = 	snop;
	(pc) =	sbr.rel @p1 .LBB2_9-.Ltmp4, $4  }
.Ltmp5:
0xb6: {  	_ = 	snop;
	(pc) =	sbr.rel @!p1 .LBB2_8-.Ltmp5, $4  }
0xb7: {  	_ =	swait.ge [sflag:s20], $0x2700  }
0xb8: {  	[sflag:s20] =	ssyncset.done $0x0  }
0xb9: {  	s18 =	smov.u32 s0;
	s7 =	smov.u32 s6;
	[sflag:s20] =	ssyncadd.s32 $0xFFFFD900  }
0xba: {  	_ = 	snop  }
.LBB2_2:
0xbb: {  	s18 =	sor.u32 $0x1C03, s17;
	s7 =	rddreg [dreg:$0x4]  }
0xbc: {  	[spmem:s19], [sflag:s18] =	dma.local [hbm:s7], $0x2700  }
0xbd: {  	_ =	swait.ge [sflag:s20], $0x2700  }
0xbe: {  	[sflag:s20] =	ssyncset.done $0x0  }
0xbf: {  	s7 =	rddreg [dreg:$0x6];
	[sflag:s20] =	ssyncadd.s32 $0xFFFFD900  }
0xc0: {  	[spmem:s21], [sflag:s18] =	dma.local @!p1 [hbm:s7], $0x100  }
0xc1: {  	s7 =	simm.s32 @!p1 $0x3  }
0xc2: {  	_ =	swait.ge @!p1 [sflag:s7], $0x100  }
0xc3: {  	[sflag:s7] =	ssyncset.done @!p1 $0x0  }
0xc4: {  	s13 =	simm.s32 $0x0;
	[sflag:s7] =	ssyncadd.s32 @!p1 $0xFFFFFF00  }
0xc5: {  	[tilespmem:s22], [sflag:$0x3] =	stream.linear.gather [hbm4b:s10+s13], $0x2710, $0x38;
	[tilespmem:$0x1D880] =	vst v63  }
0xc6: {  	_ =	swait.ge [sflag:s20], $0x2710  }
0xc7: {  	[sflag:s20] =	ssyncset.done $0x0  }
0xc8: {  	[sflag:s20] =	ssyncadd.s32 $0xFFFFD8F0  }
0xc9: {  	[tilespmem:s23], [sflag:$0x3] =	stream.linear.gather [hbm4b:s11+s13], $0x2710, $0x38;
	[tilespmem:$0x1D880] =	vst v63  }
0xca: {  	_ =	swait.ge [sflag:s20], $0x2710  }
0xcb: {  	[sflag:s20] =	ssyncset.done $0x0  }
0xcc: {  	[sflag:s20] =	ssyncadd.s32 $0xFFFFD8F0  }
0xcd: {  	[bflag:$0x0] =	sbarrier.arrive $0xFFFF  }
0xce: {  	[tilespmem:s25], [sflag:$0x1] =	stream.indirect.gather [hbm4b:s1+s24], $0x80, s22, s24, $0xb8;
	[tilespmem:$0x1D880] =	vst v63  }
0xcf: {  	s8 =	simm.s32 $0x16050;
	s9 =	simm.s32 $0x138D0  }
0xd0: {  	[tilespmem:s26], [sflag:$0x2] =	stream.indirect.gather [hbm4b:s1+s24], $0x80, s9, s24, $0xb8;
	[tilespmem:$0x1D880] =	vst v63  }
0xd1: {  	v0 =	vld [tilespmem:s8+$0xFFFFFFB0];
	_ =	sdelay $0x4  }
0xd2: {  	[tilespmem:$0x18780] =	vst v0  }
0xd3: {  	v0 =	vld [tilespmem:s8+$0xFFFFFFC0];
	_ =	sdelay $0x4  }
0xd4: {  	[tilespmem:$0x18790] =	vst v0  }
0xd5: {  	v0 =	vld [tilespmem:s8+$0xFFFFFFD0];
	_ =	sdelay $0x4  }
0xd6: {  	[tilespmem:$0x187A0] =	vst v0  }
0xd7: {  	v0 =	vld [tilespmem:s8+$0xFFFFFFE0];
	_ =	sdelay $0x4  }
0xd8: {  	[tilespmem:$0x187B0] =	vst v0  }
0xd9: {  	v0 =	vld [tilespmem:s8+$0xFFFFFFF0];
	_ =	sdelay $0x4  }
0xda: {  	[tilespmem:$0x187C0] =	vst v0  }
0xdb: {  	_ =	swait.ge [sflag:s28], $0x2800  }
0xdc: {  	[sflag:s28] =	ssyncset.done $0x0  }
0xdd: {  	[sflag:s28] =	ssyncadd.s32 $0xFFFFD800  }
0xde: {  	[spmem:s2] =	stream.indirect.scatter.add.f32 [tilespmem:s25], [sflag:$0x3], $0x80, s29, s24, $0xb8;
	[tilespmem:$0x1D880] =	vst v63  }
0xdf: {  	_ =	swait.ge [sflag:s20], $0x2800  }
0xe0: {  	[sflag:s20] =	ssyncset.done $0x0  }
0xe1: {  	s23 =	simm.s32 $0x13920;
	[sflag:s20] =	ssyncadd.s32 $0xFFFFD800  }
0xe2: {  	[tilespmem:s25], [sflag:$0x1] =	stream.indirect.gather [hbm4b:s1+s24], $0x80, s23, s24, $0xb8;
	[tilespmem:$0x1D880] =	vst v63  }
0xe3: {  	v63 =	vld [tilespmem:s8+$0x0];
	_ =	sdelay $0x4  }
0xe4: {  	[tilespmem:$0x18800] =	vst v63  }
0xe5: {  	v0 =	vld [tilespmem:s8+$0x10];
	_ =	sdelay $0x4  }
0xe6: {  	[tilespmem:$0x18810] =	vst v0  }
0xe7: {  	v0 =	vld [tilespmem:s8+$0x20];
	_ =	sdelay $0x4  }
0xe8: {  	s7 =	sand.u32 $0x3FE0, s13;
	[tilespmem:$0x18820] =	vst v0  }
0xe9: {  	v0 =	vld [tilespmem:s7+$0x16080];
	_ =	sdelay $0x4  }
0xea: {  	[tilespmem:$0x18830] =	vst v0  }
0xeb: {  	v0 =	vld [tilespmem:s8+$0x40];
	_ =	sdelay $0x4  }
0xec: {  	[tilespmem:$0x18840] =	vst v0  }
0xed: {  	_ =	swait.ge [sflag:s30], $0x2800  }
0xee: {  	[sflag:s30] =	ssyncset.done $0x0  }
0xef: {  	[sflag:s30] =	ssyncadd.s32 $0xFFFFD800  }
0xf0: {  	[spmem:s2] =	stream.indirect.scatter.add.f32 [tilespmem:s26], [sflag:$0x3], $0x80, s31, s24, $0xb8;
	[tilespmem:$0x1D880] =	vst v63  }
0xf1: {  	s9 =	simm.s32 $0x140;
	_ =	swait.ge [sflag:s20], $0x2800  }
0xf2: {  	s23 =	simm.s32 $0x139C0;
	s7 =	simm.s32 $0xA0;
	[sflag:s20] =	ssyncset.done $0x0  }
.LBB2_3:
0xf3: {  	s12 =	sadd.s32 $0xFFFFFFB0, s23;
	[sflag:s20] =	ssyncadd.s32 $0xFFFFD800;
	s8 =	sadd.s32 $0xA0, s8  }
0xf4: {  	[tilespmem:s26], [sflag:$0x2] =	stream.indirect.gather [hbm4b:s1+s24], $0x80, s12, s24, $0xb8;
	[tilespmem:$0x1D880] =	vst v63  }
0xf5: {  	p3 =	sne.s32 s9, $0x2620;
	s12 =	smov.u32 s9;
	s9 =	sadd.s32 $0xA0, s9;
	v0 =	vld [tilespmem:s8+$0xFFFFFFB0]  }
0xf6: {  	_ =	sdelay $0x3  }
0xf7: {  	[tilespmem:$0x18780] =	vst v0  }
0xf8: {  	v0 =	vld [tilespmem:s8+$0xFFFFFFC0];
	_ =	sdelay $0x4  }
0xf9: {  	[tilespmem:$0x18790] =	vst v0  }
0xfa: {  	v0 =	vld [tilespmem:s8+$0xFFFFFFD0];
	_ =	sdelay $0x4  }
0xfb: {  	[tilespmem:$0x187A0] =	vst v0  }
0xfc: {  	v0 =	vld [tilespmem:s8+$0xFFFFFFE0];
	_ =	sdelay $0x4  }
0xfd: {  	[tilespmem:$0x187B0] =	vst v0  }
0xfe: {  	v0 =	vld [tilespmem:s8+$0xFFFFFFF0];
	_ =	sdelay $0x4  }
0xff: {  	[tilespmem:$0x187C0] =	vst v0  }
0x100: {  	_ =	swait.ge [sflag:s28], $0x2800  }
0x101: {  	[sflag:s28] =	ssyncset.done $0x0  }
0x102: {  	[sflag:s28] =	ssyncadd.s32 $0xFFFFD800  }
0x103: {  	[spmem:s2] =	stream.indirect.scatter.add.f32 [tilespmem:s25], [sflag:$0x3], $0x80, s29, s24, $0xb8;
	[tilespmem:$0x1D880] =	vst v63  }
0x104: {  	_ =	swait.ge [sflag:s20], $0x2800  }
0x105: {  	[sflag:s20] =	ssyncset.done $0x0  }
0x106: {  	[sflag:s20] =	ssyncadd.s32 $0xFFFFD800  }
0x107: {  	[tilespmem:s25], [sflag:$0x1] =	stream.indirect.gather [hbm4b:s1+s24], $0x80, s23, s24, $0xb8;
	[tilespmem:$0x1D880] =	vst v63  }
0x108: {  	v0 =	vld [tilespmem:s8+$0x0];
	_ =	sdelay $0x4  }
0x109: {  	[tilespmem:$0x18800] =	vst v0  }
0x10a: {  	v0 =	vld [tilespmem:s8+$0x10];
	_ =	sdelay $0x4  }
0x10b: {  	[tilespmem:$0x18810] =	vst v0  }
0x10c: {  	v0 =	vld [tilespmem:s8+$0x20];
	_ =	sdelay $0x4  }
0x10d: {  	s13 =	sand.u32 $0x3FE0, s7;
	s7 =	smov.u32 s12;
	[tilespmem:$0x18820] =	vst v0  }
0x10e: {  	v0 =	vld [tilespmem:s13+$0x16080];
	_ =	sdelay $0x4  }
0x10f: {  	[tilespmem:$0x18830] =	vst v0  }
0x110: {  	v0 =	vld [tilespmem:s8+$0x40];
	_ =	sdelay $0x4  }
0x111: {  	[tilespmem:$0x18840] =	vst v0  }
0x112: {  	_ =	swait.ge [sflag:s30], $0x2800  }
.Ltmp6:
0x113: {  	[sflag:s30] =	ssyncset.done $0x0;
	(pc) =	sbr.rel @p3 .LBB2_3-.Ltmp6, $4  }
0x114: {  	[sflag:s30] =	ssyncadd.s32 $0xFFFFD800  }
0x115: {  	[spmem:s2] =	stream.indirect.scatter.add.f32 [tilespmem:s26], [sflag:$0x3], $0x80, s31, s24, $0xb8;
	[tilespmem:$0x1D880] =	vst v63  }
0x116: {  	_ =	swait.ge [sflag:s20], $0x2800  }
0x117: {  	s23 =	sadd.s32 $0xA0, s23;
	[sflag:s20] =	ssyncset.done $0x0  }
0x118: {  	s9 =	sadd.s32 $0xFFFFFFB0, s23;
	[sflag:s20] =	ssyncadd.s32 $0xFFFFD800;
	s8 =	sadd.s32 $0xA0, s8  }
0x119: {  	[tilespmem:s26], [sflag:$0x2] =	stream.indirect.gather [hbm4b:s1+s24], $0x80, s9, s24, $0xb8;
	[tilespmem:$0x1D880] =	vst v63  }
0x11a: {  	v0 =	vld [tilespmem:s8+$0xFFFFFFB0];
	_ =	sdelay $0x4  }
0x11b: {  	[tilespmem:$0x18780] =	vst v0  }
0x11c: {  	v0 =	vld [tilespmem:s8+$0xFFFFFFC0];
	_ =	sdelay $0x4  }
0x11d: {  	[tilespmem:$0x18790] =	vst v0  }
0x11e: {  	v0 =	vld [tilespmem:s8+$0xFFFFFFD0];
	_ =	sdelay $0x4  }
0x11f: {  	[tilespmem:$0x187A0] =	vst v0  }
0x120: {  	v0 =	vld [tilespmem:s8+$0xFFFFFFE0];
	_ =	sdelay $0x4  }
0x121: {  	[tilespmem:$0x187B0] =	vst v0  }
0x122: {  	v0 =	vld [tilespmem:s8+$0xFFFFFFF0];
	_ =	sdelay $0x4  }
0x123: {  	[tilespmem:$0x187C0] =	vst v0  }
0x124: {  	_ =	swait.ge [sflag:s28], $0x2800  }
0x125: {  	[sflag:s28] =	ssyncset.done $0x0  }
0x126: {  	[sflag:s28] =	ssyncadd.s32 $0xFFFFD800  }
0x127: {  	[spmem:s2] =	stream.indirect.scatter.add.f32 [tilespmem:s25], [sflag:$0x3], $0x80, s29, s24, $0xb8;
	[tilespmem:$0x1D880] =	vst v63  }
0x128: {  	_ =	swait.ge [sflag:s20], $0x2800  }
0x129: {  	[sflag:s20] =	ssyncset.done $0x0  }
0x12a: {  	[sflag:s20] =	ssyncadd.s32 $0xFFFFD800  }
0x12b: {  	[tilespmem:s25], [sflag:$0x1] =	stream.indirect.gather [hbm4b:s1+s24], $0x80, s23, s24, $0xb8;
	[tilespmem:$0x1D880] =	vst v63  }
0x12c: {  	v62 =	vld [tilespmem:s8+$0x0];
	_ =	sdelay $0x4  }
0x12d: {  	[tilespmem:$0x18800] =	vst v62  }
0x12e: {  	v0 =	vld [tilespmem:s8+$0x10];
	_ =	sdelay $0x4  }
0x12f: {  	[tilespmem:$0x18810] =	vst v0  }
0x130: {  	v0 =	vld [tilespmem:s8+$0x20];
	_ =	sdelay $0x4  }
0x131: {  	s7 =	sand.u32 $0x3FE0, s7;
	[tilespmem:$0x18820] =	vst v0  }
0x132: {  	v0 =	vld [tilespmem:s7+$0x16080];
	_ =	sdelay $0x4  }
0x133: {  	[tilespmem:$0x18830] =	vst v0  }
0x134: {  	v0 =	vld [tilespmem:s8+$0x40];
	_ =	sdelay $0x4  }
0x135: {  	[tilespmem:$0x18840] =	vst v0  }
0x136: {  	_ =	swait.ge [sflag:s30], $0x2800  }
0x137: {  	[sflag:s30] =	ssyncset.done $0x0  }
0x138: {  	[sflag:s30] =	ssyncadd.s32 $0xFFFFD800  }
0x139: {  	[spmem:s2] =	stream.indirect.scatter.add.f32 [tilespmem:s26], [sflag:$0x3], $0x80, s31, s24, $0xb8;
	[tilespmem:$0x1D880] =	vst v63  }
0x13a: {  	_ =	swait.ge [sflag:s20], $0x2800  }
0x13b: {  	[sflag:s20] =	ssyncset.done $0x0  }
0x13c: {  	[sflag:s20] =	ssyncadd.s32 $0xFFFFD800  }
0x13d: {  	v63 =	vld [tilespmem:$0x186C0]  }
0x13e: {  	v1 =	vld [tilespmem:$0x186D0]  }
0x13f: {  	v2 =	vld [tilespmem:$0x186E0]  }
0x140: {  	v3 =	vld [tilespmem:$0x186F0]  }
0x141: {  	v4 =	vld [tilespmem:$0x18700]  }
0x142: {  	[tilespmem:$0x18780] =	vst v63  }
0x143: {  	[tilespmem:$0x18790] =	vst v1  }
0x144: {  	[tilespmem:$0x187A0] =	vst v2  }
0x145: {  	[tilespmem:$0x187B0] =	vst v3  }
0x146: {  	[tilespmem:$0x187C0] =	vst v4  }
0x147: {  	_ =	swait.ge [sflag:s28], $0x2800  }
0x148: {  	[sflag:s28] =	ssyncset.done $0x0  }
0x149: {  	[sflag:s28] =	ssyncadd.s32 $0xFFFFD800  }
0x14a: {  	[spmem:s2] =	stream.indirect.scatter.add.f32 [tilespmem:s25], [sflag:$0x3], $0x80, s29, s24, $0xb8;
	[tilespmem:$0x1D880] =	vst v63  }
0x14b: {  	_ =	swait.ge [sflag:s20], $0x2800  }
0x14c: {  	[sflag:s20] =	ssyncset.done $0x0  }
0x14d: {  	[sflag:s20] =	ssyncadd.s32 $0xFFFFD800  }
0x14e: {  	[bflag:$0x0] =	sbarrier.arrive $0xFFFF  }
0x14f: {  	s23 =	rddreg [dreg:$0x7]  }
0x150: {  	[hbm:s23], [sflag:s18] =	dma.local [spmem:s19], $0x2700  }
.Ltmp7:
0x151: {  	_ = 	snop;
	(pc) =	sbr.rel @!p2 .LBB2_9-.Ltmp7, $4  }
.Ltmp8:
0x152: {  	_ = 	snop;
	(pc) =	sbr.rel @p2 .LBB2_8-.Ltmp8, $4  }
0x153: {  	_ =	swait.ge [sflag:s20], $0x2700  }
0x154: {  	[sflag:s20] =	ssyncset.done $0x0  }
0x155: {  	s7 =	smov.u32 s5;
	s23 =	simm.s32 $0x16000;
	[sflag:s20] =	ssyncadd.s32 $0xFFFFD900  }
0x156: {  	_ = 	snop  }
.LBB2_10:
0x157: {  	_ =	sfence.sel $0x180000  }
0x158: {  	[bflag:$0x0] =	sbarrier.arrive $0xFFFF  }
0x159: {  	_ =	strace $0x9000004A  }
0x15a: {  	[bflag:$0x2] =	sbarrier.arrive $0xFFFF  }
0x15b: {  	s0 =	rddreg [dreg:$0x3]  }
0x15c: {  	s0 =	sadd.s32 @!p1 $0x100000, s0  }
0x15d: {  	[sflag:s0] =	ssyncadd.tile.s32 @!p1 $0x1;
	_ =	shalt  }
.Lfunc_end2:
_tile_overlayer_lowered:
.L_overlay_start_2:
0x15e: {  	(tag) =	ssettag $0x2  }
0x15f: {  	s0 =	rddreg [dreg:$0x0];
	s2 =	stileid.u32  }
0x160: {  	s1 =	rddreg [dreg:$0x1];
	p0 =	sne.s32 s2, $0x0  }
0x161: {  	s3 =	rddreg [dreg:$0x2];
	[bflag:$0x3] =	sbarrier.arrive $0xFFFF;
	s2 =	simm.s32 @!p0 $0x1C03  }
0x162: {  	[timem:s3], [sflag:s2] =	dma.local @!p0 [hbm:s0], s1  }
0x163: {  	s0 =	simm.s32 @!p0 $0x3  }
0x164: {  	_ =	swait.ge @!p0 [sflag:s0], s1  }
0x165: {  	s1 =	ssub.s32 @!p0 $0x0, s1;
	[sflag:s0] =	ssyncset.done @!p0 $0x0  }
0x166: {  	[sflag:s0] =	ssyncadd.s32 @!p0 s1  }
0x167: {  	[bflag:$0x3] =	sbarrier.arrive $0xFFFF  }
0x168: {  	_ =	shalt  }

// kernel: kernel.14.cloned.1.call-start
scs
__scs_entry_jumppad:
0x0: {  	(pc) =	sbr.rel $0x88, $3  }
0x1: {  	(tag) =	ssettag $0x0;
	lr =	simm.s32 $0x1  }
0x2: {  	[smem:$0x3F9B] =	sst lr;
	_ =	strace $0xD0000000  }
0x3: {  	_ = 	snop  }
0x4: {  	_ = 	snop  }
0x5: {  	_ = 	snop  }
0x6: {  	_ = 	snop  }
0x7: {  	_ = 	snop  }
__scs_overlays_trampoline_lowered:
0x8: {  	[smem:$0x3FAA] =	sst s0  }
0x9: {  	[smem:$0x3FAB] =	sst s1  }
0xa: {  	[smem:$0x3FAC] =	sst s2  }
0xb: {  	[smem:$0x3FAD] =	sst s3  }
0xc: {  	[smem:$0x3FAE] =	sst s4  }
0xd: {  	[smem:$0x3FAF] =	sst s5  }
0xe: {  	[smem:$0x3FB0] =	sst s6  }
0xf: {  	[smem:$0x3FB1] =	sst s7  }
0x10: {  	[smem:$0x3FB2] =	sst s8  }
0x11: {  	[smem:$0x3FB3] =	sst s9;
	s0 =	simm.s32 @!p0 $0x0  }
0x12: {  	s1 =	sld [smem:$0x3F99];
	s0 =	simm.s32 @p0 $0x1  }
0x13: {  	[smem:$0x3FB4] =	sst s0;
	s0 =	simm.s32 @!p1 $0x0  }
0x14: {  	s2 =	sld [smem:$0x3F98];
	s0 =	simm.s32 @p1 $0x1  }
0x15: {  	[smem:$0x3FB5] =	sst s0;
	s0 =	simm.s32 @!p2 $0x0  }
0x16: {  	s3 =	sld [smem:$0x3FDB];
	s0 =	simm.s32 @p2 $0x1  }
0x17: {  	s4 =	simm.s32 $0x1BF5;
	[smem:$0x3FB7] =	sst s0  }
0x18: {  	s0 =	sld [smem:$0x3F9A];
	_ =	swait.ge [sflag:s4], $0x0  }
0x19: {  	s7 =	sld [smem:$0x3F9B]  }
0x1a: {  	s8 =	sadd.s32 $0xFFFFE003, lr  }
0x1b: {  	s9 =	sadd.s32 $0xFFFFFEF7, lr;
	s5 =	simm.s32 $0xFFFFFFFF;
	p2 =	slt.u32 s8, $0xFFFFF086  }
0x1c: {  	p1 =	slt.u32 s9, $0xF7A;
	s5 =	simm.s32 @!p2 $0x0  }
0x1d: {  	s5 =	simm.s32 @p1 $0x1;
	p0 =	seq.s32 s7, s2  }
0x1e: {  	s7 =	smul.u32 @!p0 $0xF7A, s2;
	p2 =	seq.s32 @!p0 s5, $0x0  }
0x1f: {  	s9 =	smul.u32 $0xF7A, s1;
	s8 =	simm.s32 @!p0 $0x1BF5;
	p2 =	por !p2, p0  }
0x20: {  	[sflag:s8] =	ssyncset.s32 @!p0 $0xFFFFF086;
	s6 =	sadd.s32 @!p0 s3, s7;
	s7 =	simm.s32 @!p0 $0x108  }
0x21: {  	s3 =	sadd.s32 s3, s9;
	s6 =	sadd.s32 @!p0 $0x88, s6;
	s7 =	simm.s32 @p2 $0x1082  }
0x22: {  	[simem:s7], [sflag:s8] =	dma.local @!p0 [hbm:s6], $0xF7A  }
0x23: {  	s9 =	sor.u32 $0xD0000000, s2;
	s6 =	simm.s32 $0x108;
	_ =	swait.ge @!p0 [sflag:s8], $0x0  }
0x24: {  	s3 =	sadd.s32 $0x88, s3;
	s6 =	simm.s32 @!p1 $0x1082;
	[sflag:s4] =	ssyncset.s32 $0xFFFFF086  }
0x25: {  	[simem:s6], [sflag:s4] =	dma.local [hbm:s3], $0xF7A  }
0x26: {  	[smem:$0x3F9B] =	sst s1;
	(tag) =	ssettag s2;
	_ =	strace s9  }
0x27: {  	s1 =	sld [smem:$0x3FAB]  }
0x28: {  	s2 =	sld [smem:$0x3FAC]  }
0x29: {  	s4 =	sld [smem:$0x3FAE]  }
0x2a: {  	p0 =	seq.s32 s5, $0x0;
	s5 =	sld [smem:$0x3FAF]  }
0x2b: {  	s6 =	sld [smem:$0x3FB0]  }
0x2c: {  	s7 =	sld [smem:$0x3FB1]  }
0x2d: {  	s3 =	simm.s32 $0x108;
	s8 =	sld [smem:$0x3FB2]  }
0x2e: {  	s3 =	simm.s32 @!p0 $0x1082;
	s9 =	sld [smem:$0x3FB3]  }
0x2f: {  	lr =	sadd.s32 s0, s3;
	s0 =	sld [smem:$0x3FAA]  }
0x30: {  	s3 =	sld [smem:$0x3FAD]  }
0x31: {  	[smem:$0x3FB6] =	sst s10  }
0x32: {  	s10 =	sld [smem:$0x3FB4];
	_ =	sdelay $0x3  }
0x33: {  	p0 =	seq.s32 s10, $0x1;
	s10 =	sld [smem:$0x3FB6];
	_ =	sdelay $0x3  }
0x34: {  	[smem:$0x3FB6] =	sst s10  }
0x35: {  	s10 =	sld [smem:$0x3FB5];
	_ =	sdelay $0x3  }
0x36: {  	p1 =	seq.s32 s10, $0x1;
	s10 =	sld [smem:$0x3FB6];
	_ =	sdelay $0x3  }
0x37: {  	[smem:$0x3FB6] =	sst s10  }
0x38: {  	s10 =	sld [smem:$0x3FB7]  }
0x39: {  	_ = 	snop;
	(pc) =	sbr.ind lr, $3  }
0x3a: {  	_ = 	snop  }
0x3b: {  	_ = 	snop  }
0x3c: {  	p2 =	seq.s32 s10, $0x1;
	s10 =	sld [smem:$0x3FB6]  }
0x3d: {  	_ =	shalt  }
0x3e: {  	_ =	shalt  }
0x3f: {  	_ =	shalt  }
0x40: {  	_ =	shalt  }
0x41: {  	_ =	shalt  }
0x42: {  	_ =	shalt  }
0x43: {  	_ =	shalt  }
0x44: {  	_ =	shalt  }
0x45: {  	_ =	shalt  }
0x46: {  	_ =	shalt  }
0x47: {  	_ =	shalt  }
0x48: {  	_ =	shalt  }
0x49: {  	_ =	shalt  }
0x4a: {  	_ =	shalt  }
0x4b: {  	_ =	shalt  }
0x4c: {  	_ =	shalt  }
0x4d: {  	_ =	shalt  }
0x4e: {  	_ =	shalt  }
0x4f: {  	_ =	shalt  }
0x50: {  	_ =	shalt  }
0x51: {  	_ =	shalt  }
0x52: {  	_ =	shalt  }
0x53: {  	_ =	shalt  }
0x54: {  	_ =	shalt  }
0x55: {  	_ =	shalt  }
0x56: {  	_ =	shalt  }
0x57: {  	_ =	shalt  }
0x58: {  	_ =	shalt  }
0x59: {  	_ =	shalt  }
0x5a: {  	_ =	shalt  }
0x5b: {  	_ =	shalt  }
0x5c: {  	_ =	shalt  }
0x5d: {  	_ =	shalt  }
0x5e: {  	_ =	shalt  }
0x5f: {  	_ =	shalt  }
0x60: {  	_ =	shalt  }
0x61: {  	_ =	shalt  }
0x62: {  	_ =	shalt  }
0x63: {  	_ =	shalt  }
0x64: {  	_ =	shalt  }
0x65: {  	_ =	shalt  }
0x66: {  	_ =	shalt  }
0x67: {  	_ =	shalt  }
0x68: {  	_ =	shalt  }
0x69: {  	_ =	shalt  }
0x6a: {  	_ =	shalt  }
0x6b: {  	_ =	shalt  }
0x6c: {  	_ =	shalt  }
0x6d: {  	_ =	shalt  }
0x6e: {  	_ =	shalt  }
0x6f: {  	_ =	shalt  }
0x70: {  	_ =	shalt  }
0x71: {  	_ =	shalt  }
0x72: {  	_ =	shalt  }
0x73: {  	_ =	shalt  }
0x74: {  	_ =	shalt  }
0x75: {  	_ =	shalt  }
0x76: {  	_ =	shalt  }
0x77: {  	_ =	shalt  }
0x78: {  	_ =	shalt  }
0x79: {  	_ =	shalt  }
0x7a: {  	_ =	shalt  }
0x7b: {  	_ =	shalt  }
0x7c: {  	_ =	shalt  }
0x7d: {  	_ =	shalt  }
0x7e: {  	_ =	shalt  }
0x7f: {  	_ =	shalt  }
0x80: {  	_ =	shalt  }
0x81: {  	_ =	shalt  }
0x82: {  	_ =	shalt  }
0x83: {  	_ =	shalt  }
0x84: {  	_ =	shalt  }
0x85: {  	_ =	shalt  }
0x86: {  	_ =	shalt  }
0x87: {  	_ =	shalt  }
.Lfunc_end0:
.L_simem_size_0:
called_computation.2_lowered:
.L_overlay_start_0:
0x88: {  	s2 =	sld [smem:$0x3FD9]  }
0x89: {  	s3 =	sld [smem:$0x3FFE];
	_ =	sdelay $0x1  }
0x8a: {  	s1 =	srdreg.scid  }
0x8b: {  	s0 =	sand.u32 $0x1, s1  }
0x8c: {  	s17 =	sshll.u32 s0, $0xA;
	s2 =	sadd.s32 s3, s2  }
0x8d: {  	s2 =	sadd.s32 s2, s17  }
0x8e: {  	[smem:$0x3FC2] =	sst s2  }
0x8f: {  	_ = 	snop  }
0x90: {  	s2 =	sld [smem:$0x3FD0];
	(tm) =	ssettm $0x1  }
0x91: {  	s18 =	sld [smem:$0x3FFB];
	_ =	sdelay $0x3  }
0x92: {  	_ =	strace s18  }
0x93: {  	s3 =	sld [smem:$0x3FFC];
	_ =	sdelay $0x3  }
0x94: {  	_ =	strace s3  }
0x95: {  	s3 =	sld [smem:$0x3FFD];
	_ =	sdelay $0x3  }
0x96: {  	_ =	strace s3  }
0x97: {  	_ =	strace $0x8FFFFFFF  }
0x98: {  	s19 =	sld [smem:$0x3FDB];
	_ =	sdelay $0x1  }
0x99: {  	s4 =	simm.s32 $_scs_section_size  }
0x9a: {  	s5 =	simm.s32 $_size__tile_overlayer_lowered;
	s6 =	simm.s32 $_tile_overlayer_lowered  }
0x9b: {  	s22 =	simm.s32 $0x1BFF;
	s21 =	sshll.u32 s6, $0x1;
	s3 =	sadd.s32 s4, s19  }
0x9c: {  	s7 =	simm.s32 $0x0;
	s20 =	sshll.u32 s5, $0x1;
	s5 =	sadd.s32 s21, s3  }
0x9d: {  	[timem:s7], [sflag:s22] =	dma.local [hbm:s5], s20  }
0x9e: {  	_ =	swait.ge [sflag:s22], s20  }
0x9f: {  	s4 =	ssub.s32 $0x0, s20;
	[sflag:s22] =	ssyncset.done $0x0  }
0xa0: {  	[sflag:s22] =	ssyncadd.s32 s4;
	_ =	sdelay $0x1  }
0xa1: {  	s23 =	simm.s32 $0x1B8B  }
0xa2: {  	_ =	swait.ge [sflag:s23], $0x1  }
0xa3: {  	[sflag:s23] =	ssyncset.done $0x0  }
0xa4: {  	s25 =	simm.s32 $0x1B8E;
	s24 =	sld [smem:$0x3FFE];
	[sflag:s23] =	ssyncadd.s32 $0xFFFFFFFF  }
0xa5: {  	s26 =	simm.s32 $execute0_lowered;
	[smem:$0x3FD2] =	sst s25  }
0xa6: {  	s5 =	sshll.u32 s26, $0x1;
	_ =	strace $0x8000004C;
	[dreg:$0x1] =	wrdreg $0xFFFFFFFF  }
0xa7: {  	s28 =	simm.s32 $_size_execute0_lowered;
	s3 =	sadd.s32 s3, s5;
	[dreg:$0x0] =	wrdreg $0x0  }
0xa8: {  	s5 =	sshll.u32 s28, $0x1;
	[dreg:$0x2] =	wrdreg s3  }
0xa9: {  	[dreg:$0x3] =	wrdreg s5  }
0xaa: {  	[dreg:$0x4] =	wrdreg $0xC0  }
0xab: {  	_ =	task [dreg:s7], $0x5FFFF  }
0xac: {  	[dreg:$0x1] =	wrdreg $0xFFFFFFFF  }
0xad: {  	[dreg:$0x0] =	wrdreg $0x60  }
0xae: {  	[dreg:$0x2] =	wrdreg s2  }
0xaf: {  	[dreg:$0x3] =	wrdreg s24  }
0xb0: {  	[dreg:$0x4] =	wrdreg $0x0  }
0xb1: {  	[dreg:$0x5] =	wrdreg $0x9  }
0xb2: {  	_ =	task.clear_ibuf [dreg:s7], $0x6FFFF;
	_ =	strace $0x9000004C  }
0xb3: {  	s29 =	simm.s32 $0x9;
	_ =	strace $0x8000004E  }
0xb4: {  	_ =	swait.ge [sflag:s29], $0x1  }
0xb5: {  	[sflag:s29] =	ssyncadd.s32 $0xFFFFFFFF  }
0xb6: {  	_ =	strace $0x9000004E  }
0xb7: {  	_ =	sfence  }
0xb8: {  	s30 =	sld [smem:$0x0];
	_ =	sdelay $0x2  }
0xb9: {  	s31 =	sshll.u32 s1, $0xD;
	s1 =	sshrl.u32 s1, $0x2  }
0xba: {  	s3 =	sand.u32 $0x4000, s31;
	s1 =	sadd.s32 s1, s30  }
0xbb: {  	s0 =	sor.u32 s3, s0;
	s1 =	sshll.u32 s1, $0x11  }
0xbc: {  	s0 =	sor.u32 s1, s0  }
0xbd: {  	s0 =	sadd.s32 $0x8F2B, s0  }
0xbe: {  	[sflag:s0] =	ssyncadd.remote.s32 $0x1  }
0xbf: {  	_ =	sfence.sel $0xFFFF  }
0xc0: {  	[dreg:$0x0] =	wrdreg $0xFFFFFFFF;
	(pc) =	sbr.abs _section_cstart, $3  }
0xc1: {  	[dreg:$0x1] =	wrdreg $0xFFFFFFFF  }
0xc2: {  	_ =	task.clear_ibuf [dreg:s7], $0x2FFFF;
	_ =	strace $0x9FFFFFFF  }
0xc3: {  	(tm) =	ssettm $0x7FFFFFFF  }
tec
execute0_lowered:
.L_overlay_start_1:
0x0: {  	(tag) =	ssettag $0x1  }
0x1: {  	s1 =	rddreg [dreg:$0x0]  }
0x2: {  	s0 =	rddreg [dreg:$0x1]  }
0x3: {  	s2 =	rddreg [dreg:$0x2]  }
0x4: {  	s3 =	simm.s32 $0x0;
	s7 =	stileid.u32;
	s6 =	srdreg.scid  }
0x5: {  	s20 =	simm.s32 $0x3;
	s28 =	simm.s32 $0x1;
	s29 =	simm.s32 $0x18780  }
0x6: {  	s30 =	simm.s32 $0x2;
	s31 =	simm.s32 $0x18800;
	s5 =	smul.u32 $0x4E2, s7  }
0x7: {  	[smem:$0x7FF] =	sst s3;
	s4 =	sadd.s32 $0xDA00, s0;
	s11 =	smul.u32 $0x4E000, s7  }
0x8: {  	s9 =	sand.u32 $0x1, s6;
	s6 =	sadd.s32 $0x83000, s0;
	s15 =	smul.u32 $0x2700, s7  }
0x9: {  	s13 =	sadd.s32 $0x138000, s2;
	s24 =	sadd.s32 $0x27000, s1;
	s14 =	sadd.s32 $0x34A00, s0  }
0xa: {  	s17 =	sshll.u32 s7, $0x6;
	p1 =	sne.s32 s7, $0x0;
	p2 =	seq.s32 s7, $0x0  }
0xb: {  	_ =	strace $0x8000004D;
	s10 =	ssub.s32 $0x2, s9;
	[dreg:$0x6] =	wrdreg s24  }
0xc: {  	p0 =	seq.s32 s9, $0x1;
	[dreg:$0x5] =	wrdreg s13;
	s21 =	sshrl.u32 @!p1 s13, $0x3  }
0xd: {  	s24 =	simm.s32 $0x50;
	s8 =	sadd.s32 s5, s0;
	s5 =	sadd.s32 $0x5BE00, s0  }
0xe: {  	s12 =	sshrl.u32 s10, $0x1;
	s22 =	sshrl.u32 s11, $0x2;
	s23 =	sadd.s32 s1, s15  }
0xf: {  	s26 =	sadd.s32 s4, s15;
	s0 =	sor.u32 $0x1C03, s17;
	s12 =	ssub.s32 s10, s12  }
.Ltmp0:
0x10: {  	s9 =	sadd.s32 s22, s2;
	[dreg:$0x4] =	wrdreg s23;
	(pc) =	sbr.rel .LBB2_1-.Ltmp0, $4  }
0x11: {  	s10 =	sadd.s32 $0x3A00, s8;
	s11 =	sadd.s32 $0x8A00, s8;
	s25 =	sadd.s32 s5, s15  }
0x12: {  	[dreg:$0x8] =	wrdreg s26;
	s15 =	sadd.s32 s6, s15;
	s22 =	simm.s32 $0x13880  }
0x13: {  	s23 =	simm.s32 $0x16000;
	s26 =	simm.s32 $0x1B080;
	[dreg:$0x7] =	wrdreg s25  }
0x14: {  	s16 =	smax.u32 s12, $0x1;
	s19 =	sshrl.u32 s9, $0x3;
	s25 =	simm.s32 $0x18880  }
.LBB2_8:
0x15: {  	s8 =	rddreg [dreg:$0x5]  }
0x16: {  	s7 =	sadd.s32 $0x27000, s7;
	s8 =	sshrl.u32 s8, $0x3  }
0x17: {  	[hbm:s7], [sflag:s18] =	dma.local [spmem:s8], $0x100  }
0x18: {  	_ =	swait.ge [sflag:s20], $0x100  }
0x19: {  	[sflag:s20] =	ssyncset.done $0x0  }
0x1a: {  	[sflag:s20] =	ssyncadd.s32 $0xFFFFFF00  }
.LBB2_9:
0x1b: {  	s3 =	sadd.s32 $0x1, s3  }
0x1c: {  	p3 =	sne.s32 s3, s16  }
.Ltmp1:
0x1d: {  	_ = 	snop;
	(pc) =	sbr.rel @!p3 .LBB2_10-.Ltmp1, $1  }
0x1e: {  	_ =	sdelay $0x3  }
.LBB2_1:
.Ltmp2:
0x1f: {  	(pc) =	sbr.rel @!p0 .LBB2_2-.Ltmp2, $1  }
0x20: {  	_ =	sdelay $0x3  }
0x21: {  	s7 =	rddreg [dreg:$0x8]  }
0x22: {  	[spmem:s19], [sflag:s0] =	dma.local [hbm:s7], $0x2700  }
0x23: {  	_ =	swait.ge [sflag:s20], $0x2700  }
0x24: {  	[sflag:s20] =	ssyncset.done $0x0  }
0x25: {  	s7 =	simm.s32 @!p1 $0x3;
	[sflag:s20] =	ssyncadd.s32 $0xFFFFD900  }
0x26: {  	[spmem:s21], [sflag:s0] =	dma.local @!p1 [hbm:s14], $0x100  }
0x27: {  	_ =	swait.ge @!p1 [sflag:s7], $0x100  }
0x28: {  	[sflag:s7] =	ssyncset.done @!p1 $0x0  }
0x29: {  	s13 =	simm.s32 $0x0;
	[sflag:s7] =	ssyncadd.s32 @!p1 $0xFFFFFF00  }
0x2a: {  	[tilespmem:s22], [sflag:$0x3] =	stream.linear.gather [hbm4b:s10+s13], $0x2710, $0x38;
	[tilespmem:$0x1D880] =	vst v63  }
0x2b: {  	_ =	swait.ge [sflag:s20], $0x2710  }
0x2c: {  	[sflag:s20] =	ssyncset.done $0x0  }
0x2d: {  	[sflag:s20] =	ssyncadd.s32 $0xFFFFD8F0  }
0x2e: {  	[tilespmem:s23], [sflag:$0x3] =	stream.linear.gather [hbm4b:s11+s13], $0x2710, $0x38;
	[tilespmem:$0x1D880] =	vst v63  }
0x2f: {  	_ =	swait.ge [sflag:s20], $0x2710  }
0x30: {  	[sflag:s20] =	ssyncset.done $0x0  }
0x31: {  	[sflag:s20] =	ssyncadd.s32 $0xFFFFD8F0  }
0x32: {  	[bflag:$0x0] =	sbarrier.arrive $0xFFFF  }
0x33: {  	[tilespmem:s25], [sflag:$0x1] =	stream.indirect.gather [hbm4b:s4+s24], $0x80, s22, s24, $0xb8;
	[tilespmem:$0x1D880] =	vst v63  }
0x34: {  	s8 =	simm.s32 $0x16050;
	s9 =	simm.s32 $0x138D0  }
0x35: {  	[tilespmem:s26], [sflag:$0x2] =	stream.indirect.gather [hbm4b:s4+s24], $0x80, s9, s24, $0xb8;
	[tilespmem:$0x1D880] =	vst v63  }
0x36: {  	v0 =	vld [tilespmem:s8+$0xFFFFFFB0];
	_ =	sdelay $0x4  }
0x37: {  	[tilespmem:$0x18780] =	vst v0  }
0x38: {  	v0 =	vld [tilespmem:s8+$0xFFFFFFC0];
	_ =	sdelay $0x4  }
0x39: {  	[tilespmem:$0x18790] =	vst v0  }
0x3a: {  	v0 =	vld [tilespmem:s8+$0xFFFFFFD0];
	_ =	sdelay $0x4  }
0x3b: {  	[tilespmem:$0x187A0] =	vst v0  }
0x3c: {  	v0 =	vld [tilespmem:s8+$0xFFFFFFE0];
	_ =	sdelay $0x4  }
0x3d: {  	[tilespmem:$0x187B0] =	vst v0  }
0x3e: {  	v0 =	vld [tilespmem:s8+$0xFFFFFFF0];
	_ =	sdelay $0x4  }
0x3f: {  	[tilespmem:$0x187C0] =	vst v0  }
0x40: {  	_ =	swait.ge [sflag:s28], $0x2800  }
0x41: {  	[sflag:s28] =	ssyncset.done $0x0  }
0x42: {  	[sflag:s28] =	ssyncadd.s32 $0xFFFFD800  }
0x43: {  	[spmem:s2] =	stream.indirect.scatter.add.f32 [tilespmem:s25], [sflag:$0x3], $0x80, s29, s24, $0xb8;
	[tilespmem:$0x1D880] =	vst v63  }
0x44: {  	_ =	swait.ge [sflag:s20], $0x2800  }
0x45: {  	[sflag:s20] =	ssyncset.done $0x0  }
0x46: {  	s18 =	simm.s32 $0x13920;
	[sflag:s20] =	ssyncadd.s32 $0xFFFFD800  }
0x47: {  	[tilespmem:s25], [sflag:$0x1] =	stream.indirect.gather [hbm4b:s4+s24], $0x80, s18, s24, $0xb8;
	[tilespmem:$0x1D880] =	vst v63  }
0x48: {  	v63 =	vld [tilespmem:s8+$0x0];
	_ =	sdelay $0x4  }
0x49: {  	[tilespmem:$0x18800] =	vst v63  }
0x4a: {  	v0 =	vld [tilespmem:s8+$0x10];
	_ =	sdelay $0x4  }
0x4b: {  	[tilespmem:$0x18810] =	vst v0  }
0x4c: {  	v0 =	vld [tilespmem:s8+$0x20];
	_ =	sdelay $0x4  }
0x4d: {  	s7 =	sand.u32 $0x3FE0, s13;
	[tilespmem:$0x18820] =	vst v0  }
0x4e: {  	v0 =	vld [tilespmem:s7+$0x16080];
	_ =	sdelay $0x4  }
0x4f: {  	[tilespmem:$0x18830] =	vst v0  }
0x50: {  	v0 =	vld [tilespmem:s8+$0x40];
	_ =	sdelay $0x4  }
0x51: {  	[tilespmem:$0x18840] =	vst v0  }
0x52: {  	_ =	swait.ge [sflag:s30], $0x2800  }
0x53: {  	[sflag:s30] =	ssyncset.done $0x0  }
0x54: {  	[sflag:s30] =	ssyncadd.s32 $0xFFFFD800  }
0x55: {  	[spmem:s2] =	stream.indirect.scatter.add.f32 [tilespmem:s26], [sflag:$0x3], $0x80, s31, s24, $0xb8;
	[tilespmem:$0x1D880] =	vst v63  }
0x56: {  	s9 =	simm.s32 $0x140;
	_ =	swait.ge [sflag:s20], $0x2800  }
0x57: {  	s18 =	simm.s32 $0x139C0;
	s7 =	simm.s32 $0xA0;
	[sflag:s20] =	ssyncset.done $0x0  }
.LBB2_6:
0x58: {  	s12 =	sadd.s32 $0xFFFFFFB0, s18;
	[sflag:s20] =	ssyncadd.s32 $0xFFFFD800;
	s8 =	sadd.s32 $0xA0, s8  }
0x59: {  	[tilespmem:s26], [sflag:$0x2] =	stream.indirect.gather [hbm4b:s4+s24], $0x80, s12, s24, $0xb8;
	[tilespmem:$0x1D880] =	vst v63  }
0x5a: {  	p3 =	sne.s32 s9, $0x2620;
	s12 =	smov.u32 s9;
	s9 =	sadd.s32 $0xA0, s9;
	v0 =	vld [tilespmem:s8+$0xFFFFFFB0]  }
0x5b: {  	_ =	sdelay $0x3  }
0x5c: {  	[tilespmem:$0x18780] =	vst v0  }
0x5d: {  	v0 =	vld [tilespmem:s8+$0xFFFFFFC0];
	_ =	sdelay $0x4  }
0x5e: {  	[tilespmem:$0x18790] =	vst v0  }
0x5f: {  	v0 =	vld [tilespmem:s8+$0xFFFFFFD0];
	_ =	sdelay $0x4  }
0x60: {  	[tilespmem:$0x187A0] =	vst v0  }
0x61: {  	v0 =	vld [tilespmem:s8+$0xFFFFFFE0];
	_ =	sdelay $0x4  }
0x62: {  	[tilespmem:$0x187B0] =	vst v0  }
0x63: {  	v0 =	vld [tilespmem:s8+$0xFFFFFFF0];
	_ =	sdelay $0x4  }
0x64: {  	[tilespmem:$0x187C0] =	vst v0  }
0x65: {  	_ =	swait.ge [sflag:s28], $0x2800  }
0x66: {  	[sflag:s28] =	ssyncset.done $0x0  }
0x67: {  	[sflag:s28] =	ssyncadd.s32 $0xFFFFD800  }
0x68: {  	[spmem:s2] =	stream.indirect.scatter.add.f32 [tilespmem:s25], [sflag:$0x3], $0x80, s29, s24, $0xb8;
	[tilespmem:$0x1D880] =	vst v63  }
0x69: {  	_ =	swait.ge [sflag:s20], $0x2800  }
0x6a: {  	[sflag:s20] =	ssyncset.done $0x0  }
0x6b: {  	[sflag:s20] =	ssyncadd.s32 $0xFFFFD800  }
0x6c: {  	[tilespmem:s25], [sflag:$0x1] =	stream.indirect.gather [hbm4b:s4+s24], $0x80, s18, s24, $0xb8;
	[tilespmem:$0x1D880] =	vst v63  }
0x6d: {  	v0 =	vld [tilespmem:s8+$0x0];
	_ =	sdelay $0x4  }
0x6e: {  	[tilespmem:$0x18800] =	vst v0  }
0x6f: {  	v0 =	vld [tilespmem:s8+$0x10];
	_ =	sdelay $0x4  }
0x70: {  	[tilespmem:$0x18810] =	vst v0  }
0x71: {  	v0 =	vld [tilespmem:s8+$0x20];
	_ =	sdelay $0x4  }
0x72: {  	s13 =	sand.u32 $0x3FE0, s7;
	s7 =	smov.u32 s12;
	[tilespmem:$0x18820] =	vst v0  }
0x73: {  	v0 =	vld [tilespmem:s13+$0x16080];
	_ =	sdelay $0x4  }
0x74: {  	[tilespmem:$0x18830] =	vst v0  }
0x75: {  	v0 =	vld [tilespmem:s8+$0x40];
	_ =	sdelay $0x4  }
0x76: {  	[tilespmem:$0x18840] =	vst v0  }
0x77: {  	_ =	swait.ge [sflag:s30], $0x2800  }
.Ltmp3:
0x78: {  	[sflag:s30] =	ssyncset.done $0x0;
	(pc) =	sbr.rel @p3 .LBB2_6-.Ltmp3, $4  }
0x79: {  	[sflag:s30] =	ssyncadd.s32 $0xFFFFD800  }
0x7a: {  	[spmem:s2] =	stream.indirect.scatter.add.f32 [tilespmem:s26], [sflag:$0x3], $0x80, s31, s24, $0xb8;
	[tilespmem:$0x1D880] =	vst v63  }
0x7b: {  	_ =	swait.ge [sflag:s20], $0x2800  }
0x7c: {  	s18 =	sadd.s32 $0xA0, s18;
	[sflag:s20] =	ssyncset.done $0x0  }
0x7d: {  	s9 =	sadd.s32 $0xFFFFFFB0, s18;
	[sflag:s20] =	ssyncadd.s32 $0xFFFFD800;
	s8 =	sadd.s32 $0xA0, s8  }
0x7e: {  	[tilespmem:s26], [sflag:$0x2] =	stream.indirect.gather [hbm4b:s4+s24], $0x80, s9, s24, $0xb8;
	[tilespmem:$0x1D880] =	vst v63  }
0x7f: {  	v0 =	vld [tilespmem:s8+$0xFFFFFFB0];
	_ =	sdelay $0x4  }
0x80: {  	[tilespmem:$0x18780] =	vst v0  }
0x81: {  	v0 =	vld [tilespmem:s8+$0xFFFFFFC0];
	_ =	sdelay $0x4  }
0x82: {  	[tilespmem:$0x18790] =	vst v0  }
0x83: {  	v0 =	vld [tilespmem:s8+$0xFFFFFFD0];
	_ =	sdelay $0x4  }
0x84: {  	[tilespmem:$0x187A0] =	vst v0  }
0x85: {  	v0 =	vld [tilespmem:s8+$0xFFFFFFE0];
	_ =	sdelay $0x4  }
0x86: {  	[tilespmem:$0x187B0] =	vst v0  }
0x87: {  	v0 =	vld [tilespmem:s8+$0xFFFFFFF0];
	_ =	sdelay $0x4  }
0x88: {  	[tilespmem:$0x187C0] =	vst v0  }
0x89: {  	_ =	swait.ge [sflag:s28], $0x2800  }
0x8a: {  	[sflag:s28] =	ssyncset.done $0x0  }
0x8b: {  	[sflag:s28] =	ssyncadd.s32 $0xFFFFD800  }
0x8c: {  	[spmem:s2] =	stream.indirect.scatter.add.f32 [tilespmem:s25], [sflag:$0x3], $0x80, s29, s24, $0xb8;
	[tilespmem:$0x1D880] =	vst v63  }
0x8d: {  	_ =	swait.ge [sflag:s20], $0x2800  }
0x8e: {  	[sflag:s20] =	ssyncset.done $0x0  }
0x8f: {  	[sflag:s20] =	ssyncadd.s32 $0xFFFFD800  }
0x90: {  	[tilespmem:s25], [sflag:$0x1] =	stream.indirect.gather [hbm4b:s4+s24], $0x80, s18, s24, $0xb8;
	[tilespmem:$0x1D880] =	vst v63  }
0x91: {  	v62 =	vld [tilespmem:s8+$0x0];
	_ =	sdelay $0x4  }
0x92: {  	[tilespmem:$0x18800] =	vst v62  }
0x93: {  	v0 =	vld [tilespmem:s8+$0x10];
	_ =	sdelay $0x4  }
0x94: {  	[tilespmem:$0x18810] =	vst v0  }
0x95: {  	v0 =	vld [tilespmem:s8+$0x20];
	_ =	sdelay $0x4  }
0x96: {  	s7 =	sand.u32 $0x3FE0, s7;
	[tilespmem:$0x18820] =	vst v0  }
0x97: {  	v0 =	vld [tilespmem:s7+$0x16080];
	_ =	sdelay $0x4  }
0x98: {  	[tilespmem:$0x18830] =	vst v0  }
0x99: {  	v0 =	vld [tilespmem:s8+$0x40];
	_ =	sdelay $0x4  }
0x9a: {  	[tilespmem:$0x18840] =	vst v0  }
0x9b: {  	_ =	swait.ge [sflag:s30], $0x2800  }
0x9c: {  	[sflag:s30] =	ssyncset.done $0x0  }
0x9d: {  	[sflag:s30] =	ssyncadd.s32 $0xFFFFD800  }
0x9e: {  	[spmem:s2] =	stream.indirect.scatter.add.f32 [tilespmem:s26], [sflag:$0x3], $0x80, s31, s24, $0xb8;
	[tilespmem:$0x1D880] =	vst v63  }
0x9f: {  	_ =	swait.ge [sflag:s20], $0x2800  }
0xa0: {  	[sflag:s20] =	ssyncset.done $0x0  }
0xa1: {  	[sflag:s20] =	ssyncadd.s32 $0xFFFFD800  }
0xa2: {  	v63 =	vld [tilespmem:$0x186C0]  }
0xa3: {  	v1 =	vld [tilespmem:$0x186D0]  }
0xa4: {  	v2 =	vld [tilespmem:$0x186E0]  }
0xa5: {  	v3 =	vld [tilespmem:$0x186F0]  }
0xa6: {  	v4 =	vld [tilespmem:$0x18700]  }
0xa7: {  	[tilespmem:$0x18780] =	vst v63  }
0xa8: {  	[tilespmem:$0x18790] =	vst v1  }
0xa9: {  	[tilespmem:$0x187A0] =	vst v2  }
0xaa: {  	[tilespmem:$0x187B0] =	vst v3  }
0xab: {  	[tilespmem:$0x187C0] =	vst v4  }
0xac: {  	_ =	swait.ge [sflag:s28], $0x2800  }
0xad: {  	[sflag:s28] =	ssyncset.done $0x0  }
0xae: {  	[sflag:s28] =	ssyncadd.s32 $0xFFFFD800  }
0xaf: {  	[spmem:s2] =	stream.indirect.scatter.add.f32 [tilespmem:s25], [sflag:$0x3], $0x80, s29, s24, $0xb8;
	[tilespmem:$0x1D880] =	vst v63  }
0xb0: {  	_ =	swait.ge [sflag:s20], $0x2800  }
0xb1: {  	[sflag:s20] =	ssyncset.done $0x0  }
0xb2: {  	[sflag:s20] =	ssyncadd.s32 $0xFFFFD800  }
0xb3: {  	[bflag:$0x0] =	sbarrier.arrive $0xFFFF  }
0xb4: {  	[hbm:s15], [sflag:s0] =	dma.local [spmem:s19], $0x2700  }
.Ltmp4:
0xb5: {  	_ = 	snop;
	(pc) =	sbr.rel @p1 .LBB2_9-.Ltmp4, $4  }
.Ltmp5:
0xb6: {  	_ = 	snop;
	(pc) =	sbr.rel @!p1 .LBB2_8-.Ltmp5, $4  }
0xb7: {  	_ =	swait.ge [sflag:s20], $0x2700  }
0xb8: {  	[sflag:s20] =	ssyncset.done $0x0  }
0xb9: {  	s18 =	smov.u32 s0;
	s7 =	smov.u32 s6;
	[sflag:s20] =	ssyncadd.s32 $0xFFFFD900  }
0xba: {  	_ = 	snop  }
.LBB2_2:
0xbb: {  	s18 =	sor.u32 $0x1C03, s17;
	s7 =	rddreg [dreg:$0x4]  }
0xbc: {  	[spmem:s19], [sflag:s18] =	dma.local [hbm:s7], $0x2700  }
0xbd: {  	_ =	swait.ge [sflag:s20], $0x2700  }
0xbe: {  	[sflag:s20] =	ssyncset.done $0x0  }
0xbf: {  	s7 =	rddreg [dreg:$0x6];
	[sflag:s20] =	ssyncadd.s32 $0xFFFFD900  }
0xc0: {  	[spmem:s21], [sflag:s18] =	dma.local @!p1 [hbm:s7], $0x100  }
0xc1: {  	s7 =	simm.s32 @!p1 $0x3  }
0xc2: {  	_ =	swait.ge @!p1 [sflag:s7], $0x100  }
0xc3: {  	[sflag:s7] =	ssyncset.done @!p1 $0x0  }
0xc4: {  	s13 =	simm.s32 $0x0;
	[sflag:s7] =	ssyncadd.s32 @!p1 $0xFFFFFF00  }
0xc5: {  	[tilespmem:s22], [sflag:$0x3] =	stream.linear.gather [hbm4b:s10+s13], $0x2710, $0x38;
	[tilespmem:$0x1D880] =	vst v63  }
0xc6: {  	_ =	swait.ge [sflag:s20], $0x2710  }
0xc7: {  	[sflag:s20] =	ssyncset.done $0x0  }
0xc8: {  	[sflag:s20] =	ssyncadd.s32 $0xFFFFD8F0  }
0xc9: {  	[tilespmem:s23], [sflag:$0x3] =	stream.linear.gather [hbm4b:s11+s13], $0x2710, $0x38;
	[tilespmem:$0x1D880] =	vst v63  }
0xca: {  	_ =	swait.ge [sflag:s20], $0x2710  }
0xcb: {  	[sflag:s20] =	ssyncset.done $0x0  }
0xcc: {  	[sflag:s20] =	ssyncadd.s32 $0xFFFFD8F0  }
0xcd: {  	[bflag:$0x0] =	sbarrier.arrive $0xFFFF  }
0xce: {  	[tilespmem:s25], [sflag:$0x1] =	stream.indirect.gather [hbm4b:s1+s24], $0x80, s22, s24, $0xb8;
	[tilespmem:$0x1D880] =	vst v63  }
0xcf: {  	s8 =	simm.s32 $0x16050;
	s9 =	simm.s32 $0x138D0  }
0xd0: {  	[tilespmem:s26], [sflag:$0x2] =	stream.indirect.gather [hbm4b:s1+s24], $0x80, s9, s24, $0xb8;
	[tilespmem:$0x1D880] =	vst v63  }
0xd1: {  	v0 =	vld [tilespmem:s8+$0xFFFFFFB0];
	_ =	sdelay $0x4  }
0xd2: {  	[tilespmem:$0x18780] =	vst v0  }
0xd3: {  	v0 =	vld [tilespmem:s8+$0xFFFFFFC0];
	_ =	sdelay $0x4  }
0xd4: {  	[tilespmem:$0x18790] =	vst v0  }
0xd5: {  	v0 =	vld [tilespmem:s8+$0xFFFFFFD0];
	_ =	sdelay $0x4  }
0xd6: {  	[tilespmem:$0x187A0] =	vst v0  }
0xd7: {  	v0 =	vld [tilespmem:s8+$0xFFFFFFE0];
	_ =	sdelay $0x4  }
0xd8: {  	[tilespmem:$0x187B0] =	vst v0  }
0xd9: {  	v0 =	vld [tilespmem:s8+$0xFFFFFFF0];
	_ =	sdelay $0x4  }
0xda: {  	[tilespmem:$0x187C0] =	vst v0  }
0xdb: {  	_ =	swait.ge [sflag:s28], $0x2800  }
0xdc: {  	[sflag:s28] =	ssyncset.done $0x0  }
0xdd: {  	[sflag:s28] =	ssyncadd.s32 $0xFFFFD800  }
0xde: {  	[spmem:s2] =	stream.indirect.scatter.add.f32 [tilespmem:s25], [sflag:$0x3], $0x80, s29, s24, $0xb8;
	[tilespmem:$0x1D880] =	vst v63  }
0xdf: {  	_ =	swait.ge [sflag:s20], $0x2800  }
0xe0: {  	[sflag:s20] =	ssyncset.done $0x0  }
0xe1: {  	s23 =	simm.s32 $0x13920;
	[sflag:s20] =	ssyncadd.s32 $0xFFFFD800  }
0xe2: {  	[tilespmem:s25], [sflag:$0x1] =	stream.indirect.gather [hbm4b:s1+s24], $0x80, s23, s24, $0xb8;
	[tilespmem:$0x1D880] =	vst v63  }
0xe3: {  	v63 =	vld [tilespmem:s8+$0x0];
	_ =	sdelay $0x4  }
0xe4: {  	[tilespmem:$0x18800] =	vst v63  }
0xe5: {  	v0 =	vld [tilespmem:s8+$0x10];
	_ =	sdelay $0x4  }
0xe6: {  	[tilespmem:$0x18810] =	vst v0  }
0xe7: {  	v0 =	vld [tilespmem:s8+$0x20];
	_ =	sdelay $0x4  }
0xe8: {  	s7 =	sand.u32 $0x3FE0, s13;
	[tilespmem:$0x18820] =	vst v0  }
0xe9: {  	v0 =	vld [tilespmem:s7+$0x16080];
	_ =	sdelay $0x4  }
0xea: {  	[tilespmem:$0x18830] =	vst v0  }
0xeb: {  	v0 =	vld [tilespmem:s8+$0x40];
	_ =	sdelay $0x4  }
0xec: {  	[tilespmem:$0x18840] =	vst v0  }
0xed: {  	_ =	swait.ge [sflag:s30], $0x2800  }
0xee: {  	[sflag:s30] =	ssyncset.done $0x0  }
0xef: {  	[sflag:s30] =	ssyncadd.s32 $0xFFFFD800  }
0xf0: {  	[spmem:s2] =	stream.indirect.scatter.add.f32 [tilespmem:s26], [sflag:$0x3], $0x80, s31, s24, $0xb8;
	[tilespmem:$0x1D880] =	vst v63  }
0xf1: {  	s9 =	simm.s32 $0x140;
	_ =	swait.ge [sflag:s20], $0x2800  }
0xf2: {  	s23 =	simm.s32 $0x139C0;
	s7 =	simm.s32 $0xA0;
	[sflag:s20] =	ssyncset.done $0x0  }
.LBB2_3:
0xf3: {  	s12 =	sadd.s32 $0xFFFFFFB0, s23;
	[sflag:s20] =	ssyncadd.s32 $0xFFFFD800;
	s8 =	sadd.s32 $0xA0, s8  }
0xf4: {  	[tilespmem:s26], [sflag:$0x2] =	stream.indirect.gather [hbm4b:s1+s24], $0x80, s12, s24, $0xb8;
	[tilespmem:$0x1D880] =	vst v63  }
0xf5: {  	p3 =	sne.s32 s9, $0x2620;
	s12 =	smov.u32 s9;
	s9 =	sadd.s32 $0xA0, s9;
	v0 =	vld [tilespmem:s8+$0xFFFFFFB0]  }
0xf6: {  	_ =	sdelay $0x3  }
0xf7: {  	[tilespmem:$0x18780] =	vst v0  }
0xf8: {  	v0 =	vld [tilespmem:s8+$0xFFFFFFC0];
	_ =	sdelay $0x4  }
0xf9: {  	[tilespmem:$0x18790] =	vst v0  }
0xfa: {  	v0 =	vld [tilespmem:s8+$0xFFFFFFD0];
	_ =	sdelay $0x4  }
0xfb: {  	[tilespmem:$0x187A0] =	vst v0  }
0xfc: {  	v0 =	vld [tilespmem:s8+$0xFFFFFFE0];
	_ =	sdelay $0x4  }
0xfd: {  	[tilespmem:$0x187B0] =	vst v0  }
0xfe: {  	v0 =	vld [tilespmem:s8+$0xFFFFFFF0];
	_ =	sdelay $0x4  }
0xff: {  	[tilespmem:$0x187C0] =	vst v0  }
0x100: {  	_ =	swait.ge [sflag:s28], $0x2800  }
0x101: {  	[sflag:s28] =	ssyncset.done $0x0  }
0x102: {  	[sflag:s28] =	ssyncadd.s32 $0xFFFFD800  }
0x103: {  	[spmem:s2] =	stream.indirect.scatter.add.f32 [tilespmem:s25], [sflag:$0x3], $0x80, s29, s24, $0xb8;
	[tilespmem:$0x1D880] =	vst v63  }
0x104: {  	_ =	swait.ge [sflag:s20], $0x2800  }
0x105: {  	[sflag:s20] =	ssyncset.done $0x0  }
0x106: {  	[sflag:s20] =	ssyncadd.s32 $0xFFFFD800  }
0x107: {  	[tilespmem:s25], [sflag:$0x1] =	stream.indirect.gather [hbm4b:s1+s24], $0x80, s23, s24, $0xb8;
	[tilespmem:$0x1D880] =	vst v63  }
0x108: {  	v0 =	vld [tilespmem:s8+$0x0];
	_ =	sdelay $0x4  }
0x109: {  	[tilespmem:$0x18800] =	vst v0  }
0x10a: {  	v0 =	vld [tilespmem:s8+$0x10];
	_ =	sdelay $0x4  }
0x10b: {  	[tilespmem:$0x18810] =	vst v0  }
0x10c: {  	v0 =	vld [tilespmem:s8+$0x20];
	_ =	sdelay $0x4  }
0x10d: {  	s13 =	sand.u32 $0x3FE0, s7;
	s7 =	smov.u32 s12;
	[tilespmem:$0x18820] =	vst v0  }
0x10e: {  	v0 =	vld [tilespmem:s13+$0x16080];
	_ =	sdelay $0x4  }
0x10f: {  	[tilespmem:$0x18830] =	vst v0  }
0x110: {  	v0 =	vld [tilespmem:s8+$0x40];
	_ =	sdelay $0x4  }
0x111: {  	[tilespmem:$0x18840] =	vst v0  }
0x112: {  	_ =	swait.ge [sflag:s30], $0x2800  }
.Ltmp6:
0x113: {  	[sflag:s30] =	ssyncset.done $0x0;
	(pc) =	sbr.rel @p3 .LBB2_3-.Ltmp6, $4  }
0x114: {  	[sflag:s30] =	ssyncadd.s32 $0xFFFFD800  }
0x115: {  	[spmem:s2] =	stream.indirect.scatter.add.f32 [tilespmem:s26], [sflag:$0x3], $0x80, s31, s24, $0xb8;
	[tilespmem:$0x1D880] =	vst v63  }
0x116: {  	_ =	swait.ge [sflag:s20], $0x2800  }
0x117: {  	s23 =	sadd.s32 $0xA0, s23;
	[sflag:s20] =	ssyncset.done $0x0  }
0x118: {  	s9 =	sadd.s32 $0xFFFFFFB0, s23;
	[sflag:s20] =	ssyncadd.s32 $0xFFFFD800;
	s8 =	sadd.s32 $0xA0, s8  }
0x119: {  	[tilespmem:s26], [sflag:$0x2] =	stream.indirect.gather [hbm4b:s1+s24], $0x80, s9, s24, $0xb8;
	[tilespmem:$0x1D880] =	vst v63  }
0x11a: {  	v0 =	vld [tilespmem:s8+$0xFFFFFFB0];
	_ =	sdelay $0x4  }
0x11b: {  	[tilespmem:$0x18780] =	vst v0  }
0x11c: {  	v0 =	vld [tilespmem:s8+$0xFFFFFFC0];
	_ =	sdelay $0x4  }
0x11d: {  	[tilespmem:$0x18790] =	vst v0  }
0x11e: {  	v0 =	vld [tilespmem:s8+$0xFFFFFFD0];
	_ =	sdelay $0x4  }
0x11f: {  	[tilespmem:$0x187A0] =	vst v0  }
0x120: {  	v0 =	vld [tilespmem:s8+$0xFFFFFFE0];
	_ =	sdelay $0x4  }
0x121: {  	[tilespmem:$0x187B0] =	vst v0  }
0x122: {  	v0 =	vld [tilespmem:s8+$0xFFFFFFF0];
	_ =	sdelay $0x4  }
0x123: {  	[tilespmem:$0x187C0] =	vst v0  }
0x124: {  	_ =	swait.ge [sflag:s28], $0x2800  }
0x125: {  	[sflag:s28] =	ssyncset.done $0x0  }
0x126: {  	[sflag:s28] =	ssyncadd.s32 $0xFFFFD800  }
0x127: {  	[spmem:s2] =	stream.indirect.scatter.add.f32 [tilespmem:s25], [sflag:$0x3], $0x80, s29, s24, $0xb8;
	[tilespmem:$0x1D880] =	vst v63  }
0x128: {  	_ =	swait.ge [sflag:s20], $0x2800  }
0x129: {  	[sflag:s20] =	ssyncset.done $0x0  }
0x12a: {  	[sflag:s20] =	ssyncadd.s32 $0xFFFFD800  }
0x12b: {  	[tilespmem:s25], [sflag:$0x1] =	stream.indirect.gather [hbm4b:s1+s24], $0x80, s23, s24, $0xb8;
	[tilespmem:$0x1D880] =	vst v63  }
0x12c: {  	v62 =	vld [tilespmem:s8+$0x0];
	_ =	sdelay $0x4  }
0x12d: {  	[tilespmem:$0x18800] =	vst v62  }
0x12e: {  	v0 =	vld [tilespmem:s8+$0x10];
	_ =	sdelay $0x4  }
0x12f: {  	[tilespmem:$0x18810] =	vst v0  }
0x130: {  	v0 =	vld [tilespmem:s8+$0x20];
	_ =	sdelay $0x4  }
0x131: {  	s7 =	sand.u32 $0x3FE0, s7;
	[tilespmem:$0x18820] =	vst v0  }
0x132: {  	v0 =	vld [tilespmem:s7+$0x16080];
	_ =	sdelay $0x4  }
0x133: {  	[tilespmem:$0x18830] =	vst v0  }
0x134: {  	v0 =	vld [tilespmem:s8+$0x40];
	_ =	sdelay $0x4  }
0x135: {  	[tilespmem:$0x18840] =	vst v0  }
0x136: {  	_ =	swait.ge [sflag:s30], $0x2800  }
0x137: {  	[sflag:s30] =	ssyncset.done $0x0  }
0x138: {  	[sflag:s30] =	ssyncadd.s32 $0xFFFFD800  }
0x139: {  	[spmem:s2] =	stream.indirect.scatter.add.f32 [tilespmem:s26], [sflag:$0x3], $0x80, s31, s24, $0xb8;
	[tilespmem:$0x1D880] =	vst v63  }
0x13a: {  	_ =	swait.ge [sflag:s20], $0x2800  }
0x13b: {  	[sflag:s20] =	ssyncset.done $0x0  }
0x13c: {  	[sflag:s20] =	ssyncadd.s32 $0xFFFFD800  }
0x13d: {  	v63 =	vld [tilespmem:$0x186C0]  }
0x13e: {  	v1 =	vld [tilespmem:$0x186D0]  }
0x13f: {  	v2 =	vld [tilespmem:$0x186E0]  }
0x140: {  	v3 =	vld [tilespmem:$0x186F0]  }
0x141: {  	v4 =	vld [tilespmem:$0x18700]  }
0x142: {  	[tilespmem:$0x18780] =	vst v63  }
0x143: {  	[tilespmem:$0x18790] =	vst v1  }
0x144: {  	[tilespmem:$0x187A0] =	vst v2  }
0x145: {  	[tilespmem:$0x187B0] =	vst v3  }
0x146: {  	[tilespmem:$0x187C0] =	vst v4  }
0x147: {  	_ =	swait.ge [sflag:s28], $0x2800  }
0x148: {  	[sflag:s28] =	ssyncset.done $0x0  }
0x149: {  	[sflag:s28] =	ssyncadd.s32 $0xFFFFD800  }
0x14a: {  	[spmem:s2] =	stream.indirect.scatter.add.f32 [tilespmem:s25], [sflag:$0x3], $0x80, s29, s24, $0xb8;
	[tilespmem:$0x1D880] =	vst v63  }
0x14b: {  	_ =	swait.ge [sflag:s20], $0x2800  }
0x14c: {  	[sflag:s20] =	ssyncset.done $0x0  }
0x14d: {  	[sflag:s20] =	ssyncadd.s32 $0xFFFFD800  }
0x14e: {  	[bflag:$0x0] =	sbarrier.arrive $0xFFFF  }
0x14f: {  	s23 =	rddreg [dreg:$0x7]  }
0x150: {  	[hbm:s23], [sflag:s18] =	dma.local [spmem:s19], $0x2700  }
.Ltmp7:
0x151: {  	_ = 	snop;
	(pc) =	sbr.rel @!p2 .LBB2_9-.Ltmp7, $4  }
.Ltmp8:
0x152: {  	_ = 	snop;
	(pc) =	sbr.rel @p2 .LBB2_8-.Ltmp8, $4  }
0x153: {  	_ =	swait.ge [sflag:s20], $0x2700  }
0x154: {  	[sflag:s20] =	ssyncset.done $0x0  }
0x155: {  	s7 =	smov.u32 s5;
	s23 =	simm.s32 $0x16000;
	[sflag:s20] =	ssyncadd.s32 $0xFFFFD900  }
0x156: {  	_ = 	snop  }
.LBB2_10:
0x157: {  	_ =	sfence.sel $0x180000  }
0x158: {  	[bflag:$0x0] =	sbarrier.arrive $0xFFFF  }
0x159: {  	_ =	strace $0x9000004D  }
0x15a: {  	[bflag:$0x2] =	sbarrier.arrive $0xFFFF  }
0x15b: {  	s0 =	rddreg [dreg:$0x3]  }
0x15c: {  	s0 =	sadd.s32 @!p1 $0x100000, s0  }
0x15d: {  	[sflag:s0] =	ssyncadd.tile.s32 @!p1 $0x1;
	_ =	shalt  }
.Lfunc_end2:
_tile_overlayer_lowered:
.L_overlay_start_2:
0x15e: {  	(tag) =	ssettag $0x2  }
0x15f: {  	s0 =	rddreg [dreg:$0x0];
	s2 =	stileid.u32  }
0x160: {  	s1 =	rddreg [dreg:$0x1];
	p0 =	sne.s32 s2, $0x0  }
0x161: {  	s3 =	rddreg [dreg:$0x2];
	[bflag:$0x3] =	sbarrier.arrive $0xFFFF;
	s2 =	simm.s32 @!p0 $0x1C03  }
0x162: {  	[timem:s3], [sflag:s2] =	dma.local @!p0 [hbm:s0], s1  }
0x163: {  	s0 =	simm.s32 @!p0 $0x3  }
0x164: {  	_ =	swait.ge @!p0 [sflag:s0], s1  }
0x165: {  	s1 =	ssub.s32 @!p0 $0x0, s1;
	[sflag:s0] =	ssyncset.done @!p0 $0x0  }
0x166: {  	[sflag:s0] =	ssyncadd.s32 @!p0 s1  }
0x167: {  	[bflag:$0x3] =	sbarrier.arrive $0xFFFF  }
0x168: {  	_ =	shalt  }

// kernel: kernel.8.cloned.1.call-start
scs
__scs_entry_jumppad:
0x0: {  	(pc) =	sbr.rel $0x88, $3  }
0x1: {  	(tag) =	ssettag $0x0;
	lr =	simm.s32 $0x1  }
0x2: {  	[smem:$0x3F9B] =	sst lr;
	_ =	strace $0xD0000000  }
0x3: {  	_ = 	snop  }
0x4: {  	_ = 	snop  }
0x5: {  	_ = 	snop  }
0x6: {  	_ = 	snop  }
0x7: {  	_ = 	snop  }
__scs_overlays_trampoline_lowered:
0x8: {  	[smem:$0x3FAA] =	sst s0  }
0x9: {  	[smem:$0x3FAB] =	sst s1  }
0xa: {  	[smem:$0x3FAC] =	sst s2  }
0xb: {  	[smem:$0x3FAD] =	sst s3  }
0xc: {  	[smem:$0x3FAE] =	sst s4  }
0xd: {  	[smem:$0x3FAF] =	sst s5  }
0xe: {  	[smem:$0x3FB0] =	sst s6  }
0xf: {  	[smem:$0x3FB1] =	sst s7  }
0x10: {  	[smem:$0x3FB2] =	sst s8  }
0x11: {  	[smem:$0x3FB3] =	sst s9;
	s0 =	simm.s32 @!p0 $0x0  }
0x12: {  	s1 =	sld [smem:$0x3F99];
	s0 =	simm.s32 @p0 $0x1  }
0x13: {  	[smem:$0x3FB4] =	sst s0;
	s0 =	simm.s32 @!p1 $0x0  }
0x14: {  	s2 =	sld [smem:$0x3F98];
	s0 =	simm.s32 @p1 $0x1  }
0x15: {  	[smem:$0x3FB5] =	sst s0;
	s0 =	simm.s32 @!p2 $0x0  }
0x16: {  	s3 =	sld [smem:$0x3FDB];
	s0 =	simm.s32 @p2 $0x1  }
0x17: {  	s4 =	simm.s32 $0x1BF5;
	[smem:$0x3FB7] =	sst s0  }
0x18: {  	s0 =	sld [smem:$0x3F9A];
	_ =	swait.ge [sflag:s4], $0x0  }
0x19: {  	s7 =	sld [smem:$0x3F9B]  }
0x1a: {  	s8 =	sadd.s32 $0xFFFFE003, lr  }
0x1b: {  	s9 =	sadd.s32 $0xFFFFFEF7, lr;
	s5 =	simm.s32 $0xFFFFFFFF;
	p2 =	slt.u32 s8, $0xFFFFF086  }
0x1c: {  	p1 =	slt.u32 s9, $0xF7A;
	s5 =	simm.s32 @!p2 $0x0  }
0x1d: {  	s5 =	simm.s32 @p1 $0x1;
	p0 =	seq.s32 s7, s2  }
0x1e: {  	s7 =	smul.u32 @!p0 $0xF7A, s2;
	p2 =	seq.s32 @!p0 s5, $0x0  }
0x1f: {  	s9 =	smul.u32 $0xF7A, s1;
	s8 =	simm.s32 @!p0 $0x1BF5;
	p2 =	por !p2, p0  }
0x20: {  	[sflag:s8] =	ssyncset.s32 @!p0 $0xFFFFF086;
	s6 =	sadd.s32 @!p0 s3, s7;
	s7 =	simm.s32 @!p0 $0x108  }
0x21: {  	s3 =	sadd.s32 s3, s9;
	s6 =	sadd.s32 @!p0 $0x88, s6;
	s7 =	simm.s32 @p2 $0x1082  }
0x22: {  	[simem:s7], [sflag:s8] =	dma.local @!p0 [hbm:s6], $0xF7A  }
0x23: {  	s9 =	sor.u32 $0xD0000000, s2;
	s6 =	simm.s32 $0x108;
	_ =	swait.ge @!p0 [sflag:s8], $0x0  }
0x24: {  	s3 =	sadd.s32 $0x88, s3;
	s6 =	simm.s32 @!p1 $0x1082;
	[sflag:s4] =	ssyncset.s32 $0xFFFFF086  }
0x25: {  	[simem:s6], [sflag:s4] =	dma.local [hbm:s3], $0xF7A  }
0x26: {  	[smem:$0x3F9B] =	sst s1;
	(tag) =	ssettag s2;
	_ =	strace s9  }
0x27: {  	s1 =	sld [smem:$0x3FAB]  }
0x28: {  	s2 =	sld [smem:$0x3FAC]  }
0x29: {  	s4 =	sld [smem:$0x3FAE]  }
0x2a: {  	p0 =	seq.s32 s5, $0x0;
	s5 =	sld [smem:$0x3FAF]  }
0x2b: {  	s6 =	sld [smem:$0x3FB0]  }
0x2c: {  	s7 =	sld [smem:$0x3FB1]  }
0x2d: {  	s3 =	simm.s32 $0x108;
	s8 =	sld [smem:$0x3FB2]  }
0x2e: {  	s3 =	simm.s32 @!p0 $0x1082;
	s9 =	sld [smem:$0x3FB3]  }
0x2f: {  	lr =	sadd.s32 s0, s3;
	s0 =	sld [smem:$0x3FAA]  }
0x30: {  	s3 =	sld [smem:$0x3FAD]  }
0x31: {  	[smem:$0x3FB6] =	sst s10  }
0x32: {  	s10 =	sld [smem:$0x3FB4];
	_ =	sdelay $0x3  }
0x33: {  	p0 =	seq.s32 s10, $0x1;
	s10 =	sld [smem:$0x3FB6];
	_ =	sdelay $0x3  }
0x34: {  	[smem:$0x3FB6] =	sst s10  }
0x35: {  	s10 =	sld [smem:$0x3FB5];
	_ =	sdelay $0x3  }
0x36: {  	p1 =	seq.s32 s10, $0x1;
	s10 =	sld [smem:$0x3FB6];
	_ =	sdelay $0x3  }
0x37: {  	[smem:$0x3FB6] =	sst s10  }
0x38: {  	s10 =	sld [smem:$0x3FB7]  }
0x39: {  	_ = 	snop;
	(pc) =	sbr.ind lr, $3  }
0x3a: {  	_ = 	snop  }
0x3b: {  	_ = 	snop  }
0x3c: {  	p2 =	seq.s32 s10, $0x1;
	s10 =	sld [smem:$0x3FB6]  }
0x3d: {  	_ =	shalt  }
0x3e: {  	_ =	shalt  }
0x3f: {  	_ =	shalt  }
0x40: {  	_ =	shalt  }
0x41: {  	_ =	shalt  }
0x42: {  	_ =	shalt  }
0x43: {  	_ =	shalt  }
0x44: {  	_ =	shalt  }
0x45: {  	_ =	shalt  }
0x46: {  	_ =	shalt  }
0x47: {  	_ =	shalt  }
0x48: {  	_ =	shalt  }
0x49: {  	_ =	shalt  }
0x4a: {  	_ =	shalt  }
0x4b: {  	_ =	shalt  }
0x4c: {  	_ =	shalt  }
0x4d: {  	_ =	shalt  }
0x4e: {  	_ =	shalt  }
0x4f: {  	_ =	shalt  }
0x50: {  	_ =	shalt  }
0x51: {  	_ =	shalt  }
0x52: {  	_ =	shalt  }
0x53: {  	_ =	shalt  }
0x54: {  	_ =	shalt  }
0x55: {  	_ =	shalt  }
0x56: {  	_ =	shalt  }
0x57: {  	_ =	shalt  }
0x58: {  	_ =	shalt  }
0x59: {  	_ =	shalt  }
0x5a: {  	_ =	shalt  }
0x5b: {  	_ =	shalt  }
0x5c: {  	_ =	shalt  }
0x5d: {  	_ =	shalt  }
0x5e: {  	_ =	shalt  }
0x5f: {  	_ =	shalt  }
0x60: {  	_ =	shalt  }
0x61: {  	_ =	shalt  }
0x62: {  	_ =	shalt  }
0x63: {  	_ =	shalt  }
0x64: {  	_ =	shalt  }
0x65: {  	_ =	shalt  }
0x66: {  	_ =	shalt  }
0x67: {  	_ =	shalt  }
0x68: {  	_ =	shalt  }
0x69: {  	_ =	shalt  }
0x6a: {  	_ =	shalt  }
0x6b: {  	_ =	shalt  }
0x6c: {  	_ =	shalt  }
0x6d: {  	_ =	shalt  }
0x6e: {  	_ =	shalt  }
0x6f: {  	_ =	shalt  }
0x70: {  	_ =	shalt  }
0x71: {  	_ =	shalt  }
0x72: {  	_ =	shalt  }
0x73: {  	_ =	shalt  }
0x74: {  	_ =	shalt  }
0x75: {  	_ =	shalt  }
0x76: {  	_ =	shalt  }
0x77: {  	_ =	shalt  }
0x78: {  	_ =	shalt  }
0x79: {  	_ =	shalt  }
0x7a: {  	_ =	shalt  }
0x7b: {  	_ =	shalt  }
0x7c: {  	_ =	shalt  }
0x7d: {  	_ =	shalt  }
0x7e: {  	_ =	shalt  }
0x7f: {  	_ =	shalt  }
0x80: {  	_ =	shalt  }
0x81: {  	_ =	shalt  }
0x82: {  	_ =	shalt  }
0x83: {  	_ =	shalt  }
0x84: {  	_ =	shalt  }
0x85: {  	_ =	shalt  }
0x86: {  	_ =	shalt  }
0x87: {  	_ =	shalt  }
.Lfunc_end0:
.L_simem_size_0:
called_computation_lowered:
.L_overlay_start_0:
0x88: {  	s2 =	sld [smem:$0x3FD9]  }
0x89: {  	s3 =	sld [smem:$0x3FFE];
	_ =	sdelay $0x1  }
0x8a: {  	s1 =	srdreg.scid  }
0x8b: {  	s0 =	sand.u32 $0x1, s1  }
0x8c: {  	s17 =	sshll.u32 s0, $0xA;
	s2 =	sadd.s32 s3, s2  }
0x8d: {  	s2 =	sadd.s32 s2, s17  }
0x8e: {  	[smem:$0x3FC2] =	sst s2  }
0x8f: {  	_ = 	snop  }
0x90: {  	s2 =	sld [smem:$0x3FD0];
	(tm) =	ssettm $0x1  }
0x91: {  	s18 =	sld [smem:$0x3FFB];
	_ =	sdelay $0x3  }
0x92: {  	_ =	strace s18  }
0x93: {  	s3 =	sld [smem:$0x3FFC];
	_ =	sdelay $0x3  }
0x94: {  	_ =	strace s3  }
0x95: {  	s3 =	sld [smem:$0x3FFD];
	_ =	sdelay $0x3  }
0x96: {  	_ =	strace s3  }
0x97: {  	_ =	strace $0x8FFFFFFF  }
0x98: {  	s19 =	sld [smem:$0x3FDB];
	_ =	sdelay $0x1  }
0x99: {  	s4 =	simm.s32 $_scs_section_size  }
0x9a: {  	s5 =	simm.s32 $_size__tile_overlayer_lowered;
	s6 =	simm.s32 $_tile_overlayer_lowered  }
0x9b: {  	s22 =	simm.s32 $0x1BFF;
	s21 =	sshll.u32 s6, $0x1;
	s3 =	sadd.s32 s4, s19  }
0x9c: {  	s7 =	simm.s32 $0x0;
	s20 =	sshll.u32 s5, $0x1;
	s5 =	sadd.s32 s21, s3  }
0x9d: {  	[timem:s7], [sflag:s22] =	dma.local [hbm:s5], s20  }
0x9e: {  	_ =	swait.ge [sflag:s22], s20  }
0x9f: {  	s4 =	ssub.s32 $0x0, s20;
	[sflag:s22] =	ssyncset.done $0x0  }
0xa0: {  	[sflag:s22] =	ssyncadd.s32 s4;
	_ =	sdelay $0x1  }
0xa1: {  	s23 =	simm.s32 $0x1B8B  }
0xa2: {  	_ =	swait.ge [sflag:s23], $0x1  }
0xa3: {  	[sflag:s23] =	ssyncset.done $0x0  }
0xa4: {  	s25 =	simm.s32 $0x1B8E;
	s24 =	sld [smem:$0x3FFE];
	[sflag:s23] =	ssyncadd.s32 $0xFFFFFFFF  }
0xa5: {  	s26 =	simm.s32 $execute0_lowered;
	[smem:$0x3FD2] =	sst s25  }
0xa6: {  	s5 =	sshll.u32 s26, $0x1;
	_ =	strace $0x80000046;
	[dreg:$0x1] =	wrdreg $0xFFFFFFFF  }
0xa7: {  	s28 =	simm.s32 $_size_execute0_lowered;
	s3 =	sadd.s32 s3, s5;
	[dreg:$0x0] =	wrdreg $0x0  }
0xa8: {  	s5 =	sshll.u32 s28, $0x1;
	[dreg:$0x2] =	wrdreg s3  }
0xa9: {  	[dreg:$0x3] =	wrdreg s5  }
0xaa: {  	[dreg:$0x4] =	wrdreg $0xC0  }
0xab: {  	_ =	task [dreg:s7], $0x5FFFF  }
0xac: {  	[dreg:$0x1] =	wrdreg $0xFFFFFFFF  }
0xad: {  	[dreg:$0x0] =	wrdreg $0x60  }
0xae: {  	[dreg:$0x2] =	wrdreg s24  }
0xaf: {  	[dreg:$0x3] =	wrdreg s2  }
0xb0: {  	[dreg:$0x4] =	wrdreg $0x0  }
0xb1: {  	[dreg:$0x5] =	wrdreg $0x9  }
0xb2: {  	_ =	task.clear_ibuf [dreg:s7], $0x6FFFF;
	_ =	strace $0x90000046  }
0xb3: {  	s29 =	simm.s32 $0x9;
	_ =	strace $0x80000048  }
0xb4: {  	_ =	swait.ge [sflag:s29], $0x1  }
0xb5: {  	[sflag:s29] =	ssyncadd.s32 $0xFFFFFFFF  }
0xb6: {  	_ =	strace $0x90000048  }
0xb7: {  	_ =	sfence  }
0xb8: {  	s30 =	sld [smem:$0x0];
	_ =	sdelay $0x2  }
0xb9: {  	s31 =	sshll.u32 s1, $0xD;
	s1 =	sshrl.u32 s1, $0x2  }
0xba: {  	s3 =	sand.u32 $0x4000, s31;
	s1 =	sadd.s32 s1, s30  }
0xbb: {  	s0 =	sor.u32 s3, s0;
	s1 =	sshll.u32 s1, $0x11  }
0xbc: {  	s0 =	sor.u32 s1, s0  }
0xbd: {  	s0 =	sadd.s32 $0x8F2B, s0  }
0xbe: {  	[sflag:s0] =	ssyncadd.remote.s32 $0x1  }
0xbf: {  	_ =	sfence.sel $0xFFFF  }
0xc0: {  	[dreg:$0x0] =	wrdreg $0xFFFFFFFF;
	(pc) =	sbr.abs _section_cstart, $3  }
0xc1: {  	[dreg:$0x1] =	wrdreg $0xFFFFFFFF  }
0xc2: {  	_ =	task.clear_ibuf [dreg:s7], $0x2FFFF;
	_ =	strace $0x9FFFFFFF  }
0xc3: {  	(tm) =	ssettm $0x7FFFFFFF  }
tec
execute0_lowered:
.L_overlay_start_1:
0x0: {  	(tag) =	ssettag $0x1  }
0x1: {  	s5 =	rddreg [dreg:$0x0]  }
0x2: {  	s8 =	rddreg [dreg:$0x1]  }
0x3: {  	s1 =	rddreg [dreg:$0x2]  }
0x4: {  	s0 =	rddreg [dreg:$0x3];
	s2 =	simm.s32 $0x0  }
0x5: {  	s21 =	stileid.u32;
	s4 =	srdreg.scid;
	s16 =	simm.s32 $0x16080  }
0x6: {  	s17 =	simm.s32 $0x13880;
	s18 =	simm.s32 $0x50;
	s3 =	smul.u32 $0x4E2, s21  }
0x7: {  	s19 =	simm.s32 $0x16000;
	[smem:$0x7FF] =	sst s2;
	s7 =	smul.u32 $0x4E000, s21  }
0x8: {  	s10 =	sand.u32 $0x1, s4;
	s4 =	sadd.s32 $0xE000, s5;
	s12 =	smul.u32 $0x2700, s21  }
0x9: {  	s31 =	sshll.u32 s21, $0x6;
	s20 =	sadd.s32 $0x138000, s1;
	p0 =	sne.s32 s21, $0x0  }
0xa: {  	p2 =	seq.s32 s21, $0x0;
	s21 =	simm.s32 $0x0;
	_ =	strace $0x80000047  }
0xb: {  	s6 =	ssub.s32 $0x2, s10;
	p1 =	seq.s32 s10, $0x1;
	s15 =	sshrl.u32 @!p0 s20, $0x3  }
0xc: {  	s20 =	sshrl.u32 s20, $0x3;
	s9 =	sadd.s32 s3, s5;
	s3 =	sadd.s32 $0xDA00, s5  }
.Ltmp0:
0xd: {  	s5 =	sadd.s32 $0x35200, s5;
	s11 =	sshrl.u32 s6, $0x1;
	(pc) =	sbr.rel .LBB2_1-.Ltmp0, $4  }
0xe: {  	s30 =	sshrl.u32 s7, $0x2;
	s7 =	sor.u32 $0x1C01, s31;
	s10 =	sadd.s32 s4, s12  }
0xf: {  	s13 =	ssub.s32 s6, s11;
	s14 =	sadd.s32 s30, s1;
	s6 =	sadd.s32 s8, s12  }
0x10: {  	s8 =	sadd.s32 $0x27000, s8;
	s9 =	sadd.s32 $0x8A00, s9;
	s11 =	sadd.s32 s5, s12  }
0x11: {  	s12 =	smax.u32 s13, $0x1;
	s13 =	sshrl.u32 s14, $0x3;
	s14 =	simm.s32 $0x1  }
.LBB2_6:
0x12: {  	s22 =	sadd.s32 $0x27000, s22  }
0x13: {  	[hbm:s22], [sflag:s7] =	dma.local [spmem:s20], $0x100  }
0x14: {  	_ =	swait.ge [sflag:s14], $0x100  }
0x15: {  	[sflag:s14] =	ssyncset.done $0x0  }
0x16: {  	[sflag:s14] =	ssyncadd.s32 $0xFFFFFF00  }
.LBB2_7:
0x17: {  	s21 =	sadd.s32 $0x1, s21  }
0x18: {  	p3 =	sne.s32 s21, s12  }
.Ltmp1:
0x19: {  	_ = 	snop;
	(pc) =	sbr.rel @!p3 .LBB2_8-.Ltmp1, $1  }
0x1a: {  	_ =	sdelay $0x3  }
.LBB2_1:
0x1b: {  	[spmem:s13], [sflag:s7] =	dma.local [hbm:s6], $0x2700  }
0x1c: {  	_ =	swait.ge [sflag:s14], $0x2700  }
0x1d: {  	[sflag:s14] =	ssyncset.done $0x0  }
0x1e: {  	s22 =	simm.s32 @!p0 $0x1;
	[sflag:s14] =	ssyncadd.s32 $0xFFFFD900  }
0x1f: {  	[spmem:s15], [sflag:s7] =	dma.local @!p0 [hbm:s8], $0x100  }
0x20: {  	_ =	swait.ge @!p0 [sflag:s22], $0x100  }
0x21: {  	[sflag:s22] =	ssyncset.done @!p0 $0x0  }
0x22: {  	[sflag:s22] =	ssyncadd.s32 @!p0 $0xFFFFFF00  }
0x23: {  	[tilespmem:s16], [sflag:$0x1] =	stream.linear.gather [hbm4b:s3+s2], $0x2800, $0x38;
	[tilespmem:$0x18880] =	vst v63  }
0x24: {  	_ =	swait.ge [sflag:s14], $0x2800  }
0x25: {  	[sflag:s14] =	ssyncset.done $0x0  }
0x26: {  	[sflag:s14] =	ssyncadd.s32 $0xFFFFD800  }
0x27: {  	[tilespmem:s17], [sflag:$0x1] =	stream.linear.gather [hbm4b:s9+s2], $0x2710, $0x38;
	[tilespmem:$0x18880] =	vst v63  }
0x28: {  	_ =	swait.ge [sflag:s14], $0x2710  }
0x29: {  	[sflag:s14] =	ssyncset.done $0x0  }
0x2a: {  	[sflag:s14] =	ssyncadd.s32 $0xFFFFD8F0  }
0x2b: {  	s31 =	simm.s32 $0x0;
	[bflag:$0x0] =	sbarrier.arrive $0xFFFF  }
0x2c: {  	v0 =	vld [tilespmem:s31+$0x13880];
	_ =	sdelay $0x4  }
0x2d: {  	[tilespmem:$0x16000] =	vst v0  }
0x2e: {  	v0 =	vld [tilespmem:s31+$0x13890];
	_ =	sdelay $0x4  }
0x2f: {  	[tilespmem:$0x16010] =	vst v0  }
0x30: {  	v0 =	vld [tilespmem:s31+$0x138A0];
	_ =	sdelay $0x4  }
0x31: {  	[tilespmem:$0x16020] =	vst v0  }
0x32: {  	v0 =	vld [tilespmem:s31+$0x138B0];
	_ =	sdelay $0x4  }
0x33: {  	[tilespmem:$0x16030] =	vst v0  }
0x34: {  	v0 =	vld [tilespmem:s31+$0x138C0];
	_ =	sdelay $0x4  }
0x35: {  	[tilespmem:$0x16040] =	vst v0  }
0x36: {  	[spmem:s1] =	stream.indirect.scatter.add.f32 [tilespmem:s16], [sflag:$0x1], $0x80, s19, s18, $0xb8;
	[tilespmem:$0x18880] =	vst v63  }
0x37: {  	_ =	swait.ge [sflag:s14], $0x2800  }
0x38: {  	s23 =	simm.s32 $0x280;
	s22 =	simm.s32 $0x140;
	[sflag:s14] =	ssyncset.done $0x0  }
.LBB2_2:
0x39: {  	s24 =	sshra.s32 s22, $0x2  }
0x3a: {  	[sflag:s14] =	ssyncadd.s32 $0xFFFFD800;
	s22 =	smov.u32 s23;
	s25 =	sadd.s32 $0x140, s23  }
0x3b: {  	p3 =	sne.s32 s23, $0x9B00;
	v0 =	vld [tilespmem:s24+$0x13880];
	_ =	sdelay $0x4  }
0x3c: {  	[tilespmem:$0x16000] =	vst v0  }
0x3d: {  	v0 =	vld [tilespmem:s24+$0x13890];
	_ =	sdelay $0x4  }
0x3e: {  	[tilespmem:$0x16010] =	vst v0  }
0x3f: {  	v0 =	vld [tilespmem:s24+$0x138A0];
	_ =	sdelay $0x4  }
0x40: {  	[tilespmem:$0x16020] =	vst v0  }
0x41: {  	v0 =	vld [tilespmem:s24+$0x138B0];
	_ =	sdelay $0x4  }
0x42: {  	[tilespmem:$0x16030] =	vst v0  }
0x43: {  	v0 =	vld [tilespmem:s24+$0x138C0];
	_ =	sdelay $0x3  }
.Ltmp2:
0x44: {  	(pc) =	sbr.rel @p3 .LBB2_2-.Ltmp2, $4  }
0x45: {  	[tilespmem:$0x16040] =	vst v0  }
0x46: {  	[spmem:s1] =	stream.indirect.scatter.add.f32 [tilespmem:s16], [sflag:$0x1], $0x80, s19, s18, $0xb8;
	[tilespmem:$0x18880] =	vst v63  }
0x47: {  	_ =	swait.ge [sflag:s14], $0x2800  }
0x48: {  	s23 =	smov.u32 s25;
	[sflag:s14] =	ssyncset.done $0x0  }
0x49: {  	s22 =	sshra.s32 s22, $0x2;
	[sflag:s14] =	ssyncadd.s32 $0xFFFFD800  }
0x4a: {  	v0 =	vld [tilespmem:s22+$0x13880];
	_ =	sdelay $0x4  }
0x4b: {  	[tilespmem:$0x16000] =	vst v0  }
0x4c: {  	v0 =	vld [tilespmem:s22+$0x13890];
	_ =	sdelay $0x4  }
0x4d: {  	[tilespmem:$0x16010] =	vst v0  }
0x4e: {  	v0 =	vld [tilespmem:s22+$0x138A0];
	_ =	sdelay $0x4  }
0x4f: {  	[tilespmem:$0x16020] =	vst v0  }
0x50: {  	v0 =	vld [tilespmem:s22+$0x138B0];
	_ =	sdelay $0x4  }
0x51: {  	[tilespmem:$0x16030] =	vst v0  }
0x52: {  	v0 =	vld [tilespmem:s22+$0x138C0];
	_ =	sdelay $0x4  }
0x53: {  	[tilespmem:$0x16040] =	vst v0  }
0x54: {  	[spmem:s1] =	stream.indirect.scatter.add.f32 [tilespmem:s16], [sflag:$0x1], $0x80, s19, s18, $0xb8;
	[tilespmem:$0x18880] =	vst v63  }
.Ltmp3:
0x55: {  	_ =	swait.ge [sflag:s14], $0x2800;
	(pc) =	sbr.rel @!p1 .LBB2_4-.Ltmp3, $3  }
0x56: {  	[sflag:s14] =	ssyncset.done $0x0  }
0x57: {  	[sflag:s14] =	ssyncadd.s32 $0xFFFFD800  }
0x58: {  	[bflag:$0x0] =	sbarrier.arrive $0xFFFF;
	_ =	sdelay $0x1  }
0x59: {  	[hbm:s11], [sflag:s7] =	dma.local [spmem:s13], $0x2700  }
.Ltmp4:
0x5a: {  	_ = 	snop;
	(pc) =	sbr.rel @p0 .LBB2_7-.Ltmp4, $4  }
.Ltmp5:
0x5b: {  	_ = 	snop;
	(pc) =	sbr.rel @!p0 .LBB2_6-.Ltmp5, $4  }
0x5c: {  	_ =	swait.ge [sflag:s14], $0x2700  }
0x5d: {  	[sflag:s14] =	ssyncset.done $0x0  }
0x5e: {  	s22 =	smov.u32 s5;
	[sflag:s14] =	ssyncadd.s32 $0xFFFFD900  }
0x5f: {  	_ = 	snop  }
.LBB2_4:
0x60: {  	[hbm:s10], [sflag:s7] =	dma.local [spmem:s13], $0x2700  }
.Ltmp6:
0x61: {  	_ = 	snop;
	(pc) =	sbr.rel @!p2 .LBB2_7-.Ltmp6, $4  }
.Ltmp7:
0x62: {  	_ = 	snop;
	(pc) =	sbr.rel @p2 .LBB2_6-.Ltmp7, $4  }
0x63: {  	_ =	swait.ge [sflag:s14], $0x2700  }
0x64: {  	[sflag:s14] =	ssyncset.done $0x0  }
0x65: {  	s22 =	smov.u32 s4;
	[sflag:s14] =	ssyncadd.s32 $0xFFFFD900  }
0x66: {  	_ = 	snop  }
.LBB2_8:
0x67: {  	_ =	sfence.sel $0x180000  }
0x68: {  	[bflag:$0x0] =	sbarrier.arrive $0xFFFF  }
0x69: {  	_ =	strace $0x90000047  }
0x6a: {  	s0 =	sadd.s32 @!p0 $0x100000, s0;
	[bflag:$0x2] =	sbarrier.arrive $0xFFFF  }
0x6b: {  	[sflag:s0] =	ssyncadd.tile.s32 @!p0 $0x1;
	_ =	shalt  }
.Lfunc_end2:
_tile_overlayer_lowered:
.L_overlay_start_2:
0x6c: {  	(tag) =	ssettag $0x2  }
0x6d: {  	s0 =	rddreg [dreg:$0x0];
	s2 =	stileid.u32  }
0x6e: {  	s1 =	rddreg [dreg:$0x1];
	p0 =	sne.s32 s2, $0x0  }
0x6f: {  	s3 =	rddreg [dreg:$0x2];
	[bflag:$0x3] =	sbarrier.arrive $0xFFFF;
	s2 =	simm.s32 @!p0 $0x1C01  }
0x70: {  	[timem:s3], [sflag:s2] =	dma.local @!p0 [hbm:s0], s1  }
0x71: {  	s0 =	simm.s32 @!p0 $0x1  }
0x72: {  	_ =	swait.ge @!p0 [sflag:s0], s1  }
0x73: {  	s1 =	ssub.s32 @!p0 $0x0, s1;
	[sflag:s0] =	ssyncset.done @!p0 $0x0  }
0x74: {  	[sflag:s0] =	ssyncadd.s32 @!p0 s1  }
0x75: {  	[bflag:$0x3] =	sbarrier.arrive $0xFFFF  }
0x76: {  	_ =	shalt  }

</sc_bundles>
